<compile_context>
chip_gen: v7x
topology: tpu7x:2x2x1
jax: 0.10.2.dev20260603
libtpu: 0.0.44.dev20260713+nightly
codegen_flags: <defaults>
</compile_context>

<pallas_src>
import functools

import jax
import jax.numpy as jnp
from jax import lax
from jax.experimental import pallas as pl
from jax.experimental.pallas import tpu as pltpu
from jax.experimental.pallas import tpu_sc as plsc

NC = 2
NS = 16
NW = NC * NS


def _fill(ref, value, n):
    def body(i, _):
        ref[pl.ds(pl.multiple_of(i * 16, 16), 16)] = jnp.full(
            (16,), value, jnp.float32)
        return 0
    lax.fori_loop(0, n // 16, body, 0)


def _fill2d(ref, value, rows, cols):
    def body(i, _):
        r = i // (cols // 16)
        q = pl.multiple_of((i % (cols // 16)) * 16, 16)
        ref[r, pl.ds(q, 16)] = jnp.full((16,), value, jnp.float32)
        return 0
    lax.fori_loop(0, rows * (cols // 16), body, 0)


def _make_sc_kernels(n_pad, ec, fh, n_out):
    nslice = n_pad // NS
    ect = NW * ec
    mesh = plsc.VectorSubcoreMesh(core_axis_name="c", subcore_axis_name="s")
    sc_params = pltpu.CompilerParams(
        use_tc_tiling_on_sc=False, needs_layout_passes=False)
    sds = jax.ShapeDtypeStruct

    @functools.partial(
        pl.kernel,
        out_type=(sds((n_pad,), jnp.float32), sds((n_pad,), jnp.float32)),
        mesh=mesh,
        compiler_params=sc_params,
        scratch_types=[
            pltpu.VMEM((ec, 128), jnp.int32),
            pltpu.VMEM((128,), jnp.float32),
            pltpu.VMEM((nslice,), jnp.float32),
            pltpu.VMEM_SHARED((n_pad,), jnp.float32),
            pltpu.SemaphoreType.DMA,
        ],
    )
    def deg_kernel(ei_hbm, out_a, out_b, dst_v, ones_v, buf_v, acc_sh, sem):
        c = lax.axis_index("c")
        s = lax.axis_index("s")
        gid = c * NS + s
        _fill(ones_v, 1.0, 128)
        _fill(buf_v, 0.0, nslice)
        pltpu.sync_copy(buf_v, acc_sh.at[pl.ds(s * nslice, nslice)])
        plsc.subcore_barrier()
        pltpu.sync_copy(ei_hbm.at[pl.ds(ect + gid * ec, ec)], dst_v)

        def fire(i, _):
            pltpu.async_copy(ones_v, acc_sh.at[dst_v.at[i]], sem, add=True)
            return 0
        lax.fori_loop(0, ec, fire, 0)

        def drain(i, _):
            pltpu.make_async_copy(ones_v, acc_sh.at[dst_v.at[i]], sem).wait()
            return 0
        lax.fori_loop(0, ec, drain, 0)
        plsc.subcore_barrier()
        pltpu.sync_copy(acc_sh.at[pl.ds(s * nslice, nslice)], buf_v)

        @pl.when(c == 0)
        def _():
            pltpu.sync_copy(buf_v, out_a.at[pl.ds(s * nslice, nslice)])

        @pl.when(c == 1)
        def _():
            pltpu.sync_copy(buf_v, out_b.at[pl.ds(s * nslice, nslice)])

    nb = 5
    assert ec % nb == 0

    @functools.partial(
        pl.kernel,
        out_type=(sds((n_pad, fh), jnp.float32), sds((n_pad, fh), jnp.float32)),
        mesh=mesh,
        compiler_params=sc_params,
        scratch_types=[
            pltpu.VMEM_SHARED((n_pad, fh), jnp.float32),
            pltpu.VMEM_SHARED((n_pad, fh), jnp.float32),
        ] + [pltpu.VMEM((128, fh), jnp.float32) for _ in range(nb)]
          + [pltpu.VMEM((1, 128), jnp.int32) for _ in range(2 * nb)]
          + [pltpu.SemaphoreType.DMA for _ in range(4 * nb)],
    )
    def agg1_kernel(u_hbm, ei_hbm, out_a, out_b,
                    u_sh, acc_sh, *rest):
        rows = rest[:nb]
        srcr = rest[nb:2 * nb]
        dstr = rest[2 * nb:3 * nb]
        gsem = rest[3 * nb:4 * nb]
        ssem = rest[4 * nb:5 * nb]
        srcsem = rest[5 * nb:6 * nb]
        dstsem = rest[6 * nb:7 * nb]
        c = lax.axis_index("c")
        s = lax.axis_index("s")
        gid = c * NS + s

        def src_load(b, j):
            pltpu.async_copy(ei_hbm.at[pl.ds(gid * ec + j, 1)], srcr[b],
                             srcsem[b])

        def src_wait(b):
            pltpu.make_async_copy(ei_hbm.at[pl.ds(gid * ec, 1)], srcr[b],
                                  srcsem[b]).wait()

        def dst_load(b, j):
            pltpu.async_copy(ei_hbm.at[pl.ds(ect + gid * ec + j, 1)], dstr[b],
                             dstsem[b])

        def dst_wait(b):
            pltpu.make_async_copy(ei_hbm.at[pl.ds(ect, 1)], dstr[b],
                                  dstsem[b]).wait()

        pltpu.sync_copy(u_hbm.at[pl.ds(s * nslice, nslice)],
                        u_sh.at[pl.ds(s * nslice, nslice)])
        _fill2d(rows[0], 0.0, 128, fh)

        def zero(k, _):
            pltpu.sync_copy(rows[0], acc_sh.at[pl.ds(s * nslice + k * 128, 128)])
            return 0
        lax.fori_loop(0, nslice // 128, zero, 0)
        plsc.subcore_barrier()

        def gather(b, j):
            pltpu.async_copy(u_sh.at[srcr[b].at[0]], rows[b], gsem[b])

        for b in range(nb):
            src_load(b, b)
            dst_load(b, b)
        for b in range(nb):
            src_wait(b)
            gather(b, b)

        def round_body(r, _):
            for b in range(nb):
                j = r * nb + b
                pltpu.make_async_copy(
                    u_sh.at[srcr[b].at[0]], rows[b], gsem[b]).wait()

                @pl.when(j + nb < ec)
                def _(b=b, j=j):
                    src_load(b, j + nb)
                dst_wait(b)
                pltpu.async_copy(
                    rows[b], acc_sh.at[dstr[b].at[0]], ssem[b], add=True)
            for b in range(nb):
                j = r * nb + b

                @pl.when(j + nb < ec)
                def _(b=b, j=j):
                    pltpu.make_async_copy(
                        rows[b], acc_sh.at[dstr[b].at[0]], ssem[b]).wait()
                    dst_load(b, j + nb)
                    src_wait(b)
                    gather(b, j + nb)
            return 0
        lax.fori_loop(0, ec // nb, round_body, 0)
        for b in range(nb):
            pltpu.make_async_copy(
                rows[b], acc_sh.at[dstr[b].at[0]], ssem[b]).wait()
        plsc.subcore_barrier()

        def wb(k, _):
            pltpu.sync_copy(acc_sh.at[pl.ds(s * nslice + k * 128, 128)], rows[0])

            @pl.when(c == 0)
            def _():
                pltpu.sync_copy(
                    rows[0], out_a.at[pl.ds(s * nslice + k * 128, 128)])

            @pl.when(c == 1)
            def _():
                pltpu.sync_copy(
                    rows[0], out_b.at[pl.ds(s * nslice + k * 128, 128)])
            return 0
        lax.fori_loop(0, nslice // 128, wb, 0)

    @functools.partial(
        pl.kernel,
        out_type=(sds((n_pad,), jnp.float32), sds((n_pad,), jnp.float32)),
        mesh=mesh,
        compiler_params=sc_params,
        scratch_types=[
            pltpu.VMEM((ec, 128), jnp.int32),
            pltpu.VMEM((ec, 128), jnp.int32),
            pltpu.VMEM((ec, 128), jnp.float32),
            pltpu.VMEM((n_pad,), jnp.float32),
            pltpu.VMEM((nslice,), jnp.float32),
            pltpu.VMEM_SHARED((n_pad,), jnp.float32),
            pltpu.VMEM_SHARED((n_pad,), jnp.float32),
            pltpu.SemaphoreType.DMA,
        ],
    )
    def agg2_kernel(t_hbm, ei_hbm, out_a, out_b,
                    src_v, dst_v, vals_v, t_local, buf_v, t_sh, acc_sh, sem):
        c = lax.axis_index("c")
        s = lax.axis_index("s")
        gid = c * NS + s
        _fill(buf_v, 0.0, nslice)
        pltpu.sync_copy(buf_v, acc_sh.at[pl.ds(s * nslice, nslice)])
        pltpu.sync_copy(t_hbm.at[pl.ds(s * nslice, nslice)],
                        t_sh.at[pl.ds(s * nslice, nslice)])
        pltpu.sync_copy(ei_hbm.at[pl.ds(gid * ec, ec)], src_v)
        pltpu.sync_copy(ei_hbm.at[pl.ds(ect + gid * ec, ec)], dst_v)
        plsc.subcore_barrier()
        pltpu.sync_copy(t_sh, t_local)

        def gather_body(i, _):
            j = i // 8
            q = pl.multiple_of((i % 8) * 16, 16)
            idx = src_v[j, pl.ds(q, 16)]
            vals_v[j, pl.ds(q, 16)] = plsc.load_gather(t_local, [idx])
            return 0
        lax.fori_loop(0, ec * 8, gather_body, 0)

        def fire(i, _):
            pltpu.async_copy(vals_v.at[i], acc_sh.at[dst_v.at[i]], sem, add=True)
            return 0
        lax.fori_loop(0, ec, fire, 0)

        def drain(i, _):
            pltpu.make_async_copy(vals_v.at[i], acc_sh.at[dst_v.at[i]], sem).wait()
            return 0
        lax.fori_loop(0, ec, drain, 0)
        plsc.subcore_barrier()
        pltpu.sync_copy(acc_sh.at[pl.ds(s * nslice, nslice)], buf_v)

        @pl.when(c == 0)
        def _():
            pltpu.sync_copy(buf_v, out_a.at[pl.ds(s * nslice, nslice)])

        @pl.when(c == 1)
        def _():
            pltpu.sync_copy(buf_v, out_b.at[pl.ds(s * nslice, nslice)])

    opt = 256
    last = n_out - (NW - 1) * opt
    assert 0 < last <= opt and last % 8 == 0 and n_out <= NW * opt

    @functools.partial(
        pl.kernel,
        out_type=sds((n_out,), jnp.float32),
        mesh=mesh,
        compiler_params=sc_params,
        scratch_types=[
            pltpu.VMEM((nslice,), jnp.float32),
            pltpu.VMEM((nslice,), jnp.float32),
            pltpu.VMEM((nslice,), jnp.float32),
            pltpu.VMEM((nslice,), jnp.float32),
            pltpu.VMEM((16,), jnp.float32),
            pltpu.VMEM((2, 128), jnp.int32),
            pltpu.VMEM((opt,), jnp.float32),
            pltpu.VMEM_SHARED((n_pad,), jnp.float32),
            pltpu.SemaphoreType.DMA,
        ],
    )
    def fin_kernel(acca_hbm, accb_hbm, t_hbm, d_hbm, b2_hbm, out_hbm,
                   va, vb, vt, vd, vb2, idx_v, og_v, h2_sh, sem):
        c = lax.axis_index("c")
        s = lax.axis_index("s")
        base = s * nslice
        pltpu.sync_copy(acca_hbm.at[pl.ds(base, nslice)], va)
        pltpu.sync_copy(accb_hbm.at[pl.ds(base, nslice)], vb)
        pltpu.sync_copy(t_hbm.at[pl.ds(base, nslice)], vt)
        pltpu.sync_copy(d_hbm.at[pl.ds(base, nslice)], vd)
        pltpu.sync_copy(b2_hbm, vb2)

        def comp(i, _):
            q = pl.ds(pl.multiple_of(i * 16, 16), 16)
            va[q] = jnp.maximum((va[q] + vb[q] + vt[q]) * vd[q] + vb2[...],
                                0.0)
            return 0
        lax.fori_loop(0, nslice // 16, comp, 0)
        pltpu.sync_copy(va, h2_sh.at[pl.ds(base, nslice)])
        plsc.subcore_barrier()

        gid = c * NS + s
        obase = gid * opt

        def mkidx(i, _):
            io = lax.iota(jnp.int32, 16) + (obase + i * 16)
            qd = io // 12
            node = jnp.minimum(qd * 15 + 3 + (io - qd * 12), n_pad - 1)
            idx_v[i // 8, pl.ds(pl.multiple_of((i % 8) * 16, 16), 16)] = node
            return 0
        lax.fori_loop(0, opt // 16, mkidx, 0)
        for k in range(opt // 128):
            pltpu.async_copy(h2_sh.at[idx_v.at[k]],
                             og_v.at[pl.ds(k * 128, 128)], sem)
        for k in range(opt // 128):
            pltpu.make_async_copy(h2_sh.at[idx_v.at[k]],
                                  og_v.at[pl.ds(k * 128, 128)], sem).wait()

        @pl.when(gid < NW - 1)
        def _():
            pltpu.sync_copy(og_v, out_hbm.at[pl.ds(obase, opt)])

        @pl.when(gid == NW - 1)
        def _():
            pltpu.sync_copy(og_v.at[pl.ds(0, last)],
                            out_hbm.at[pl.ds(obase, last)])

    return deg_kernel, agg1_kernel, agg2_kernel, fin_kernel


def kernel(obs, edge_index, W1, b1, W2, b2):
    n, fin = obs.shape
    fh = W1.shape[1]
    e = edge_index.shape[1]

    n_pad = ((n + NS * 128 - 1) // (NS * 128)) * (NS * 128)
    e_pad = ((e + NW * 1024 - 1) // (NW * 1024)) * (NW * 1024)
    ec = e_pad // NW // 128
    rows128 = n_pad // 128

    ei2d = jnp.pad(edge_index.astype(jnp.int32), ((0, 0), (0, e_pad - e)),
                   constant_values=n).reshape(2 * (e_pad // 128), 128)
    obs_p = jnp.pad(obs, ((0, n_pad - n), (0, 0)))

    n_out = (n // 15) * 12
    deg_kernel, agg1_kernel, agg2_kernel, fin_kernel = _make_sc_kernels(
        n_pad, ec, fh, n_out)

    dega, degb = deg_kernel(ei2d)

    def _mm(obs_ref, w1_ref, xw_ref):
        xw_ref[...] = jnp.dot(obs_ref[...].astype(jnp.bfloat16),
                              w1_ref[...].astype(jnp.bfloat16),
                              preferred_element_type=jnp.float32)

    xw = pl.pallas_call(
        _mm,
        out_shape=jax.ShapeDtypeStruct((n_pad, fh), jnp.float32),
    )(obs_p, W1)

    def _scale(xw_ref, dega_ref, degb_ref, u_ref, d_ref):
        deg = dega_ref[...] + degb_ref[...] + 1.0
        d = lax.rsqrt(deg)
        u3 = jnp.reshape(xw_ref[...], (rows128, 128, fh)) * d[:, :, None]
        u_ref[...] = jnp.reshape(u3, (n_pad, fh))
        d_ref[...] = d

    u, dmat = pl.pallas_call(
        _scale,
        out_shape=(jax.ShapeDtypeStruct((n_pad, fh), jnp.float32),
                   jax.ShapeDtypeStruct((rows128, 128), jnp.float32)),
    )(xw, dega.reshape(rows128, 128), degb.reshape(rows128, 128))

    acc1a, acc1b = agg1_kernel(u, ei2d)

    def _mid(acca_ref, accb_ref, u_ref, d_ref, b1_ref, w2_ref, t_ref):
        d = d_ref[...]
        acc3 = jnp.reshape(
            acca_ref[...] + accb_ref[...] + u_ref[...], (rows128, 128, fh))
        h1 = jnp.maximum(acc3 * d[:, :, None] + b1_ref[...], 0.0)
        h1b = h1.astype(jnp.bfloat16).astype(jnp.float32)
        w2b = w2_ref[...].astype(jnp.bfloat16).astype(jnp.float32)
        t_ref[...] = jnp.sum(h1b * w2b, axis=2) * d

    t = pl.pallas_call(
        _mid,
        out_shape=jax.ShapeDtypeStruct((rows128, 128), jnp.float32),
    )(acc1a, acc1b, u, dmat, b1.reshape(1, 1, fh), W2.reshape(1, 1, fh))

    acc2a, acc2b = agg2_kernel(t.reshape(n_pad), ei2d)

    return fin_kernel(acc2a, acc2b, t.reshape(n_pad), dmat.reshape(n_pad),
                      jnp.broadcast_to(b2, (16,)))

# --- scband reference (transcript-rebuilt; emitter-appended) ---
"""Pipeline reference for scband-gconv-n-61512521613335 (READ-ONLY COPY).

The authoritative reference and input builder live on the scoring server;
editing this copy changes nothing except your own understanding.
"""

import jax, jax.numpy as jnp
import numpy as np

N_NODES = 9990


def gcn_conv(x, edge_index, W, b, num_nodes):
    # x' = D^{-1/2} (A + I) D^{-1/2} X W + b  (PyG GCNConv semantics)
    x = x @ W
    src = edge_index[0]
    dst = edge_index[1]
    loop = jnp.arange(num_nodes, dtype=src.dtype)
    src = jnp.concatenate([src, loop])
    dst = jnp.concatenate([dst, loop])
    deg = jnp.zeros((num_nodes,), dtype=x.dtype).at[dst].add(1.0)
    deg_inv_sqrt = jnp.where(deg > 0, deg ** -0.5, 0.0)
    norm = deg_inv_sqrt[src] * deg_inv_sqrt[dst]
    msg = x[src] * norm[:, None]
    out = jnp.zeros((num_nodes, x.shape[1]), dtype=x.dtype).at[dst].add(msg)
    return out + b


def setup_inputs(seed: int = 0) -> dict:
    key = jax.random.key(seed)
    k1, k2, k3, k4, k5, k6 = jax.random.split(key, 6)
    obs = jax.random.normal(k1, (N_NODES, 128), dtype=jnp.float32)
    edge_index = jax.random.randint(k2, (2, 319680), 0, N_NODES, dtype=jnp.int64)
    W1 = jax.random.normal(k3, (128, 64), dtype=jnp.float32) * (1.0 / np.sqrt(128))
    b1 = jnp.zeros((64,), dtype=jnp.float32)
    W2 = jax.random.normal(k4, (64, 1), dtype=jnp.float32) * (1.0 / np.sqrt(64))
    b2 = jnp.zeros((1,), dtype=jnp.float32)
    return {"obs": obs, "edge_index": edge_index, "W1": W1, "b1": b1, "W2": W2, "b2": b2}


def reference(obs, edge_index, W1, b1, W2, b2):
    num_nodes = obs.shape[0]
    h1 = jax.nn.relu(gcn_conv(obs, edge_index, W1, b1, num_nodes))
    h2 = jax.nn.relu(gcn_conv(h1, edge_index, W2, b2, num_nodes))
    output = h2.reshape(-1, 15)[:, 3:].reshape(-1)
    output = jnp.ravel(output)
    return output

if __name__ == "__main__":
    import jax
    _d = setup_inputs()
    print(jax.jit(kernel)(*tuple(_d.values())))

</pallas_src>

<mosaic_0001>
#map = affine_map<(d0, d1) -> (0, 0)>
#map1 = affine_map<(d0, d1) -> (0)>
module attributes {stable_mosaic.version = 14 : i64} {
  func.func @deg_kernel(%arg0: i32, %arg1: i32, %arg2: memref<5120x128xi32, #tpu.memory_space<hbm>>, %arg3: memref<10240xf32, #tpu.memory_space<hbm>>, %arg4: memref<10240xf32, #tpu.memory_space<hbm>>, %arg5: memref<80x128xi32, #tpu.memory_space<vmem>>, %arg6: memref<128xf32, #tpu.memory_space<vmem>>, %arg7: memref<640xf32, #tpu.memory_space<vmem>>, %arg8: memref<10240xf32, #tpu.memory_space<vmem_shared>>, %arg9: memref<!tpu.dma_semaphore, #tpu.memory_space<semaphore_mem>>) attributes {dimension_semantics = [#tpu.dimension_semantics<core_parallel>, #tpu.dimension_semantics<subcore_parallel>], iteration_bounds = array<i64: 2, 16>, scalar_prefetch = 0 : i64, scratch_operands = 5 : i64, tpu.core_type = #tpu.core_type<sc_vector_subcore>, window_params = [{transform_indices = #map}, {transform_indices = #map1}, {transform_indices = #map1}]} {
    %mul3A = arith.constant 16 : i32
    %mul3A_0 = arith.muli %arg0, %mul3A : i32
    %add3A = arith.addi %mul3A_0, %arg1 : i32
    %scan3A = arith.constant 0 : i32
    %scan3A_1 = arith.constant 0 : i32
    %scan3A_2 = arith.constant 8 : i32
    %scan3A_3 = arith.addi %scan3A_1, %scan3A_2 : i32
    %scan3A_4 = arith.constant 1 : i32
    %scan3A_5 = scf.for %scan3A_44 = %scan3A_1 to %scan3A_3 step %scan3A_4 iter_args(%scan3A_45 = %scan3A) -> (i32)  : i32 {
      %broadcast_in_dim3A = arith.constant 1.000000e+00 : f32
      %broadcast_in_dim3A_46 = vector.broadcast %broadcast_in_dim3A : f32 to vector<16xf32>
      %mul3A_47 = arith.constant 16 : i32
      %mul3A_48 = arith.muli %scan3A_44, %mul3A_47 : i32
      %multiple_of3A = tpu.assume_multiple %mul3A_48, 16 : i32
      %swap3A = arith.index_cast %multiple_of3A : i32 to index
      %swap3A_49 = tpu.vector_load %arg6[%swap3A] {strides = array<i32>} : memref<128xf32, #tpu.memory_space<vmem>>, vector<16xf32>,
      tpu.vector_store %arg6[%swap3A], %broadcast_in_dim3A_46 {strides = array<i32>} : memref<128xf32, #tpu.memory_space<vmem>>, vector<16xf32>,
      %scan3A_50 = arith.constant 0 : i32
      scf.yield %scan3A_50 : i32
    }
    %scan3A_6 = arith.constant 8 : i32
    %scan3A_7 = arith.constant 0 : i32
    %scan3A_8 = arith.constant 0 : i32
    %scan3A_9 = arith.constant 40 : i32
    %scan3A_10 = arith.addi %scan3A_8, %scan3A_9 : i32
    %scan3A_11 = arith.constant 1 : i32
    %scan3A_12 = scf.for %scan3A_44 = %scan3A_8 to %scan3A_10 step %scan3A_11 iter_args(%scan3A_45 = %scan3A_7) -> (i32)  : i32 {
      %broadcast_in_dim3A = arith.constant 0.000000e+00 : f32
      %broadcast_in_dim3A_46 = vector.broadcast %broadcast_in_dim3A : f32 to vector<16xf32>
      %mul3A_47 = arith.constant 16 : i32
      %mul3A_48 = arith.muli %scan3A_44, %mul3A_47 : i32
      %multiple_of3A = tpu.assume_multiple %mul3A_48, 16 : i32
      %swap3A = arith.index_cast %multiple_of3A : i32 to index
      %swap3A_49 = tpu.vector_load %arg7[%swap3A] {strides = array<i32>} : memref<640xf32, #tpu.memory_space<vmem>>, vector<16xf32>,
      tpu.vector_store %arg7[%swap3A], %broadcast_in_dim3A_46 {strides = array<i32>} : memref<640xf32, #tpu.memory_space<vmem>>, vector<16xf32>,
      %scan3A_50 = arith.constant 0 : i32
      scf.yield %scan3A_50 : i32
    }
    %scan3A_13 = arith.constant 40 : i32
    %mul3A_14 = arith.constant 640 : i32
    %mul3A_15 = arith.muli %arg1, %mul3A_14 : i32
    "tpu.region"() ({
      %run_scoped3A = tpu.sem_alloc : memref<!tpu.dma_semaphore, #tpu.memory_space<semaphore_mem>>
      %dma_start3A = tpu.memref_slice %arg8[%mul3A_15] : memref<10240xf32, #tpu.memory_space<vmem_shared>> -> memref<640xf32, #tpu.memory_space<vmem_shared>>
      %dma_start3A_44 = tpu.memref_slice %arg8[%mul3A_15] : memref<10240xf32, #tpu.memory_space<vmem_shared>> -> memref<640xf32, #tpu.memory_space<vmem_shared>>
      tpu.enqueue_dma source(%arg7 : memref<640xf32, #tpu.memory_space<vmem>>) target(%dma_start3A_44 : memref<640xf32, #tpu.memory_space<vmem_shared>>) target_semaphore(%run_scoped3A : memref<!tpu.dma_semaphore, #tpu.memory_space<semaphore_mem>>)
      %dma_wait3A = tpu.memref_slice %arg8[%mul3A_15] : memref<10240xf32, #tpu.memory_space<vmem_shared>> -> memref<640xf32, #tpu.memory_space<vmem_shared>>
      %dma_wait3A_45 = tpu.memref_slice %arg8[%mul3A_15] : memref<10240xf32, #tpu.memory_space<vmem_shared>> -> memref<640xf32, #tpu.memory_space<vmem_shared>>
      tpu.wait_dma2 semaphore(%run_scoped3A : memref<!tpu.dma_semaphore, #tpu.memory_space<semaphore_mem>>) src(%arg7 : memref<640xf32, #tpu.memory_space<vmem>>) dst(%dma_wait3A_45 : memref<640xf32, #tpu.memory_space<vmem_shared>>)
      tpu.yield
    }) : () -> ()
    %barrier3A = arith.constant 0 : index
    tpu.barrier barrier_id(%barrier3A)
    %mul3A_16 = arith.constant 80 : i32
    %mul3A_17 = arith.muli %add3A, %mul3A_16 : i32
    %add3A_18 = arith.constant 2560 : i32
    %add3A_19 = arith.addi %add3A_18, %mul3A_17 : i32
    "tpu.region"() ({
      %run_scoped3A = tpu.sem_alloc : memref<!tpu.dma_semaphore, #tpu.memory_space<semaphore_mem>>
      %dma_start3A = arith.constant 0 : i32
      %dma_start3A_44 = tpu.memref_slice %arg2[%add3A_19, %dma_start3A] : memref<5120x128xi32, #tpu.memory_space<hbm>> -> memref<80x128xi32, #tpu.memory_space<hbm>>
      %dma_start3A_45 = arith.constant 0 : i32
      %dma_start3A_46 = tpu.memref_slice %arg2[%add3A_19, %dma_start3A_45] : memref<5120x128xi32, #tpu.memory_space<hbm>> -> memref<80x128xi32, #tpu.memory_space<hbm>>
      tpu.enqueue_dma source(%dma_start3A_46 : memref<80x128xi32, #tpu.memory_space<hbm>>) target(%arg5 : memref<80x128xi32, #tpu.memory_space<vmem>>) target_semaphore(%run_scoped3A : memref<!tpu.dma_semaphore, #tpu.memory_space<semaphore_mem>>)
      %dma_wait3A = arith.constant 0 : i32
      %dma_wait3A_47 = tpu.memref_slice %arg2[%add3A_19, %dma_wait3A] : memref<5120x128xi32, #tpu.memory_space<hbm>> -> memref<80x128xi32, #tpu.memory_space<hbm>>
      %dma_wait3A_48 = arith.constant 0 : i32
      %dma_wait3A_49 = tpu.memref_slice %arg2[%add3A_19, %dma_wait3A_48] : memref<5120x128xi32, #tpu.memory_space<hbm>> -> memref<80x128xi32, #tpu.memory_space<hbm>>
      tpu.wait_dma2 semaphore(%run_scoped3A : memref<!tpu.dma_semaphore, #tpu.memory_space<semaphore_mem>>) src(%dma_wait3A_49 : memref<80x128xi32, #tpu.memory_space<hbm>>) dst(%arg5 : memref<80x128xi32, #tpu.memory_space<vmem>>)
      tpu.yield
    }) : () -> ()
    %scan3A_20 = arith.constant 0 : i32
    %scan3A_21 = arith.constant 0 : i32
    %scan3A_22 = arith.constant 80 : i32
    %scan3A_23 = arith.addi %scan3A_21, %scan3A_22 : i32
    %scan3A_24 = arith.constant 1 : i32
    %scan3A_25 = scf.for %scan3A_44 = %scan3A_21 to %scan3A_23 step %scan3A_24 iter_args(%scan3A_45 = %scan3A_20) -> (i32)  : i32 {
      %dma_start3A = arith.constant 0 : i32
      %dma_start3A_46 = tpu.memref_slice %arg5[%scan3A_44, %dma_start3A] : memref<80x128xi32, #tpu.memory_space<vmem>> -> memref<1x128xi32, #tpu.memory_space<vmem>>
      %dma_start3A_47 = tpu.memref_squeeze %dma_start3A_46 : memref<1x128xi32, #tpu.memory_space<vmem>> -> memref<128xi32, #tpu.memory_space<vmem>>
      %dma_start3A_48 = arith.constant 0 : i32
      %dma_start3A_49 = tpu.memref_slice %arg8[%dma_start3A_48] : memref<10240xf32, #tpu.memory_space<vmem_shared>> -> memref<10240xf32, #tpu.memory_space<vmem_shared>>
      tpu.enqueue_indirect_dma source(%arg6 : memref<128xf32, #tpu.memory_space<vmem>>) target(%dma_start3A_49 : memref<10240xf32, #tpu.memory_space<vmem_shared>>) offsets(%dma_start3A_47 : memref<128xi32, #tpu.memory_space<vmem>>) semaphore(%arg9 : memref<!tpu.dma_semaphore, #tpu.memory_space<semaphore_mem>>) {add = true}
      %scan3A_50 = arith.constant 0 : i32
      scf.yield %scan3A_50 : i32
    }
    %scan3A_26 = arith.constant 80 : i32
    %scan3A_27 = arith.constant 0 : i32
    %scan3A_28 = arith.constant 0 : i32
    %scan3A_29 = arith.constant 80 : i32
    %scan3A_30 = arith.addi %scan3A_28, %scan3A_29 : i32
    %scan3A_31 = arith.constant 1 : i32
    %scan3A_32 = scf.for %scan3A_44 = %scan3A_28 to %scan3A_30 step %scan3A_31 iter_args(%scan3A_45 = %scan3A_27) -> (i32)  : i32 {
      %dma_wait3A = arith.constant 0 : i32
      %dma_wait3A_46 = tpu.memref_slice %arg5[%scan3A_44, %dma_wait3A] : memref<80x128xi32, #tpu.memory_space<vmem>> -> memref<1x128xi32, #tpu.memory_space<vmem>>
      %dma_wait3A_47 = tpu.memref_squeeze %dma_wait3A_46 : memref<1x128xi32, #tpu.memory_space<vmem>> -> memref<128xi32, #tpu.memory_space<vmem>>
      %dma_wait3A_48 = arith.constant 0 : i32
      %dma_wait3A_49 = tpu.memref_slice %arg8[%dma_wait3A_48] : memref<10240xf32, #tpu.memory_space<vmem_shared>> -> memref<10240xf32, #tpu.memory_space<vmem_shared>>
      tpu.wait_indirect_dma semaphore(%arg9 : memref<!tpu.dma_semaphore, #tpu.memory_space<semaphore_mem>>) src(%arg6 : memref<128xf32, #tpu.memory_space<vmem>>) dst(%dma_wait3A_49 : memref<10240xf32, #tpu.memory_space<vmem_shared>>)
      %scan3A_50 = arith.constant 0 : i32
      scf.yield %scan3A_50 : i32
    }
    %scan3A_33 = arith.constant 80 : i32
    %barrier3A_34 = arith.constant 0 : index
    tpu.barrier barrier_id(%barrier3A_34)
    %mul3A_35 = arith.constant 640 : i32
    %mul3A_36 = arith.muli %arg1, %mul3A_35 : i32
    "tpu.region"() ({
      %run_scoped3A = tpu.sem_alloc : memref<!tpu.dma_semaphore, #tpu.memory_space<semaphore_mem>>
      %dma_start3A = tpu.memref_slice %arg8[%mul3A_36] : memref<10240xf32, #tpu.memory_space<vmem_shared>> -> memref<640xf32, #tpu.memory_space<vmem_shared>>
      %dma_start3A_44 = tpu.memref_slice %arg8[%mul3A_36] : memref<10240xf32, #tpu.memory_space<vmem_shared>> -> memref<640xf32, #tpu.memory_space<vmem_shared>>
      tpu.enqueue_dma source(%dma_start3A_44 : memref<640xf32, #tpu.memory_space<vmem_shared>>) target(%arg7 : memref<640xf32, #tpu.memory_space<vmem>>) target_semaphore(%run_scoped3A : memref<!tpu.dma_semaphore, #tpu.memory_space<semaphore_mem>>)
      %dma_wait3A = tpu.memref_slice %arg8[%mul3A_36] : memref<10240xf32, #tpu.memory_space<vmem_shared>> -> memref<640xf32, #tpu.memory_space<vmem_shared>>
      %dma_wait3A_45 = tpu.memref_slice %arg8[%mul3A_36] : memref<10240xf32, #tpu.memory_space<vmem_shared>> -> memref<640xf32, #tpu.memory_space<vmem_shared>>
      tpu.wait_dma2 semaphore(%run_scoped3A : memref<!tpu.dma_semaphore, #tpu.memory_space<semaphore_mem>>) src(%dma_wait3A_45 : memref<640xf32, #tpu.memory_space<vmem_shared>>) dst(%arg7 : memref<640xf32, #tpu.memory_space<vmem>>)
      tpu.yield
    }) : () -> ()
    %eq3A = arith.constant 0 : i32
    %eq3A_37 = arith.cmpi eq, %arg0, %eq3A : i32
    %convert_element_type3A = arith.extui %eq3A_37 : i1 to i32
    %cond3A = arith.constant 0 : i32
    %cond3A_38 = arith.cmpi ne, %convert_element_type3A, %cond3A : i32
    scf.if %cond3A_38 {
      %mul3A_44 = arith.constant 640 : i32
      %mul3A_45 = arith.muli %arg1, %mul3A_44 : i32
      "tpu.region"() ({
        %run_scoped3A = tpu.sem_alloc : memref<!tpu.dma_semaphore, #tpu.memory_space<semaphore_mem>>
        %dma_start3A = tpu.memref_slice %arg3[%mul3A_45] : memref<10240xf32, #tpu.memory_space<hbm>> -> memref<640xf32, #tpu.memory_space<hbm>>
        %dma_start3A_46 = tpu.memref_slice %arg3[%mul3A_45] : memref<10240xf32, #tpu.memory_space<hbm>> -> memref<640xf32, #tpu.memory_space<hbm>>
        tpu.enqueue_dma source(%arg7 : memref<640xf32, #tpu.memory_space<vmem>>) target(%dma_start3A_46 : memref<640xf32, #tpu.memory_space<hbm>>) target_semaphore(%run_scoped3A : memref<!tpu.dma_semaphore, #tpu.memory_space<semaphore_mem>>)
        %dma_wait3A = tpu.memref_slice %arg3[%mul3A_45] : memref<10240xf32, #tpu.memory_space<hbm>> -> memref<640xf32, #tpu.memory_space<hbm>>
        %dma_wait3A_47 = tpu.memref_slice %arg3[%mul3A_45] : memref<10240xf32, #tpu.memory_space<hbm>> -> memref<640xf32, #tpu.memory_space<hbm>>
        tpu.wait_dma2 semaphore(%run_scoped3A : memref<!tpu.dma_semaphore, #tpu.memory_space<semaphore_mem>>) src(%arg7 : memref<640xf32, #tpu.memory_space<vmem>>) dst(%dma_wait3A_47 : memref<640xf32, #tpu.memory_space<hbm>>)
        tpu.yield
      }) : () -> ()
    } else {
    }
    %eq3A_39 = arith.constant 1 : i32
    %eq3A_40 = arith.cmpi eq, %arg0, %eq3A_39 : i32
    %convert_element_type3A_41 = arith.extui %eq3A_40 : i1 to i32
    %cond3A_42 = arith.constant 0 : i32
    %cond3A_43 = arith.cmpi ne, %convert_element_type3A_41, %cond3A_42 : i32
    scf.if %cond3A_43 {
      %mul3A_44 = arith.constant 640 : i32
      %mul3A_45 = arith.muli %arg1, %mul3A_44 : i32
      "tpu.region"() ({
        %run_scoped3A = tpu.sem_alloc : memref<!tpu.dma_semaphore, #tpu.memory_space<semaphore_mem>>
        %dma_start3A = tpu.memref_slice %arg4[%mul3A_45] : memref<10240xf32, #tpu.memory_space<hbm>> -> memref<640xf32, #tpu.memory_space<hbm>>
        %dma_start3A_46 = tpu.memref_slice %arg4[%mul3A_45] : memref<10240xf32, #tpu.memory_space<hbm>> -> memref<640xf32, #tpu.memory_space<hbm>>
        tpu.enqueue_dma source(%arg7 : memref<640xf32, #tpu.memory_space<vmem>>) target(%dma_start3A_46 : memref<640xf32, #tpu.memory_space<hbm>>) target_semaphore(%run_scoped3A : memref<!tpu.dma_semaphore, #tpu.memory_space<semaphore_mem>>)
        %dma_wait3A = tpu.memref_slice %arg4[%mul3A_45] : memref<10240xf32, #tpu.memory_space<hbm>> -> memref<640xf32, #tpu.memory_space<hbm>>
        %dma_wait3A_47 = tpu.memref_slice %arg4[%mul3A_45] : memref<10240xf32, #tpu.memory_space<hbm>> -> memref<640xf32, #tpu.memory_space<hbm>>
        tpu.wait_dma2 semaphore(%run_scoped3A : memref<!tpu.dma_semaphore, #tpu.memory_space<semaphore_mem>>) src(%arg7 : memref<640xf32, #tpu.memory_space<vmem>>) dst(%dma_wait3A_47 : memref<640xf32, #tpu.memory_space<hbm>>)
        tpu.yield
      }) : () -> ()
    } else {
    }
    return
  }
}

#map = affine_map<(d0, d1) -> (0)>
#map1 = affine_map<(d0, d1) -> (0, 0)>
module attributes {stable_mosaic.version = 14 : i64} {
  func.func @agg2_kernel(%arg0: i32, %arg1: i32, %arg2: memref<10240xf32, #tpu.memory_space<hbm>>, %arg3: memref<5120x128xi32, #tpu.memory_space<hbm>>, %arg4: memref<10240xf32, #tpu.memory_space<hbm>>, %arg5: memref<10240xf32, #tpu.memory_space<hbm>>, %arg6: memref<80x128xi32, #tpu.memory_space<vmem>>, %arg7: memref<80x128xi32, #tpu.memory_space<vmem>>, %arg8: memref<80x128xf32, #tpu.memory_space<vmem>>, %arg9: memref<10240xf32, #tpu.memory_space<vmem>>, %arg10: memref<640xf32, #tpu.memory_space<vmem>>, %arg11: memref<10240xf32, #tpu.memory_space<vmem_shared>>, %arg12: memref<10240xf32, #tpu.memory_space<vmem_shared>>, %arg13: memref<!tpu.dma_semaphore, #tpu.memory_space<semaphore_mem>>) attributes {dimension_semantics = [#tpu.dimension_semantics<core_parallel>, #tpu.dimension_semantics<subcore_parallel>], iteration_bounds = array<i64: 2, 16>, scalar_prefetch = 0 : i64, scratch_operands = 8 : i64, tpu.core_type = #tpu.core_type<sc_vector_subcore>, window_params = [{transform_indices = #map}, {transform_indices = #map1}, {transform_indices = #map}, {transform_indices = #map}]} {
    %mul3A = arith.constant 16 : i32
    %mul3A_0 = arith.muli %arg0, %mul3A : i32
    %add3A = arith.addi %mul3A_0, %arg1 : i32
    %scan3A = arith.constant 0 : i32
    %scan3A_1 = arith.constant 0 : i32
    %scan3A_2 = arith.constant 40 : i32
    %scan3A_3 = arith.addi %scan3A_1, %scan3A_2 : i32
    %scan3A_4 = arith.constant 1 : i32
    %scan3A_5 = scf.for %scan3A_50 = %scan3A_1 to %scan3A_3 step %scan3A_4 iter_args(%scan3A_51 = %scan3A) -> (i32)  : i32 {
      %broadcast_in_dim3A = arith.constant 0.000000e+00 : f32
      %broadcast_in_dim3A_52 = vector.broadcast %broadcast_in_dim3A : f32 to vector<16xf32>
      %mul3A_53 = arith.constant 16 : i32
      %mul3A_54 = arith.muli %scan3A_50, %mul3A_53 : i32
      %multiple_of3A = tpu.assume_multiple %mul3A_54, 16 : i32
      %swap3A = arith.index_cast %multiple_of3A : i32 to index
      %swap3A_55 = tpu.vector_load %arg10[%swap3A] {strides = array<i32>} : memref<640xf32, #tpu.memory_space<vmem>>, vector<16xf32>,
      tpu.vector_store %arg10[%swap3A], %broadcast_in_dim3A_52 {strides = array<i32>} : memref<640xf32, #tpu.memory_space<vmem>>, vector<16xf32>,
      %scan3A_56 = arith.constant 0 : i32
      scf.yield %scan3A_56 : i32
    }
    %scan3A_6 = arith.constant 40 : i32
    %mul3A_7 = arith.constant 640 : i32
    %mul3A_8 = arith.muli %arg1, %mul3A_7 : i32
    "tpu.region"() ({
      %run_scoped3A = tpu.sem_alloc : memref<!tpu.dma_semaphore, #tpu.memory_space<semaphore_mem>>
      %dma_start3A = tpu.memref_slice %arg12[%mul3A_8] : memref<10240xf32, #tpu.memory_space<vmem_shared>> -> memref<640xf32, #tpu.memory_space<vmem_shared>>
      %dma_start3A_50 = tpu.memref_slice %arg12[%mul3A_8] : memref<10240xf32, #tpu.memory_space<vmem_shared>> -> memref<640xf32, #tpu.memory_space<vmem_shared>>
      tpu.enqueue_dma source(%arg10 : memref<640xf32, #tpu.memory_space<vmem>>) target(%dma_start3A_50 : memref<640xf32, #tpu.memory_space<vmem_shared>>) target_semaphore(%run_scoped3A : memref<!tpu.dma_semaphore, #tpu.memory_space<semaphore_mem>>)
      %dma_wait3A = tpu.memref_slice %arg12[%mul3A_8] : memref<10240xf32, #tpu.memory_space<vmem_shared>> -> memref<640xf32, #tpu.memory_space<vmem_shared>>
      %dma_wait3A_51 = tpu.memref_slice %arg12[%mul3A_8] : memref<10240xf32, #tpu.memory_space<vmem_shared>> -> memref<640xf32, #tpu.memory_space<vmem_shared>>
      tpu.wait_dma2 semaphore(%run_scoped3A : memref<!tpu.dma_semaphore, #tpu.memory_space<semaphore_mem>>) src(%arg10 : memref<640xf32, #tpu.memory_space<vmem>>) dst(%dma_wait3A_51 : memref<640xf32, #tpu.memory_space<vmem_shared>>)
      tpu.yield
    }) : () -> ()
    %mul3A_9 = arith.constant 640 : i32
    %mul3A_10 = arith.muli %arg1, %mul3A_9 : i32
    %mul3A_11 = arith.constant 640 : i32
    %mul3A_12 = arith.muli %arg1, %mul3A_11 : i32
    "tpu.region"() ({
      %run_scoped3A = tpu.sem_alloc : memref<!tpu.dma_semaphore, #tpu.memory_space<semaphore_mem>>
      %dma_start3A = tpu.memref_slice %arg11[%mul3A_12] : memref<10240xf32, #tpu.memory_space<vmem_shared>> -> memref<640xf32, #tpu.memory_space<vmem_shared>>
      %dma_start3A_50 = tpu.memref_slice %arg2[%mul3A_10] : memref<10240xf32, #tpu.memory_space<hbm>> -> memref<640xf32, #tpu.memory_space<hbm>>
      tpu.enqueue_dma source(%dma_start3A_50 : memref<640xf32, #tpu.memory_space<hbm>>) target(%dma_start3A : memref<640xf32, #tpu.memory_space<vmem_shared>>) target_semaphore(%run_scoped3A : memref<!tpu.dma_semaphore, #tpu.memory_space<semaphore_mem>>)
      %dma_wait3A = tpu.memref_slice %arg11[%mul3A_12] : memref<10240xf32, #tpu.memory_space<vmem_shared>> -> memref<640xf32, #tpu.memory_space<vmem_shared>>
      %dma_wait3A_51 = tpu.memref_slice %arg2[%mul3A_10] : memref<10240xf32, #tpu.memory_space<hbm>> -> memref<640xf32, #tpu.memory_space<hbm>>
      tpu.wait_dma2 semaphore(%run_scoped3A : memref<!tpu.dma_semaphore, #tpu.memory_space<semaphore_mem>>) src(%dma_wait3A_51 : memref<640xf32, #tpu.memory_space<hbm>>) dst(%dma_wait3A : memref<640xf32, #tpu.memory_space<vmem_shared>>)
      tpu.yield
    }) : () -> ()
    %mul3A_13 = arith.constant 80 : i32
    %mul3A_14 = arith.muli %add3A, %mul3A_13 : i32
    "tpu.region"() ({
      %run_scoped3A = tpu.sem_alloc : memref<!tpu.dma_semaphore, #tpu.memory_space<semaphore_mem>>
      %dma_start3A = arith.constant 0 : i32
      %dma_start3A_50 = tpu.memref_slice %arg3[%mul3A_14, %dma_start3A] : memref<5120x128xi32, #tpu.memory_space<hbm>> -> memref<80x128xi32, #tpu.memory_space<hbm>>
      %dma_start3A_51 = arith.constant 0 : i32
      %dma_start3A_52 = tpu.memref_slice %arg3[%mul3A_14, %dma_start3A_51] : memref<5120x128xi32, #tpu.memory_space<hbm>> -> memref<80x128xi32, #tpu.memory_space<hbm>>
      tpu.enqueue_dma source(%dma_start3A_52 : memref<80x128xi32, #tpu.memory_space<hbm>>) target(%arg6 : memref<80x128xi32, #tpu.memory_space<vmem>>) target_semaphore(%run_scoped3A : memref<!tpu.dma_semaphore, #tpu.memory_space<semaphore_mem>>)
      %dma_wait3A = arith.constant 0 : i32
      %dma_wait3A_53 = tpu.memref_slice %arg3[%mul3A_14, %dma_wait3A] : memref<5120x128xi32, #tpu.memory_space<hbm>> -> memref<80x128xi32, #tpu.memory_space<hbm>>
      %dma_wait3A_54 = arith.constant 0 : i32
      %dma_wait3A_55 = tpu.memref_slice %arg3[%mul3A_14, %dma_wait3A_54] : memref<5120x128xi32, #tpu.memory_space<hbm>> -> memref<80x128xi32, #tpu.memory_space<hbm>>
      tpu.wait_dma2 semaphore(%run_scoped3A : memref<!tpu.dma_semaphore, #tpu.memory_space<semaphore_mem>>) src(%dma_wait3A_55 : memref<80x128xi32, #tpu.memory_space<hbm>>) dst(%arg6 : memref<80x128xi32, #tpu.memory_space<vmem>>)
      tpu.yield
    }) : () -> ()
    %mul3A_15 = arith.constant 80 : i32
    %mul3A_16 = arith.muli %add3A, %mul3A_15 : i32
    %add3A_17 = arith.constant 2560 : i32
    %add3A_18 = arith.addi %add3A_17, %mul3A_16 : i32
    "tpu.region"() ({
      %run_scoped3A = tpu.sem_alloc : memref<!tpu.dma_semaphore, #tpu.memory_space<semaphore_mem>>
      %dma_start3A = arith.constant 0 : i32
      %dma_start3A_50 = tpu.memref_slice %arg3[%add3A_18, %dma_start3A] : memref<5120x128xi32, #tpu.memory_space<hbm>> -> memref<80x128xi32, #tpu.memory_space<hbm>>
      %dma_start3A_51 = arith.constant 0 : i32
      %dma_start3A_52 = tpu.memref_slice %arg3[%add3A_18, %dma_start3A_51] : memref<5120x128xi32, #tpu.memory_space<hbm>> -> memref<80x128xi32, #tpu.memory_space<hbm>>
      tpu.enqueue_dma source(%dma_start3A_52 : memref<80x128xi32, #tpu.memory_space<hbm>>) target(%arg7 : memref<80x128xi32, #tpu.memory_space<vmem>>) target_semaphore(%run_scoped3A : memref<!tpu.dma_semaphore, #tpu.memory_space<semaphore_mem>>)
      %dma_wait3A = arith.constant 0 : i32
      %dma_wait3A_53 = tpu.memref_slice %arg3[%add3A_18, %dma_wait3A] : memref<5120x128xi32, #tpu.memory_space<hbm>> -> memref<80x128xi32, #tpu.memory_space<hbm>>
      %dma_wait3A_54 = arith.constant 0 : i32
      %dma_wait3A_55 = tpu.memref_slice %arg3[%add3A_18, %dma_wait3A_54] : memref<5120x128xi32, #tpu.memory_space<hbm>> -> memref<80x128xi32, #tpu.memory_space<hbm>>
      tpu.wait_dma2 semaphore(%run_scoped3A : memref<!tpu.dma_semaphore, #tpu.memory_space<semaphore_mem>>) src(%dma_wait3A_55 : memref<80x128xi32, #tpu.memory_space<hbm>>) dst(%arg7 : memref<80x128xi32, #tpu.memory_space<vmem>>)
      tpu.yield
    }) : () -> ()
    %barrier3A = arith.constant 0 : index
    tpu.barrier barrier_id(%barrier3A)
    "tpu.region"() ({
      %run_scoped3A = tpu.sem_alloc : memref<!tpu.dma_semaphore, #tpu.memory_space<semaphore_mem>>
      tpu.enqueue_dma source(%arg11 : memref<10240xf32, #tpu.memory_space<vmem_shared>>) target(%arg9 : memref<10240xf32, #tpu.memory_space<vmem>>) target_semaphore(%run_scoped3A : memref<!tpu.dma_semaphore, #tpu.memory_space<semaphore_mem>>)
      tpu.wait_dma2 semaphore(%run_scoped3A : memref<!tpu.dma_semaphore, #tpu.memory_space<semaphore_mem>>) src(%arg11 : memref<10240xf32, #tpu.memory_space<vmem_shared>>) dst(%arg9 : memref<10240xf32, #tpu.memory_space<vmem>>)
      tpu.yield
    }) : () -> ()
    %scan3A_19 = arith.constant 0 : i32
    %scan3A_20 = arith.constant 0 : i32
    %scan3A_21 = arith.constant 640 : i32
    %scan3A_22 = arith.addi %scan3A_20, %scan3A_21 : i32
    %scan3A_23 = arith.constant 1 : i32
    %scan3A_24 = scf.for %scan3A_50 = %scan3A_20 to %scan3A_22 step %scan3A_23 iter_args(%scan3A_51 = %scan3A_19) -> (i32)  : i32 {
      %jit3A = arith.constant 8 : i32
      %div3A = arith.divsi %scan3A_50, %jit3A : i32
      %sign3A = arith.constant 0 : i32
      %sign3A_52 = arith.cmpi sgt, %scan3A_50, %sign3A : i32
      %sign3A_53 = arith.extui %sign3A_52 : i1 to i32
      %sign3A_54 = arith.constant 0 : i32
      %sign3A_55 = arith.cmpi slt, %scan3A_50, %sign3A_54 : i32
      %sign3A_56 = arith.extui %sign3A_55 : i1 to i32
      %sign3A_57 = arith.subi %sign3A_53, %sign3A_56 : i32
      %sign3A_58 = arith.constant 0 : i32
      %sign3A_59 = arith.cmpi sgt, %jit3A, %sign3A_58 : i32
      %sign3A_60 = arith.extui %sign3A_59 : i1 to i32
      %sign3A_61 = arith.constant 0 : i32
      %sign3A_62 = arith.cmpi slt, %jit3A, %sign3A_61 : i32
      %sign3A_63 = arith.extui %sign3A_62 : i1 to i32
      %sign3A_64 = arith.subi %sign3A_60, %sign3A_63 : i32
      %ne3A = arith.cmpi ne, %sign3A_57, %sign3A_64 : i32
      %rem3A = arith.remsi %scan3A_50, %jit3A : i32
      %ne3A_65 = arith.constant 0 : i32
      %ne3A_66 = arith.cmpi ne, %rem3A, %ne3A_65 : i32
      %and3A = arith.andi %ne3A, %ne3A_66 : i1
      %sub3A = arith.constant 1 : i32
      %sub3A_67 = arith.subi %div3A, %sub3A : i32
      %select_n3A = arith.select %and3A, %sub3A_67, %div3A : i32
      %jit3A_68 = arith.constant 8 : i32
      %eq3A_69 = arith.constant 0 : i32
      %eq3A_70 = arith.cmpi eq, %jit3A_68, %eq3A_69 : i32
      %jit3A_71 = arith.constant 1 : i32
      %select_n3A_72 = arith.select %eq3A_70, %jit3A_71, %jit3A_68 : i32
      %rem3A_73 = arith.remsi %scan3A_50, %select_n3A_72 : i32
      %ne3A_74 = arith.constant 0 : i32
      %ne3A_75 = arith.cmpi ne, %rem3A_73, %ne3A_74 : i32
      %lt3A = arith.constant 0 : i32
      %lt3A_76 = arith.cmpi slt, %rem3A_73, %lt3A : i32
      %lt3A_77 = arith.constant 0 : i32
      %lt3A_78 = arith.cmpi slt, %select_n3A_72, %lt3A_77 : i32
      %ne3A_79 = arith.xori %lt3A_76, %lt3A_78 : i1
      %and3A_80 = arith.andi %ne3A_79, %ne3A_75 : i1
      %add3A_81 = arith.addi %rem3A_73, %select_n3A_72 : i32
      %select_n3A_82 = arith.select %and3A_80, %add3A_81, %rem3A_73 : i32
      %mul3A_83 = arith.constant 16 : i32
      %mul3A_84 = arith.muli %select_n3A_82, %mul3A_83 : i32
      %multiple_of3A = tpu.assume_multiple %mul3A_84, 16 : i32
      %get3A = arith.index_cast %select_n3A : i32 to index
      %get3A_85 = arith.index_cast %multiple_of3A : i32 to index
      %get3A_86 = tpu.vector_load %arg6[%get3A, %get3A_85] {strides = array<i32>} : memref<80x128xi32, #tpu.memory_space<vmem>>, vector<16xi32>,
      %gather3A = tpu.vector_load_idx %arg9[%get3A_86] : memref<10240xf32, #tpu.memory_space<vmem>>[vector<16xi32>], vector<16xf32>,
      %swap3A = arith.index_cast %select_n3A : i32 to index
      %swap3A_87 = arith.index_cast %multiple_of3A : i32 to index
      %swap3A_88 = tpu.vector_load %arg8[%swap3A, %swap3A_87] {strides = array<i32>} : memref<80x128xf32, #tpu.memory_space<vmem>>, vector<16xf32>,
      tpu.vector_store %arg8[%swap3A, %swap3A_87], %gather3A {strides = array<i32>} : memref<80x128xf32, #tpu.memory_space<vmem>>, vector<16xf32>,
      %scan3A_89 = arith.constant 0 : i32
      scf.yield %scan3A_89 : i32
    }
    %scan3A_25 = arith.constant 640 : i32
    %scan3A_26 = arith.constant 0 : i32
    %scan3A_27 = arith.constant 0 : i32
    %scan3A_28 = arith.constant 80 : i32
    %scan3A_29 = arith.addi %scan3A_27, %scan3A_28 : i32
    %scan3A_30 = arith.constant 1 : i32
    %scan3A_31 = scf.for %scan3A_50 = %scan3A_27 to %scan3A_29 step %scan3A_30 iter_args(%scan3A_51 = %scan3A_26) -> (i32)  : i32 {
      %dma_start3A = arith.constant 0 : i32
      %dma_start3A_52 = tpu.memref_slice %arg8[%scan3A_50, %dma_start3A] : memref<80x128xf32, #tpu.memory_space<vmem>> -> memref<1x128xf32, #tpu.memory_space<vmem>>
      %dma_start3A_53 = tpu.memref_squeeze %dma_start3A_52 : memref<1x128xf32, #tpu.memory_space<vmem>> -> memref<128xf32, #tpu.memory_space<vmem>>
      %dma_start3A_54 = arith.constant 0 : i32
      %dma_start3A_55 = tpu.memref_slice %arg7[%scan3A_50, %dma_start3A_54] : memref<80x128xi32, #tpu.memory_space<vmem>> -> memref<1x128xi32, #tpu.memory_space<vmem>>
      %dma_start3A_56 = tpu.memref_squeeze %dma_start3A_55 : memref<1x128xi32, #tpu.memory_space<vmem>> -> memref<128xi32, #tpu.memory_space<vmem>>
      %dma_start3A_57 = arith.constant 0 : i32
      %dma_start3A_58 = tpu.memref_slice %arg12[%dma_start3A_57] : memref<10240xf32, #tpu.memory_space<vmem_shared>> -> memref<10240xf32, #tpu.memory_space<vmem_shared>>
      tpu.enqueue_indirect_dma source(%dma_start3A_53 : memref<128xf32, #tpu.memory_space<vmem>>) target(%dma_start3A_58 : memref<10240xf32, #tpu.memory_space<vmem_shared>>) offsets(%dma_start3A_56 : memref<128xi32, #tpu.memory_space<vmem>>) semaphore(%arg13 : memref<!tpu.dma_semaphore, #tpu.memory_space<semaphore_mem>>) {add = true}
      %scan3A_59 = arith.constant 0 : i32
      scf.yield %scan3A_59 : i32
    }
    %scan3A_32 = arith.constant 80 : i32
    %scan3A_33 = arith.constant 0 : i32
    %scan3A_34 = arith.constant 0 : i32
    %scan3A_35 = arith.constant 80 : i32
    %scan3A_36 = arith.addi %scan3A_34, %scan3A_35 : i32
    %scan3A_37 = arith.constant 1 : i32
    %scan3A_38 = scf.for %scan3A_50 = %scan3A_34 to %scan3A_36 step %scan3A_37 iter_args(%scan3A_51 = %scan3A_33) -> (i32)  : i32 {
      %dma_wait3A = arith.constant 0 : i32
      %dma_wait3A_52 = tpu.memref_slice %arg8[%scan3A_50, %dma_wait3A] : memref<80x128xf32, #tpu.memory_space<vmem>> -> memref<1x128xf32, #tpu.memory_space<vmem>>
      %dma_wait3A_53 = tpu.memref_squeeze %dma_wait3A_52 : memref<1x128xf32, #tpu.memory_space<vmem>> -> memref<128xf32, #tpu.memory_space<vmem>>
      %dma_wait3A_54 = arith.constant 0 : i32
      %dma_wait3A_55 = tpu.memref_slice %arg7[%scan3A_50, %dma_wait3A_54] : memref<80x128xi32, #tpu.memory_space<vmem>> -> memref<1x128xi32, #tpu.memory_space<vmem>>
      %dma_wait3A_56 = tpu.memref_squeeze %dma_wait3A_55 : memref<1x128xi32, #tpu.memory_space<vmem>> -> memref<128xi32, #tpu.memory_space<vmem>>
      %dma_wait3A_57 = arith.constant 0 : i32
      %dma_wait3A_58 = tpu.memref_slice %arg12[%dma_wait3A_57] : memref<10240xf32, #tpu.memory_space<vmem_shared>> -> memref<10240xf32, #tpu.memory_space<vmem_shared>>
      tpu.wait_indirect_dma semaphore(%arg13 : memref<!tpu.dma_semaphore, #tpu.memory_space<semaphore_mem>>) src(%dma_wait3A_53 : memref<128xf32, #tpu.memory_space<vmem>>) dst(%dma_wait3A_58 : memref<10240xf32, #tpu.memory_space<vmem_shared>>)
      %scan3A_59 = arith.constant 0 : i32
      scf.yield %scan3A_59 : i32
    }
    %scan3A_39 = arith.constant 80 : i32
    %barrier3A_40 = arith.constant 0 : index
    tpu.barrier barrier_id(%barrier3A_40)
    %mul3A_41 = arith.constant 640 : i32
    %mul3A_42 = arith.muli %arg1, %mul3A_41 : i32
    "tpu.region"() ({
      %run_scoped3A = tpu.sem_alloc : memref<!tpu.dma_semaphore, #tpu.memory_space<semaphore_mem>>
      %dma_start3A = tpu.memref_slice %arg12[%mul3A_42] : memref<10240xf32, #tpu.memory_space<vmem_shared>> -> memref<640xf32, #tpu.memory_space<vmem_shared>>
      %dma_start3A_50 = tpu.memref_slice %arg12[%mul3A_42] : memref<10240xf32, #tpu.memory_space<vmem_shared>> -> memref<640xf32, #tpu.memory_space<vmem_shared>>
      tpu.enqueue_dma source(%dma_start3A_50 : memref<640xf32, #tpu.memory_space<vmem_shared>>) target(%arg10 : memref<640xf32, #tpu.memory_space<vmem>>) target_semaphore(%run_scoped3A : memref<!tpu.dma_semaphore, #tpu.memory_space<semaphore_mem>>)
      %dma_wait3A = tpu.memref_slice %arg12[%mul3A_42] : memref<10240xf32, #tpu.memory_space<vmem_shared>> -> memref<640xf32, #tpu.memory_space<vmem_shared>>
      %dma_wait3A_51 = tpu.memref_slice %arg12[%mul3A_42] : memref<10240xf32, #tpu.memory_space<vmem_shared>> -> memref<640xf32, #tpu.memory_space<vmem_shared>>
      tpu.wait_dma2 semaphore(%run_scoped3A : memref<!tpu.dma_semaphore, #tpu.memory_space<semaphore_mem>>) src(%dma_wait3A_51 : memref<640xf32, #tpu.memory_space<vmem_shared>>) dst(%arg10 : memref<640xf32, #tpu.memory_space<vmem>>)
      tpu.yield
    }) : () -> ()
    %eq3A = arith.constant 0 : i32
    %eq3A_43 = arith.cmpi eq, %arg0, %eq3A : i32
    %convert_element_type3A = arith.extui %eq3A_43 : i1 to i32
    %cond3A = arith.constant 0 : i32
    %cond3A_44 = arith.cmpi ne, %convert_element_type3A, %cond3A : i32
    scf.if %cond3A_44 {
      %mul3A_50 = arith.constant 640 : i32
      %mul3A_51 = arith.muli %arg1, %mul3A_50 : i32
      "tpu.region"() ({
        %run_scoped3A = tpu.sem_alloc : memref<!tpu.dma_semaphore, #tpu.memory_space<semaphore_mem>>
        %dma_start3A = tpu.memref_slice %arg4[%mul3A_51] : memref<10240xf32, #tpu.memory_space<hbm>> -> memref<640xf32, #tpu.memory_space<hbm>>
        %dma_start3A_52 = tpu.memref_slice %arg4[%mul3A_51] : memref<10240xf32, #tpu.memory_space<hbm>> -> memref<640xf32, #tpu.memory_space<hbm>>
        tpu.enqueue_dma source(%arg10 : memref<640xf32, #tpu.memory_space<vmem>>) target(%dma_start3A_52 : memref<640xf32, #tpu.memory_space<hbm>>) target_semaphore(%run_scoped3A : memref<!tpu.dma_semaphore, #tpu.memory_space<semaphore_mem>>)
        %dma_wait3A = tpu.memref_slice %arg4[%mul3A_51] : memref<10240xf32, #tpu.memory_space<hbm>> -> memref<640xf32, #tpu.memory_space<hbm>>
        %dma_wait3A_53 = tpu.memref_slice %arg4[%mul3A_51] : memref<10240xf32, #tpu.memory_space<hbm>> -> memref<640xf32, #tpu.memory_space<hbm>>
        tpu.wait_dma2 semaphore(%run_scoped3A : memref<!tpu.dma_semaphore, #tpu.memory_space<semaphore_mem>>) src(%arg10 : memref<640xf32, #tpu.memory_space<vmem>>) dst(%dma_wait3A_53 : memref<640xf32, #tpu.memory_space<hbm>>)
        tpu.yield
      }) : () -> ()
    } else {
    }
    %eq3A_45 = arith.constant 1 : i32
    %eq3A_46 = arith.cmpi eq, %arg0, %eq3A_45 : i32
    %convert_element_type3A_47 = arith.extui %eq3A_46 : i1 to i32
    %cond3A_48 = arith.constant 0 : i32
    %cond3A_49 = arith.cmpi ne, %convert_element_type3A_47, %cond3A_48 : i32
    scf.if %cond3A_49 {
      %mul3A_50 = arith.constant 640 : i32
      %mul3A_51 = arith.muli %arg1, %mul3A_50 : i32
      "tpu.region"() ({
        %run_scoped3A = tpu.sem_alloc : memref<!tpu.dma_semaphore, #tpu.memory_space<semaphore_mem>>
        %dma_start3A = tpu.memref_slice %arg5[%mul3A_51] : memref<10240xf32, #tpu.memory_space<hbm>> -> memref<640xf32, #tpu.memory_space<hbm>>
        %dma_start3A_52 = tpu.memref_slice %arg5[%mul3A_51] : memref<10240xf32, #tpu.memory_space<hbm>> -> memref<640xf32, #tpu.memory_space<hbm>>
        tpu.enqueue_dma source(%arg10 : memref<640xf32, #tpu.memory_space<vmem>>) target(%dma_start3A_52 : memref<640xf32, #tpu.memory_space<hbm>>) target_semaphore(%run_scoped3A : memref<!tpu.dma_semaphore, #tpu.memory_space<semaphore_mem>>)
        %dma_wait3A = tpu.memref_slice %arg5[%mul3A_51] : memref<10240xf32, #tpu.memory_space<hbm>> -> memref<640xf32, #tpu.memory_space<hbm>>
        %dma_wait3A_53 = tpu.memref_slice %arg5[%mul3A_51] : memref<10240xf32, #tpu.memory_space<hbm>> -> memref<640xf32, #tpu.memory_space<hbm>>
        tpu.wait_dma2 semaphore(%run_scoped3A : memref<!tpu.dma_semaphore, #tpu.memory_space<semaphore_mem>>) src(%arg10 : memref<640xf32, #tpu.memory_space<vmem>>) dst(%dma_wait3A_53 : memref<640xf32, #tpu.memory_space<hbm>>)
        tpu.yield
      }) : () -> ()
    } else {
    }
    return
  }
}

#map = affine_map<(d0, d1) -> (0, 0)>
module attributes {stable_mosaic.version = 14 : i64} {
  func.func @agg1_kernel(%arg0: i32, %arg1: i32, %arg2: memref<10240x64xf32, #tpu.memory_space<hbm>>, %arg3: memref<5120x128xi32, #tpu.memory_space<hbm>>, %arg4: memref<10240x64xf32, #tpu.memory_space<hbm>>, %arg5: memref<10240x64xf32, #tpu.memory_space<hbm>>, %arg6: memref<10240x64xf32, #tpu.memory_space<vmem_shared>>, %arg7: memref<10240x64xf32, #tpu.memory_space<vmem_shared>>, %arg8: memref<128x64xf32, #tpu.memory_space<vmem>>, %arg9: memref<128x64xf32, #tpu.memory_space<vmem>>, %arg10: memref<128x64xf32, #tpu.memory_space<vmem>>, %arg11: memref<128x64xf32, #tpu.memory_space<vmem>>, %arg12: memref<128x64xf32, #tpu.memory_space<vmem>>, %arg13: memref<1x128xi32, #tpu.memory_space<vmem>>, %arg14: memref<1x128xi32, #tpu.memory_space<vmem>>, %arg15: memref<1x128xi32, #tpu.memory_space<vmem>>, %arg16: memref<1x128xi32, #tpu.memory_space<vmem>>, %arg17: memref<1x128xi32, #tpu.memory_space<vmem>>, %arg18: memref<1x128xi32, #tpu.memory_space<vmem>>, %arg19: memref<1x128xi32, #tpu.memory_space<vmem>>, %arg20: memref<1x128xi32, #tpu.memory_space<vmem>>, %arg21: memref<1x128xi32, #tpu.memory_space<vmem>>, %arg22: memref<1x128xi32, #tpu.memory_space<vmem>>, %arg23: memref<!tpu.dma_semaphore, #tpu.memory_space<semaphore_mem>>, %arg24: memref<!tpu.dma_semaphore, #tpu.memory_space<semaphore_mem>>, %arg25: memref<!tpu.dma_semaphore, #tpu.memory_space<semaphore_mem>>, %arg26: memref<!tpu.dma_semaphore, #tpu.memory_space<semaphore_mem>>, %arg27: memref<!tpu.dma_semaphore, #tpu.memory_space<semaphore_mem>>, %arg28: memref<!tpu.dma_semaphore, #tpu.memory_space<semaphore_mem>>, %arg29: memref<!tpu.dma_semaphore, #tpu.memory_space<semaphore_mem>>, %arg30: memref<!tpu.dma_semaphore, #tpu.memory_space<semaphore_mem>>, %arg31: memref<!tpu.dma_semaphore, #tpu.memory_space<semaphore_mem>>, %arg32: memref<!tpu.dma_semaphore, #tpu.memory_space<semaphore_mem>>, %arg33: memref<!tpu.dma_semaphore, #tpu.memory_space<semaphore_mem>>, %arg34: memref<!tpu.dma_semaphore, #tpu.memory_space<semaphore_mem>>, %arg35: memref<!tpu.dma_semaphore, #tpu.memory_space<semaphore_mem>>, %arg36: memref<!tpu.dma_semaphore, #tpu.memory_space<semaphore_mem>>, %arg37: memref<!tpu.dma_semaphore, #tpu.memory_space<semaphore_mem>>, %arg38: memref<!tpu.dma_semaphore, #tpu.memory_space<semaphore_mem>>, %arg39: memref<!tpu.dma_semaphore, #tpu.memory_space<semaphore_mem>>, %arg40: memref<!tpu.dma_semaphore, #tpu.memory_space<semaphore_mem>>, %arg41: memref<!tpu.dma_semaphore, #tpu.memory_space<semaphore_mem>>, %arg42: memref<!tpu.dma_semaphore, #tpu.memory_space<semaphore_mem>>) attributes {dimension_semantics = [#tpu.dimension_semantics<core_parallel>, #tpu.dimension_semantics<subcore_parallel>], iteration_bounds = array<i64: 2, 16>, scalar_prefetch = 0 : i64, scratch_operands = 37 : i64, tpu.core_type = #tpu.core_type<sc_vector_subcore>, window_params = [{transform_indices = #map}, {transform_indices = #map}, {transform_indices = #map}, {transform_indices = #map}]} {
    %mul3A = arith.constant 16 : i32
    %mul3A_0 = arith.muli %arg0, %mul3A : i32
    %add3A = arith.addi %mul3A_0, %arg1 : i32
    %mul3A_1 = arith.constant 640 : i32
    %mul3A_2 = arith.muli %arg1, %mul3A_1 : i32
    %mul3A_3 = arith.constant 640 : i32
    %mul3A_4 = arith.muli %arg1, %mul3A_3 : i32
    "tpu.region"() ({
      %run_scoped3A = tpu.sem_alloc : memref<!tpu.dma_semaphore, #tpu.memory_space<semaphore_mem>>
      %dma_start3A_221 = arith.constant 0 : i32
      %dma_start3A_222 = tpu.memref_slice %arg6[%mul3A_4, %dma_start3A_221] : memref<10240x64xf32, #tpu.memory_space<vmem_shared>> -> memref<640x64xf32, #tpu.memory_space<vmem_shared>>
      %dma_start3A_223 = arith.constant 0 : i32
      %dma_start3A_224 = tpu.memref_slice %arg2[%mul3A_2, %dma_start3A_223] : memref<10240x64xf32, #tpu.memory_space<hbm>> -> memref<640x64xf32, #tpu.memory_space<hbm>>
      tpu.enqueue_dma source(%dma_start3A_224 : memref<640x64xf32, #tpu.memory_space<hbm>>) target(%dma_start3A_222 : memref<640x64xf32, #tpu.memory_space<vmem_shared>>) target_semaphore(%run_scoped3A : memref<!tpu.dma_semaphore, #tpu.memory_space<semaphore_mem>>)
      %dma_wait3A_225 = arith.constant 0 : i32
      %dma_wait3A_226 = tpu.memref_slice %arg6[%mul3A_4, %dma_wait3A_225] : memref<10240x64xf32, #tpu.memory_space<vmem_shared>> -> memref<640x64xf32, #tpu.memory_space<vmem_shared>>
      %dma_wait3A_227 = arith.constant 0 : i32
      %dma_wait3A_228 = tpu.memref_slice %arg2[%mul3A_2, %dma_wait3A_227] : memref<10240x64xf32, #tpu.memory_space<hbm>> -> memref<640x64xf32, #tpu.memory_space<hbm>>
      tpu.wait_dma2 semaphore(%run_scoped3A : memref<!tpu.dma_semaphore, #tpu.memory_space<semaphore_mem>>) src(%dma_wait3A_228 : memref<640x64xf32, #tpu.memory_space<hbm>>) dst(%dma_wait3A_226 : memref<640x64xf32, #tpu.memory_space<vmem_shared>>)
      tpu.yield
    }) : () -> ()
    %scan3A = arith.constant 0 : i32
    %scan3A_5 = arith.constant 0 : i32
    %scan3A_6 = arith.constant 512 : i32
    %scan3A_7 = arith.addi %scan3A_5, %scan3A_6 : i32
    %scan3A_8 = arith.constant 1 : i32
    %scan3A_9 = scf.for %scan3A_221 = %scan3A_5 to %scan3A_7 step %scan3A_8 iter_args(%scan3A_222 = %scan3A) -> (i32)  : i32 {
      %jit3A = arith.constant 4 : i32
      %div3A = arith.divsi %scan3A_221, %jit3A : i32
      %sign3A = arith.constant 0 : i32
      %sign3A_223 = arith.cmpi sgt, %scan3A_221, %sign3A : i32
      %sign3A_224 = arith.extui %sign3A_223 : i1 to i32
      %sign3A_225 = arith.constant 0 : i32
      %sign3A_226 = arith.cmpi slt, %scan3A_221, %sign3A_225 : i32
      %sign3A_227 = arith.extui %sign3A_226 : i1 to i32
      %sign3A_228 = arith.subi %sign3A_224, %sign3A_227 : i32
      %sign3A_229 = arith.constant 0 : i32
      %sign3A_230 = arith.cmpi sgt, %jit3A, %sign3A_229 : i32
      %sign3A_231 = arith.extui %sign3A_230 : i1 to i32
      %sign3A_232 = arith.constant 0 : i32
      %sign3A_233 = arith.cmpi slt, %jit3A, %sign3A_232 : i32
      %sign3A_234 = arith.extui %sign3A_233 : i1 to i32
      %sign3A_235 = arith.subi %sign3A_231, %sign3A_234 : i32
      %ne3A = arith.cmpi ne, %sign3A_228, %sign3A_235 : i32
      %rem3A = arith.remsi %scan3A_221, %jit3A : i32
      %ne3A_236 = arith.constant 0 : i32
      %ne3A_237 = arith.cmpi ne, %rem3A, %ne3A_236 : i32
      %and3A = arith.andi %ne3A, %ne3A_237 : i1
      %sub3A = arith.constant 1 : i32
      %sub3A_238 = arith.subi %div3A, %sub3A : i32
      %select_n3A = arith.select %and3A, %sub3A_238, %div3A : i32
      %jit3A_239 = arith.constant 4 : i32
      %eq3A = arith.constant 0 : i32
      %eq3A_240 = arith.cmpi eq, %jit3A_239, %eq3A : i32
      %jit3A_241 = arith.constant 1 : i32
      %select_n3A_242 = arith.select %eq3A_240, %jit3A_241, %jit3A_239 : i32
      %rem3A_243 = arith.remsi %scan3A_221, %select_n3A_242 : i32
      %ne3A_244 = arith.constant 0 : i32
      %ne3A_245 = arith.cmpi ne, %rem3A_243, %ne3A_244 : i32
      %lt3A = arith.constant 0 : i32
      %lt3A_246 = arith.cmpi slt, %rem3A_243, %lt3A : i32
      %lt3A_247 = arith.constant 0 : i32
      %lt3A_248 = arith.cmpi slt, %select_n3A_242, %lt3A_247 : i32
      %ne3A_249 = arith.xori %lt3A_246, %lt3A_248 : i1
      %and3A_250 = arith.andi %ne3A_249, %ne3A_245 : i1
      %add3A_251 = arith.addi %rem3A_243, %select_n3A_242 : i32
      %select_n3A_252 = arith.select %and3A_250, %add3A_251, %rem3A_243 : i32
      %mul3A_253 = arith.constant 16 : i32
      %mul3A_254 = arith.muli %select_n3A_252, %mul3A_253 : i32
      %multiple_of3A = tpu.assume_multiple %mul3A_254, 16 : i32
      %broadcast_in_dim3A = arith.constant 0.000000e+00 : f32
      %broadcast_in_dim3A_255 = vector.broadcast %broadcast_in_dim3A : f32 to vector<16xf32>
      %swap3A = arith.index_cast %select_n3A : i32 to index
      %swap3A_256 = arith.index_cast %multiple_of3A : i32 to index
      %swap3A_257 = tpu.vector_load %arg8[%swap3A, %swap3A_256] {strides = array<i32>} : memref<128x64xf32, #tpu.memory_space<vmem>>, vector<16xf32>,
      tpu.vector_store %arg8[%swap3A, %swap3A_256], %broadcast_in_dim3A_255 {strides = array<i32>} : memref<128x64xf32, #tpu.memory_space<vmem>>, vector<16xf32>,
      %scan3A_258 = arith.constant 0 : i32
      scf.yield %scan3A_258 : i32
    }
    %scan3A_10 = arith.constant 512 : i32
    %scan3A_11 = arith.constant 0 : i32
    %scan3A_12 = arith.constant 0 : i32
    %scan3A_13 = arith.constant 5 : i32
    %scan3A_14 = arith.addi %scan3A_12, %scan3A_13 : i32
    %scan3A_15 = arith.constant 1 : i32
    %scan3A_16 = scf.for %scan3A_221 = %scan3A_12 to %scan3A_14 step %scan3A_15 iter_args(%scan3A_222 = %scan3A_11) -> (i32)  : i32 {
      %mul3A_223 = arith.constant 640 : i32
      %mul3A_224 = arith.muli %arg1, %mul3A_223 : i32
      %mul3A_225 = arith.constant 128 : i32
      %mul3A_226 = arith.muli %scan3A_221, %mul3A_225 : i32
      %add3A_227 = arith.addi %mul3A_224, %mul3A_226 : i32
      "tpu.region"() ({
        %run_scoped3A = tpu.sem_alloc : memref<!tpu.dma_semaphore, #tpu.memory_space<semaphore_mem>>
        %dma_start3A_229 = arith.constant 0 : i32
        %dma_start3A_230 = tpu.memref_slice %arg7[%add3A_227, %dma_start3A_229] : memref<10240x64xf32, #tpu.memory_space<vmem_shared>> -> memref<128x64xf32, #tpu.memory_space<vmem_shared>>
        %dma_start3A_231 = arith.constant 0 : i32
        %dma_start3A_232 = tpu.memref_slice %arg7[%add3A_227, %dma_start3A_231] : memref<10240x64xf32, #tpu.memory_space<vmem_shared>> -> memref<128x64xf32, #tpu.memory_space<vmem_shared>>
        tpu.enqueue_dma source(%arg8 : memref<128x64xf32, #tpu.memory_space<vmem>>) target(%dma_start3A_232 : memref<128x64xf32, #tpu.memory_space<vmem_shared>>) target_semaphore(%run_scoped3A : memref<!tpu.dma_semaphore, #tpu.memory_space<semaphore_mem>>)
        %dma_wait3A_233 = arith.constant 0 : i32
        %dma_wait3A_234 = tpu.memref_slice %arg7[%add3A_227, %dma_wait3A_233] : memref<10240x64xf32, #tpu.memory_space<vmem_shared>> -> memref<128x64xf32, #tpu.memory_space<vmem_shared>>
        %dma_wait3A_235 = arith.constant 0 : i32
        %dma_wait3A_236 = tpu.memref_slice %arg7[%add3A_227, %dma_wait3A_235] : memref<10240x64xf32, #tpu.memory_space<vmem_shared>> -> memref<128x64xf32, #tpu.memory_space<vmem_shared>>
        tpu.wait_dma2 semaphore(%run_scoped3A : memref<!tpu.dma_semaphore, #tpu.memory_space<semaphore_mem>>) src(%arg8 : memref<128x64xf32, #tpu.memory_space<vmem>>) dst(%dma_wait3A_236 : memref<128x64xf32, #tpu.memory_space<vmem_shared>>)
        tpu.yield
      }) : () -> ()
      %scan3A_228 = arith.constant 0 : i32
      scf.yield %scan3A_228 : i32
    }
    %scan3A_17 = arith.constant 5 : i32
    %barrier3A = arith.constant 0 : index
    tpu.barrier barrier_id(%barrier3A)
    %mul3A_18 = arith.constant 80 : i32
    %mul3A_19 = arith.muli %add3A, %mul3A_18 : i32
    %add3A_20 = arith.constant 0 : i32
    %add3A_21 = arith.addi %mul3A_19, %add3A_20 : i32
    %dma_start3A = arith.constant 0 : i32
    %dma_start3A_22 = tpu.memref_slice %arg3[%add3A_21, %dma_start3A] : memref<5120x128xi32, #tpu.memory_space<hbm>> -> memref<1x128xi32, #tpu.memory_space<hbm>>
    %dma_start3A_23 = arith.constant 0 : i32
    %dma_start3A_24 = tpu.memref_slice %arg3[%add3A_21, %dma_start3A_23] : memref<5120x128xi32, #tpu.memory_space<hbm>> -> memref<1x128xi32, #tpu.memory_space<hbm>>
    tpu.enqueue_dma source(%dma_start3A_24 : memref<1x128xi32, #tpu.memory_space<hbm>>) target(%arg13 : memref<1x128xi32, #tpu.memory_space<vmem>>) target_semaphore(%arg33 : memref<!tpu.dma_semaphore, #tpu.memory_space<semaphore_mem>>)
    %mul3A_25 = arith.constant 80 : i32
    %mul3A_26 = arith.muli %add3A, %mul3A_25 : i32
    %add3A_27 = arith.constant 2560 : i32
    %add3A_28 = arith.addi %add3A_27, %mul3A_26 : i32
    %add3A_29 = arith.constant 0 : i32
    %add3A_30 = arith.addi %add3A_28, %add3A_29 : i32
    %dma_start3A_31 = arith.constant 0 : i32
    %dma_start3A_32 = tpu.memref_slice %arg3[%add3A_30, %dma_start3A_31] : memref<5120x128xi32, #tpu.memory_space<hbm>> -> memref<1x128xi32, #tpu.memory_space<hbm>>
    %dma_start3A_33 = arith.constant 0 : i32
    %dma_start3A_34 = tpu.memref_slice %arg3[%add3A_30, %dma_start3A_33] : memref<5120x128xi32, #tpu.memory_space<hbm>> -> memref<1x128xi32, #tpu.memory_space<hbm>>
    tpu.enqueue_dma source(%dma_start3A_34 : memref<1x128xi32, #tpu.memory_space<hbm>>) target(%arg18 : memref<1x128xi32, #tpu.memory_space<vmem>>) target_semaphore(%arg38 : memref<!tpu.dma_semaphore, #tpu.memory_space<semaphore_mem>>)
    %mul3A_35 = arith.constant 80 : i32
    %mul3A_36 = arith.muli %add3A, %mul3A_35 : i32
    %add3A_37 = arith.constant 1 : i32
    %add3A_38 = arith.addi %mul3A_36, %add3A_37 : i32
    %dma_start3A_39 = arith.constant 0 : i32
    %dma_start3A_40 = tpu.memref_slice %arg3[%add3A_38, %dma_start3A_39] : memref<5120x128xi32, #tpu.memory_space<hbm>> -> memref<1x128xi32, #tpu.memory_space<hbm>>
    %dma_start3A_41 = arith.constant 0 : i32
    %dma_start3A_42 = tpu.memref_slice %arg3[%add3A_38, %dma_start3A_41] : memref<5120x128xi32, #tpu.memory_space<hbm>> -> memref<1x128xi32, #tpu.memory_space<hbm>>
    tpu.enqueue_dma source(%dma_start3A_42 : memref<1x128xi32, #tpu.memory_space<hbm>>) target(%arg14 : memref<1x128xi32, #tpu.memory_space<vmem>>) target_semaphore(%arg34 : memref<!tpu.dma_semaphore, #tpu.memory_space<semaphore_mem>>)
    %mul3A_43 = arith.constant 80 : i32
    %mul3A_44 = arith.muli %add3A, %mul3A_43 : i32
    %add3A_45 = arith.constant 2560 : i32
    %add3A_46 = arith.addi %add3A_45, %mul3A_44 : i32
    %add3A_47 = arith.constant 1 : i32
    %add3A_48 = arith.addi %add3A_46, %add3A_47 : i32
    %dma_start3A_49 = arith.constant 0 : i32
    %dma_start3A_50 = tpu.memref_slice %arg3[%add3A_48, %dma_start3A_49] : memref<5120x128xi32, #tpu.memory_space<hbm>> -> memref<1x128xi32, #tpu.memory_space<hbm>>
    %dma_start3A_51 = arith.constant 0 : i32
    %dma_start3A_52 = tpu.memref_slice %arg3[%add3A_48, %dma_start3A_51] : memref<5120x128xi32, #tpu.memory_space<hbm>> -> memref<1x128xi32, #tpu.memory_space<hbm>>
    tpu.enqueue_dma source(%dma_start3A_52 : memref<1x128xi32, #tpu.memory_space<hbm>>) target(%arg19 : memref<1x128xi32, #tpu.memory_space<vmem>>) target_semaphore(%arg39 : memref<!tpu.dma_semaphore, #tpu.memory_space<semaphore_mem>>)
    %mul3A_53 = arith.constant 80 : i32
    %mul3A_54 = arith.muli %add3A, %mul3A_53 : i32
    %add3A_55 = arith.constant 2 : i32
    %add3A_56 = arith.addi %mul3A_54, %add3A_55 : i32
    %dma_start3A_57 = arith.constant 0 : i32
    %dma_start3A_58 = tpu.memref_slice %arg3[%add3A_56, %dma_start3A_57] : memref<5120x128xi32, #tpu.memory_space<hbm>> -> memref<1x128xi32, #tpu.memory_space<hbm>>
    %dma_start3A_59 = arith.constant 0 : i32
    %dma_start3A_60 = tpu.memref_slice %arg3[%add3A_56, %dma_start3A_59] : memref<5120x128xi32, #tpu.memory_space<hbm>> -> memref<1x128xi32, #tpu.memory_space<hbm>>
    tpu.enqueue_dma source(%dma_start3A_60 : memref<1x128xi32, #tpu.memory_space<hbm>>) target(%arg15 : memref<1x128xi32, #tpu.memory_space<vmem>>) target_semaphore(%arg35 : memref<!tpu.dma_semaphore, #tpu.memory_space<semaphore_mem>>)
    %mul3A_61 = arith.constant 80 : i32
    %mul3A_62 = arith.muli %add3A, %mul3A_61 : i32
    %add3A_63 = arith.constant 2560 : i32
    %add3A_64 = arith.addi %add3A_63, %mul3A_62 : i32
    %add3A_65 = arith.constant 2 : i32
    %add3A_66 = arith.addi %add3A_64, %add3A_65 : i32
    %dma_start3A_67 = arith.constant 0 : i32
    %dma_start3A_68 = tpu.memref_slice %arg3[%add3A_66, %dma_start3A_67] : memref<5120x128xi32, #tpu.memory_space<hbm>> -> memref<1x128xi32, #tpu.memory_space<hbm>>
    %dma_start3A_69 = arith.constant 0 : i32
    %dma_start3A_70 = tpu.memref_slice %arg3[%add3A_66, %dma_start3A_69] : memref<5120x128xi32, #tpu.memory_space<hbm>> -> memref<1x128xi32, #tpu.memory_space<hbm>>
    tpu.enqueue_dma source(%dma_start3A_70 : memref<1x128xi32, #tpu.memory_space<hbm>>) target(%arg20 : memref<1x128xi32, #tpu.memory_space<vmem>>) target_semaphore(%arg40 : memref<!tpu.dma_semaphore, #tpu.memory_space<semaphore_mem>>)
    %mul3A_71 = arith.constant 80 : i32
    %mul3A_72 = arith.muli %add3A, %mul3A_71 : i32
    %add3A_73 = arith.constant 3 : i32
    %add3A_74 = arith.addi %mul3A_72, %add3A_73 : i32
    %dma_start3A_75 = arith.constant 0 : i32
    %dma_start3A_76 = tpu.memref_slice %arg3[%add3A_74, %dma_start3A_75] : memref<5120x128xi32, #tpu.memory_space<hbm>> -> memref<1x128xi32, #tpu.memory_space<hbm>>
    %dma_start3A_77 = arith.constant 0 : i32
    %dma_start3A_78 = tpu.memref_slice %arg3[%add3A_74, %dma_start3A_77] : memref<5120x128xi32, #tpu.memory_space<hbm>> -> memref<1x128xi32, #tpu.memory_space<hbm>>
    tpu.enqueue_dma source(%dma_start3A_78 : memref<1x128xi32, #tpu.memory_space<hbm>>) target(%arg16 : memref<1x128xi32, #tpu.memory_space<vmem>>) target_semaphore(%arg36 : memref<!tpu.dma_semaphore, #tpu.memory_space<semaphore_mem>>)
    %mul3A_79 = arith.constant 80 : i32
    %mul3A_80 = arith.muli %add3A, %mul3A_79 : i32
    %add3A_81 = arith.constant 2560 : i32
    %add3A_82 = arith.addi %add3A_81, %mul3A_80 : i32
    %add3A_83 = arith.constant 3 : i32
    %add3A_84 = arith.addi %add3A_82, %add3A_83 : i32
    %dma_start3A_85 = arith.constant 0 : i32
    %dma_start3A_86 = tpu.memref_slice %arg3[%add3A_84, %dma_start3A_85] : memref<5120x128xi32, #tpu.memory_space<hbm>> -> memref<1x128xi32, #tpu.memory_space<hbm>>
    %dma_start3A_87 = arith.constant 0 : i32
    %dma_start3A_88 = tpu.memref_slice %arg3[%add3A_84, %dma_start3A_87] : memref<5120x128xi32, #tpu.memory_space<hbm>> -> memref<1x128xi32, #tpu.memory_space<hbm>>
    tpu.enqueue_dma source(%dma_start3A_88 : memref<1x128xi32, #tpu.memory_space<hbm>>) target(%arg21 : memref<1x128xi32, #tpu.memory_space<vmem>>) target_semaphore(%arg41 : memref<!tpu.dma_semaphore, #tpu.memory_space<semaphore_mem>>)
    %mul3A_89 = arith.constant 80 : i32
    %mul3A_90 = arith.muli %add3A, %mul3A_89 : i32
    %add3A_91 = arith.constant 4 : i32
    %add3A_92 = arith.addi %mul3A_90, %add3A_91 : i32
    %dma_start3A_93 = arith.constant 0 : i32
    %dma_start3A_94 = tpu.memref_slice %arg3[%add3A_92, %dma_start3A_93] : memref<5120x128xi32, #tpu.memory_space<hbm>> -> memref<1x128xi32, #tpu.memory_space<hbm>>
    %dma_start3A_95 = arith.constant 0 : i32
    %dma_start3A_96 = tpu.memref_slice %arg3[%add3A_92, %dma_start3A_95] : memref<5120x128xi32, #tpu.memory_space<hbm>> -> memref<1x128xi32, #tpu.memory_space<hbm>>
    tpu.enqueue_dma source(%dma_start3A_96 : memref<1x128xi32, #tpu.memory_space<hbm>>) target(%arg17 : memref<1x128xi32, #tpu.memory_space<vmem>>) target_semaphore(%arg37 : memref<!tpu.dma_semaphore, #tpu.memory_space<semaphore_mem>>)
    %mul3A_97 = arith.constant 80 : i32
    %mul3A_98 = arith.muli %add3A, %mul3A_97 : i32
    %add3A_99 = arith.constant 2560 : i32
    %add3A_100 = arith.addi %add3A_99, %mul3A_98 : i32
    %add3A_101 = arith.constant 4 : i32
    %add3A_102 = arith.addi %add3A_100, %add3A_101 : i32
    %dma_start3A_103 = arith.constant 0 : i32
    %dma_start3A_104 = tpu.memref_slice %arg3[%add3A_102, %dma_start3A_103] : memref<5120x128xi32, #tpu.memory_space<hbm>> -> memref<1x128xi32, #tpu.memory_space<hbm>>
    %dma_start3A_105 = arith.constant 0 : i32
    %dma_start3A_106 = tpu.memref_slice %arg3[%add3A_102, %dma_start3A_105] : memref<5120x128xi32, #tpu.memory_space<hbm>> -> memref<1x128xi32, #tpu.memory_space<hbm>>
    tpu.enqueue_dma source(%dma_start3A_106 : memref<1x128xi32, #tpu.memory_space<hbm>>) target(%arg22 : memref<1x128xi32, #tpu.memory_space<vmem>>) target_semaphore(%arg42 : memref<!tpu.dma_semaphore, #tpu.memory_space<semaphore_mem>>)
    %mul3A_107 = arith.constant 80 : i32
    %mul3A_108 = arith.muli %add3A, %mul3A_107 : i32
    %dma_wait3A = arith.constant 0 : i32
    %dma_wait3A_109 = tpu.memref_slice %arg3[%mul3A_108, %dma_wait3A] : memref<5120x128xi32, #tpu.memory_space<hbm>> -> memref<1x128xi32, #tpu.memory_space<hbm>>
    %dma_wait3A_110 = arith.constant 0 : i32
    %dma_wait3A_111 = tpu.memref_slice %arg3[%mul3A_108, %dma_wait3A_110] : memref<5120x128xi32, #tpu.memory_space<hbm>> -> memref<1x128xi32, #tpu.memory_space<hbm>>
    tpu.wait_dma2 semaphore(%arg33 : memref<!tpu.dma_semaphore, #tpu.memory_space<semaphore_mem>>) src(%dma_wait3A_111 : memref<1x128xi32, #tpu.memory_space<hbm>>) dst(%arg13 : memref<1x128xi32, #tpu.memory_space<vmem>>)
    %dma_start3A_112 = arith.constant 0 : i32
    %dma_start3A_113 = arith.constant 0 : i32
    %dma_start3A_114 = tpu.memref_slice %arg13[%dma_start3A_112, %dma_start3A_113] : memref<1x128xi32, #tpu.memory_space<vmem>> -> memref<1x128xi32, #tpu.memory_space<vmem>>
    %dma_start3A_115 = tpu.memref_squeeze %dma_start3A_114 : memref<1x128xi32, #tpu.memory_space<vmem>> -> memref<128xi32, #tpu.memory_space<vmem>>
    %dma_start3A_116 = arith.constant 0 : i32
    %dma_start3A_117 = arith.constant 0 : i32
    %dma_start3A_118 = tpu.memref_slice %arg6[%dma_start3A_116, %dma_start3A_117] : memref<10240x64xf32, #tpu.memory_space<vmem_shared>> -> memref<10240x64xf32, #tpu.memory_space<vmem_shared>>
    tpu.enqueue_indirect_dma source(%dma_start3A_118 : memref<10240x64xf32, #tpu.memory_space<vmem_shared>>) target(%arg8 : memref<128x64xf32, #tpu.memory_space<vmem>>) offsets(%dma_start3A_115 : memref<128xi32, #tpu.memory_space<vmem>>) semaphore(%arg23 : memref<!tpu.dma_semaphore, #tpu.memory_space<semaphore_mem>>)
    %mul3A_119 = arith.constant 80 : i32
    %mul3A_120 = arith.muli %add3A, %mul3A_119 : i32
    %dma_wait3A_121 = arith.constant 0 : i32
    %dma_wait3A_122 = tpu.memref_slice %arg3[%mul3A_120, %dma_wait3A_121] : memref<5120x128xi32, #tpu.memory_space<hbm>> -> memref<1x128xi32, #tpu.memory_space<hbm>>
    %dma_wait3A_123 = arith.constant 0 : i32
    %dma_wait3A_124 = tpu.memref_slice %arg3[%mul3A_120, %dma_wait3A_123] : memref<5120x128xi32, #tpu.memory_space<hbm>> -> memref<1x128xi32, #tpu.memory_space<hbm>>
    tpu.wait_dma2 semaphore(%arg34 : memref<!tpu.dma_semaphore, #tpu.memory_space<semaphore_mem>>) src(%dma_wait3A_124 : memref<1x128xi32, #tpu.memory_space<hbm>>) dst(%arg14 : memref<1x128xi32, #tpu.memory_space<vmem>>)
    %dma_start3A_125 = arith.constant 0 : i32
    %dma_start3A_126 = arith.constant 0 : i32
    %dma_start3A_127 = tpu.memref_slice %arg14[%dma_start3A_125, %dma_start3A_126] : memref<1x128xi32, #tpu.memory_space<vmem>> -> memref<1x128xi32, #tpu.memory_space<vmem>>
    %dma_start3A_128 = tpu.memref_squeeze %dma_start3A_127 : memref<1x128xi32, #tpu.memory_space<vmem>> -> memref<128xi32, #tpu.memory_space<vmem>>
    %dma_start3A_129 = arith.constant 0 : i32
    %dma_start3A_130 = arith.constant 0 : i32
    %dma_start3A_131 = tpu.memref_slice %arg6[%dma_start3A_129, %dma_start3A_130] : memref<10240x64xf32, #tpu.memory_space<vmem_shared>> -> memref<10240x64xf32, #tpu.memory_space<vmem_shared>>
    tpu.enqueue_indirect_dma source(%dma_start3A_131 : memref<10240x64xf32, #tpu.memory_space<vmem_shared>>) target(%arg9 : memref<128x64xf32, #tpu.memory_space<vmem>>) offsets(%dma_start3A_128 : memref<128xi32, #tpu.memory_space<vmem>>) semaphore(%arg24 : memref<!tpu.dma_semaphore, #tpu.memory_space<semaphore_mem>>)
    %mul3A_132 = arith.constant 80 : i32
    %mul3A_133 = arith.muli %add3A, %mul3A_132 : i32
    %dma_wait3A_134 = arith.constant 0 : i32
    %dma_wait3A_135 = tpu.memref_slice %arg3[%mul3A_133, %dma_wait3A_134] : memref<5120x128xi32, #tpu.memory_space<hbm>> -> memref<1x128xi32, #tpu.memory_space<hbm>>
    %dma_wait3A_136 = arith.constant 0 : i32
    %dma_wait3A_137 = tpu.memref_slice %arg3[%mul3A_133, %dma_wait3A_136] : memref<5120x128xi32, #tpu.memory_space<hbm>> -> memref<1x128xi32, #tpu.memory_space<hbm>>
    tpu.wait_dma2 semaphore(%arg35 : memref<!tpu.dma_semaphore, #tpu.memory_space<semaphore_mem>>) src(%dma_wait3A_137 : memref<1x128xi32, #tpu.memory_space<hbm>>) dst(%arg15 : memref<1x128xi32, #tpu.memory_space<vmem>>)
    %dma_start3A_138 = arith.constant 0 : i32
    %dma_start3A_139 = arith.constant 0 : i32
    %dma_start3A_140 = tpu.memref_slice %arg15[%dma_start3A_138, %dma_start3A_139] : memref<1x128xi32, #tpu.memory_space<vmem>> -> memref<1x128xi32, #tpu.memory_space<vmem>>
    %dma_start3A_141 = tpu.memref_squeeze %dma_start3A_140 : memref<1x128xi32, #tpu.memory_space<vmem>> -> memref<128xi32, #tpu.memory_space<vmem>>
    %dma_start3A_142 = arith.constant 0 : i32
    %dma_start3A_143 = arith.constant 0 : i32
    %dma_start3A_144 = tpu.memref_slice %arg6[%dma_start3A_142, %dma_start3A_143] : memref<10240x64xf32, #tpu.memory_space<vmem_shared>> -> memref<10240x64xf32, #tpu.memory_space<vmem_shared>>
    tpu.enqueue_indirect_dma source(%dma_start3A_144 : memref<10240x64xf32, #tpu.memory_space<vmem_shared>>) target(%arg10 : memref<128x64xf32, #tpu.memory_space<vmem>>) offsets(%dma_start3A_141 : memref<128xi32, #tpu.memory_space<vmem>>) semaphore(%arg25 : memref<!tpu.dma_semaphore, #tpu.memory_space<semaphore_mem>>)
    %mul3A_145 = arith.constant 80 : i32
    %mul3A_146 = arith.muli %add3A, %mul3A_145 : i32
    %dma_wait3A_147 = arith.constant 0 : i32
    %dma_wait3A_148 = tpu.memref_slice %arg3[%mul3A_146, %dma_wait3A_147] : memref<5120x128xi32, #tpu.memory_space<hbm>> -> memref<1x128xi32, #tpu.memory_space<hbm>>
    %dma_wait3A_149 = arith.constant 0 : i32
    %dma_wait3A_150 = tpu.memref_slice %arg3[%mul3A_146, %dma_wait3A_149] : memref<5120x128xi32, #tpu.memory_space<hbm>> -> memref<1x128xi32, #tpu.memory_space<hbm>>
    tpu.wait_dma2 semaphore(%arg36 : memref<!tpu.dma_semaphore, #tpu.memory_space<semaphore_mem>>) src(%dma_wait3A_150 : memref<1x128xi32, #tpu.memory_space<hbm>>) dst(%arg16 : memref<1x128xi32, #tpu.memory_space<vmem>>)
    %dma_start3A_151 = arith.constant 0 : i32
    %dma_start3A_152 = arith.constant 0 : i32
    %dma_start3A_153 = tpu.memref_slice %arg16[%dma_start3A_151, %dma_start3A_152] : memref<1x128xi32, #tpu.memory_space<vmem>> -> memref<1x128xi32, #tpu.memory_space<vmem>>
    %dma_start3A_154 = tpu.memref_squeeze %dma_start3A_153 : memref<1x128xi32, #tpu.memory_space<vmem>> -> memref<128xi32, #tpu.memory_space<vmem>>
    %dma_start3A_155 = arith.constant 0 : i32
    %dma_start3A_156 = arith.constant 0 : i32
    %dma_start3A_157 = tpu.memref_slice %arg6[%dma_start3A_155, %dma_start3A_156] : memref<10240x64xf32, #tpu.memory_space<vmem_shared>> -> memref<10240x64xf32, #tpu.memory_space<vmem_shared>>
    tpu.enqueue_indirect_dma source(%dma_start3A_157 : memref<10240x64xf32, #tpu.memory_space<vmem_shared>>) target(%arg11 : memref<128x64xf32, #tpu.memory_space<vmem>>) offsets(%dma_start3A_154 : memref<128xi32, #tpu.memory_space<vmem>>) semaphore(%arg26 : memref<!tpu.dma_semaphore, #tpu.memory_space<semaphore_mem>>)
    %mul3A_158 = arith.constant 80 : i32
    %mul3A_159 = arith.muli %add3A, %mul3A_158 : i32
    %dma_wait3A_160 = arith.constant 0 : i32
    %dma_wait3A_161 = tpu.memref_slice %arg3[%mul3A_159, %dma_wait3A_160] : memref<5120x128xi32, #tpu.memory_space<hbm>> -> memref<1x128xi32, #tpu.memory_space<hbm>>
    %dma_wait3A_162 = arith.constant 0 : i32
    %dma_wait3A_163 = tpu.memref_slice %arg3[%mul3A_159, %dma_wait3A_162] : memref<5120x128xi32, #tpu.memory_space<hbm>> -> memref<1x128xi32, #tpu.memory_space<hbm>>
    tpu.wait_dma2 semaphore(%arg37 : memref<!tpu.dma_semaphore, #tpu.memory_space<semaphore_mem>>) src(%dma_wait3A_163 : memref<1x128xi32, #tpu.memory_space<hbm>>) dst(%arg17 : memref<1x128xi32, #tpu.memory_space<vmem>>)
    %dma_start3A_164 = arith.constant 0 : i32
    %dma_start3A_165 = arith.constant 0 : i32
    %dma_start3A_166 = tpu.memref_slice %arg17[%dma_start3A_164, %dma_start3A_165] : memref<1x128xi32, #tpu.memory_space<vmem>> -> memref<1x128xi32, #tpu.memory_space<vmem>>
    %dma_start3A_167 = tpu.memref_squeeze %dma_start3A_166 : memref<1x128xi32, #tpu.memory_space<vmem>> -> memref<128xi32, #tpu.memory_space<vmem>>
    %dma_start3A_168 = arith.constant 0 : i32
    %dma_start3A_169 = arith.constant 0 : i32
    %dma_start3A_170 = tpu.memref_slice %arg6[%dma_start3A_168, %dma_start3A_169] : memref<10240x64xf32, #tpu.memory_space<vmem_shared>> -> memref<10240x64xf32, #tpu.memory_space<vmem_shared>>
    tpu.enqueue_indirect_dma source(%dma_start3A_170 : memref<10240x64xf32, #tpu.memory_space<vmem_shared>>) target(%arg12 : memref<128x64xf32, #tpu.memory_space<vmem>>) offsets(%dma_start3A_167 : memref<128xi32, #tpu.memory_space<vmem>>) semaphore(%arg27 : memref<!tpu.dma_semaphore, #tpu.memory_space<semaphore_mem>>)
    %scan3A_171 = arith.constant 0 : i32
    %scan3A_172 = arith.constant 0 : i32
    %scan3A_173 = arith.constant 16 : i32
    %scan3A_174 = arith.addi %scan3A_172, %scan3A_173 : i32
    %scan3A_175 = arith.constant 1 : i32
    %scan3A_176 = scf.for %scan3A_221 = %scan3A_172 to %scan3A_174 step %scan3A_175 iter_args(%scan3A_222 = %scan3A_171) -> (i32)  : i32 {
      %mul3A_223 = arith.constant 5 : i32
      %mul3A_224 = arith.muli %scan3A_221, %mul3A_223 : i32
      %add3A_225 = arith.constant 0 : i32
      %add3A_226 = arith.addi %mul3A_224, %add3A_225 : i32
      %dma_wait3A_227 = arith.constant 0 : i32
      %dma_wait3A_228 = arith.constant 0 : i32
      %dma_wait3A_229 = tpu.memref_slice %arg13[%dma_wait3A_227, %dma_wait3A_228] : memref<1x128xi32, #tpu.memory_space<vmem>> -> memref<1x128xi32, #tpu.memory_space<vmem>>
      %dma_wait3A_230 = tpu.memref_squeeze %dma_wait3A_229 : memref<1x128xi32, #tpu.memory_space<vmem>> -> memref<128xi32, #tpu.memory_space<vmem>>
      %dma_wait3A_231 = arith.constant 0 : i32
      %dma_wait3A_232 = arith.constant 0 : i32
      %dma_wait3A_233 = tpu.memref_slice %arg6[%dma_wait3A_231, %dma_wait3A_232] : memref<10240x64xf32, #tpu.memory_space<vmem_shared>> -> memref<10240x64xf32, #tpu.memory_space<vmem_shared>>
      tpu.wait_indirect_dma semaphore(%arg23 : memref<!tpu.dma_semaphore, #tpu.memory_space<semaphore_mem>>) src(%dma_wait3A_233 : memref<10240x64xf32, #tpu.memory_space<vmem_shared>>) dst(%arg8 : memref<128x64xf32, #tpu.memory_space<vmem>>)
      %add3A_234 = arith.constant 5 : i32
      %add3A_235 = arith.addi %add3A_226, %add3A_234 : i32
      %lt3A = arith.constant 80 : i32
      %lt3A_236 = arith.cmpi slt, %add3A_235, %lt3A : i32
      %convert_element_type3A = arith.extui %lt3A_236 : i1 to i32
      %cond3A = arith.constant 0 : i32
      %cond3A_237 = arith.cmpi ne, %convert_element_type3A, %cond3A : i32
      scf.if %cond3A_237 {
        %add3A_431 = arith.constant 5 : i32
        %add3A_432 = arith.addi %add3A_226, %add3A_431 : i32
        %mul3A_433 = arith.constant 80 : i32
        %mul3A_434 = arith.muli %add3A, %mul3A_433 : i32
        %add3A_435 = arith.addi %mul3A_434, %add3A_432 : i32
        %dma_start3A_436 = arith.constant 0 : i32
        %dma_start3A_437 = tpu.memref_slice %arg3[%add3A_435, %dma_start3A_436] : memref<5120x128xi32, #tpu.memory_space<hbm>> -> memref<1x128xi32, #tpu.memory_space<hbm>>
        %dma_start3A_438 = arith.constant 0 : i32
        %dma_start3A_439 = tpu.memref_slice %arg3[%add3A_435, %dma_start3A_438] : memref<5120x128xi32, #tpu.memory_space<hbm>> -> memref<1x128xi32, #tpu.memory_space<hbm>>
        tpu.enqueue_dma source(%dma_start3A_439 : memref<1x128xi32, #tpu.memory_space<hbm>>) target(%arg13 : memref<1x128xi32, #tpu.memory_space<vmem>>) target_semaphore(%arg33 : memref<!tpu.dma_semaphore, #tpu.memory_space<semaphore_mem>>)
      } else {
      }
      %dma_wait3A_238 = arith.constant 2560 : i32
      %dma_wait3A_239 = arith.constant 0 : i32
      %dma_wait3A_240 = tpu.memref_slice %arg3[%dma_wait3A_238, %dma_wait3A_239] : memref<5120x128xi32, #tpu.memory_space<hbm>> -> memref<1x128xi32, #tpu.memory_space<hbm>>
      %dma_wait3A_241 = arith.constant 2560 : i32
      %dma_wait3A_242 = arith.constant 0 : i32
      %dma_wait3A_243 = tpu.memref_slice %arg3[%dma_wait3A_241, %dma_wait3A_242] : memref<5120x128xi32, #tpu.memory_space<hbm>> -> memref<1x128xi32, #tpu.memory_space<hbm>>
      tpu.wait_dma2 semaphore(%arg38 : memref<!tpu.dma_semaphore, #tpu.memory_space<semaphore_mem>>) src(%dma_wait3A_243 : memref<1x128xi32, #tpu.memory_space<hbm>>) dst(%arg18 : memref<1x128xi32, #tpu.memory_space<vmem>>)
      %dma_start3A_244 = arith.constant 0 : i32
      %dma_start3A_245 = arith.constant 0 : i32
      %dma_start3A_246 = tpu.memref_slice %arg18[%dma_start3A_244, %dma_start3A_245] : memref<1x128xi32, #tpu.memory_space<vmem>> -> memref<1x128xi32, #tpu.memory_space<vmem>>
      %dma_start3A_247 = tpu.memref_squeeze %dma_start3A_246 : memref<1x128xi32, #tpu.memory_space<vmem>> -> memref<128xi32, #tpu.memory_space<vmem>>
      %dma_start3A_248 = arith.constant 0 : i32
      %dma_start3A_249 = arith.constant 0 : i32
      %dma_start3A_250 = tpu.memref_slice %arg7[%dma_start3A_248, %dma_start3A_249] : memref<10240x64xf32, #tpu.memory_space<vmem_shared>> -> memref<10240x64xf32, #tpu.memory_space<vmem_shared>>
      tpu.enqueue_indirect_dma source(%arg8 : memref<128x64xf32, #tpu.memory_space<vmem>>) target(%dma_start3A_250 : memref<10240x64xf32, #tpu.memory_space<vmem_shared>>) offsets(%dma_start3A_247 : memref<128xi32, #tpu.memory_space<vmem>>) semaphore(%arg28 : memref<!tpu.dma_semaphore, #tpu.memory_space<semaphore_mem>>) {add = true}
      %mul3A_251 = arith.constant 5 : i32
      %mul3A_252 = arith.muli %scan3A_221, %mul3A_251 : i32
      %add3A_253 = arith.constant 1 : i32
      %add3A_254 = arith.addi %mul3A_252, %add3A_253 : i32
      %dma_wait3A_255 = arith.constant 0 : i32
      %dma_wait3A_256 = arith.constant 0 : i32
      %dma_wait3A_257 = tpu.memref_slice %arg14[%dma_wait3A_255, %dma_wait3A_256] : memref<1x128xi32, #tpu.memory_space<vmem>> -> memref<1x128xi32, #tpu.memory_space<vmem>>
      %dma_wait3A_258 = tpu.memref_squeeze %dma_wait3A_257 : memref<1x128xi32, #tpu.memory_space<vmem>> -> memref<128xi32, #tpu.memory_space<vmem>>
      %dma_wait3A_259 = arith.constant 0 : i32
      %dma_wait3A_260 = arith.constant 0 : i32
      %dma_wait3A_261 = tpu.memref_slice %arg6[%dma_wait3A_259, %dma_wait3A_260] : memref<10240x64xf32, #tpu.memory_space<vmem_shared>> -> memref<10240x64xf32, #tpu.memory_space<vmem_shared>>
      tpu.wait_indirect_dma semaphore(%arg24 : memref<!tpu.dma_semaphore, #tpu.memory_space<semaphore_mem>>) src(%dma_wait3A_261 : memref<10240x64xf32, #tpu.memory_space<vmem_shared>>) dst(%arg9 : memref<128x64xf32, #tpu.memory_space<vmem>>)
      %add3A_262 = arith.constant 5 : i32
      %add3A_263 = arith.addi %add3A_254, %add3A_262 : i32
      %lt3A_264 = arith.constant 80 : i32
      %lt3A_265 = arith.cmpi slt, %add3A_263, %lt3A_264 : i32
      %convert_element_type3A_266 = arith.extui %lt3A_265 : i1 to i32
      %cond3A_267 = arith.constant 0 : i32
      %cond3A_268 = arith.cmpi ne, %convert_element_type3A_266, %cond3A_267 : i32
      scf.if %cond3A_268 {
        %add3A_431 = arith.constant 5 : i32
        %add3A_432 = arith.addi %add3A_254, %add3A_431 : i32
        %mul3A_433 = arith.constant 80 : i32
        %mul3A_434 = arith.muli %add3A, %mul3A_433 : i32
        %add3A_435 = arith.addi %mul3A_434, %add3A_432 : i32
        %dma_start3A_436 = arith.constant 0 : i32
        %dma_start3A_437 = tpu.memref_slice %arg3[%add3A_435, %dma_start3A_436] : memref<5120x128xi32, #tpu.memory_space<hbm>> -> memref<1x128xi32, #tpu.memory_space<hbm>>
        %dma_start3A_438 = arith.constant 0 : i32
        %dma_start3A_439 = tpu.memref_slice %arg3[%add3A_435, %dma_start3A_438] : memref<5120x128xi32, #tpu.memory_space<hbm>> -> memref<1x128xi32, #tpu.memory_space<hbm>>
        tpu.enqueue_dma source(%dma_start3A_439 : memref<1x128xi32, #tpu.memory_space<hbm>>) target(%arg14 : memref<1x128xi32, #tpu.memory_space<vmem>>) target_semaphore(%arg34 : memref<!tpu.dma_semaphore, #tpu.memory_space<semaphore_mem>>)
      } else {
      }
      %dma_wait3A_269 = arith.constant 2560 : i32
      %dma_wait3A_270 = arith.constant 0 : i32
      %dma_wait3A_271 = tpu.memref_slice %arg3[%dma_wait3A_269, %dma_wait3A_270] : memref<5120x128xi32, #tpu.memory_space<hbm>> -> memref<1x128xi32, #tpu.memory_space<hbm>>
      %dma_wait3A_272 = arith.constant 2560 : i32
      %dma_wait3A_273 = arith.constant 0 : i32
      %dma_wait3A_274 = tpu.memref_slice %arg3[%dma_wait3A_272, %dma_wait3A_273] : memref<5120x128xi32, #tpu.memory_space<hbm>> -> memref<1x128xi32, #tpu.memory_space<hbm>>
      tpu.wait_dma2 semaphore(%arg39 : memref<!tpu.dma_semaphore, #tpu.memory_space<semaphore_mem>>) src(%dma_wait3A_274 : memref<1x128xi32, #tpu.memory_space<hbm>>) dst(%arg19 : memref<1x128xi32, #tpu.memory_space<vmem>>)
      %dma_start3A_275 = arith.constant 0 : i32
      %dma_start3A_276 = arith.constant 0 : i32
      %dma_start3A_277 = tpu.memref_slice %arg19[%dma_start3A_275, %dma_start3A_276] : memref<1x128xi32, #tpu.memory_space<vmem>> -> memref<1x128xi32, #tpu.memory_space<vmem>>
      %dma_start3A_278 = tpu.memref_squeeze %dma_start3A_277 : memref<1x128xi32, #tpu.memory_space<vmem>> -> memref<128xi32, #tpu.memory_space<vmem>>
      %dma_start3A_279 = arith.constant 0 : i32
      %dma_start3A_280 = arith.constant 0 : i32
      %dma_start3A_281 = tpu.memref_slice %arg7[%dma_start3A_279, %dma_start3A_280] : memref<10240x64xf32, #tpu.memory_space<vmem_shared>> -> memref<10240x64xf32, #tpu.memory_space<vmem_shared>>
      tpu.enqueue_indirect_dma source(%arg9 : memref<128x64xf32, #tpu.memory_space<vmem>>) target(%dma_start3A_281 : memref<10240x64xf32, #tpu.memory_space<vmem_shared>>) offsets(%dma_start3A_278 : memref<128xi32, #tpu.memory_space<vmem>>) semaphore(%arg29 : memref<!tpu.dma_semaphore, #tpu.memory_space<semaphore_mem>>) {add = true}
      %mul3A_282 = arith.constant 5 : i32
      %mul3A_283 = arith.muli %scan3A_221, %mul3A_282 : i32
      %add3A_284 = arith.constant 2 : i32
      %add3A_285 = arith.addi %mul3A_283, %add3A_284 : i32
      %dma_wait3A_286 = arith.constant 0 : i32
      %dma_wait3A_287 = arith.constant 0 : i32
      %dma_wait3A_288 = tpu.memref_slice %arg15[%dma_wait3A_286, %dma_wait3A_287] : memref<1x128xi32, #tpu.memory_space<vmem>> -> memref<1x128xi32, #tpu.memory_space<vmem>>
      %dma_wait3A_289 = tpu.memref_squeeze %dma_wait3A_288 : memref<1x128xi32, #tpu.memory_space<vmem>> -> memref<128xi32, #tpu.memory_space<vmem>>
      %dma_wait3A_290 = arith.constant 0 : i32
      %dma_wait3A_291 = arith.constant 0 : i32
      %dma_wait3A_292 = tpu.memref_slice %arg6[%dma_wait3A_290, %dma_wait3A_291] : memref<10240x64xf32, #tpu.memory_space<vmem_shared>> -> memref<10240x64xf32, #tpu.memory_space<vmem_shared>>
      tpu.wait_indirect_dma semaphore(%arg25 : memref<!tpu.dma_semaphore, #tpu.memory_space<semaphore_mem>>) src(%dma_wait3A_292 : memref<10240x64xf32, #tpu.memory_space<vmem_shared>>) dst(%arg10 : memref<128x64xf32, #tpu.memory_space<vmem>>)
      %add3A_293 = arith.constant 5 : i32
      %add3A_294 = arith.addi %add3A_285, %add3A_293 : i32
      %lt3A_295 = arith.constant 80 : i32
      %lt3A_296 = arith.cmpi slt, %add3A_294, %lt3A_295 : i32
      %convert_element_type3A_297 = arith.extui %lt3A_296 : i1 to i32
      %cond3A_298 = arith.constant 0 : i32
      %cond3A_299 = arith.cmpi ne, %convert_element_type3A_297, %cond3A_298 : i32
      scf.if %cond3A_299 {
        %add3A_431 = arith.constant 5 : i32
        %add3A_432 = arith.addi %add3A_285, %add3A_431 : i32
        %mul3A_433 = arith.constant 80 : i32
        %mul3A_434 = arith.muli %add3A, %mul3A_433 : i32
        %add3A_435 = arith.addi %mul3A_434, %add3A_432 : i32
        %dma_start3A_436 = arith.constant 0 : i32
        %dma_start3A_437 = tpu.memref_slice %arg3[%add3A_435, %dma_start3A_436] : memref<5120x128xi32, #tpu.memory_space<hbm>> -> memref<1x128xi32, #tpu.memory_space<hbm>>
        %dma_start3A_438 = arith.constant 0 : i32
        %dma_start3A_439 = tpu.memref_slice %arg3[%add3A_435, %dma_start3A_438] : memref<5120x128xi32, #tpu.memory_space<hbm>> -> memref<1x128xi32, #tpu.memory_space<hbm>>
        tpu.enqueue_dma source(%dma_start3A_439 : memref<1x128xi32, #tpu.memory_space<hbm>>) target(%arg15 : memref<1x128xi32, #tpu.memory_space<vmem>>) target_semaphore(%arg35 : memref<!tpu.dma_semaphore, #tpu.memory_space<semaphore_mem>>)
      } else {
      }
      %dma_wait3A_300 = arith.constant 2560 : i32
      %dma_wait3A_301 = arith.constant 0 : i32
      %dma_wait3A_302 = tpu.memref_slice %arg3[%dma_wait3A_300, %dma_wait3A_301] : memref<5120x128xi32, #tpu.memory_space<hbm>> -> memref<1x128xi32, #tpu.memory_space<hbm>>
      %dma_wait3A_303 = arith.constant 2560 : i32
      %dma_wait3A_304 = arith.constant 0 : i32
      %dma_wait3A_305 = tpu.memref_slice %arg3[%dma_wait3A_303, %dma_wait3A_304] : memref<5120x128xi32, #tpu.memory_space<hbm>> -> memref<1x128xi32, #tpu.memory_space<hbm>>
      tpu.wait_dma2 semaphore(%arg40 : memref<!tpu.dma_semaphore, #tpu.memory_space<semaphore_mem>>) src(%dma_wait3A_305 : memref<1x128xi32, #tpu.memory_space<hbm>>) dst(%arg20 : memref<1x128xi32, #tpu.memory_space<vmem>>)
      %dma_start3A_306 = arith.constant 0 : i32
      %dma_start3A_307 = arith.constant 0 : i32
      %dma_start3A_308 = tpu.memref_slice %arg20[%dma_start3A_306, %dma_start3A_307] : memref<1x128xi32, #tpu.memory_space<vmem>> -> memref<1x128xi32, #tpu.memory_space<vmem>>
      %dma_start3A_309 = tpu.memref_squeeze %dma_start3A_308 : memref<1x128xi32, #tpu.memory_space<vmem>> -> memref<128xi32, #tpu.memory_space<vmem>>
      %dma_start3A_310 = arith.constant 0 : i32
      %dma_start3A_311 = arith.constant 0 : i32
      %dma_start3A_312 = tpu.memref_slice %arg7[%dma_start3A_310, %dma_start3A_311] : memref<10240x64xf32, #tpu.memory_space<vmem_shared>> -> memref<10240x64xf32, #tpu.memory_space<vmem_shared>>
      tpu.enqueue_indirect_dma source(%arg10 : memref<128x64xf32, #tpu.memory_space<vmem>>) target(%dma_start3A_312 : memref<10240x64xf32, #tpu.memory_space<vmem_shared>>) offsets(%dma_start3A_309 : memref<128xi32, #tpu.memory_space<vmem>>) semaphore(%arg30 : memref<!tpu.dma_semaphore, #tpu.memory_space<semaphore_mem>>) {add = true}
      %mul3A_313 = arith.constant 5 : i32
      %mul3A_314 = arith.muli %scan3A_221, %mul3A_313 : i32
      %add3A_315 = arith.constant 3 : i32
      %add3A_316 = arith.addi %mul3A_314, %add3A_315 : i32
      %dma_wait3A_317 = arith.constant 0 : i32
      %dma_wait3A_318 = arith.constant 0 : i32
      %dma_wait3A_319 = tpu.memref_slice %arg16[%dma_wait3A_317, %dma_wait3A_318] : memref<1x128xi32, #tpu.memory_space<vmem>> -> memref<1x128xi32, #tpu.memory_space<vmem>>
      %dma_wait3A_320 = tpu.memref_squeeze %dma_wait3A_319 : memref<1x128xi32, #tpu.memory_space<vmem>> -> memref<128xi32, #tpu.memory_space<vmem>>
      %dma_wait3A_321 = arith.constant 0 : i32
      %dma_wait3A_322 = arith.constant 0 : i32
      %dma_wait3A_323 = tpu.memref_slice %arg6[%dma_wait3A_321, %dma_wait3A_322] : memref<10240x64xf32, #tpu.memory_space<vmem_shared>> -> memref<10240x64xf32, #tpu.memory_space<vmem_shared>>
      tpu.wait_indirect_dma semaphore(%arg26 : memref<!tpu.dma_semaphore, #tpu.memory_space<semaphore_mem>>) src(%dma_wait3A_323 : memref<10240x64xf32, #tpu.memory_space<vmem_shared>>) dst(%arg11 : memref<128x64xf32, #tpu.memory_space<vmem>>)
      %add3A_324 = arith.constant 5 : i32
      %add3A_325 = arith.addi %add3A_316, %add3A_324 : i32
      %lt3A_326 = arith.constant 80 : i32
      %lt3A_327 = arith.cmpi slt, %add3A_325, %lt3A_326 : i32
      %convert_element_type3A_328 = arith.extui %lt3A_327 : i1 to i32
      %cond3A_329 = arith.constant 0 : i32
      %cond3A_330 = arith.cmpi ne, %convert_element_type3A_328, %cond3A_329 : i32
      scf.if %cond3A_330 {
        %add3A_431 = arith.constant 5 : i32
        %add3A_432 = arith.addi %add3A_316, %add3A_431 : i32
        %mul3A_433 = arith.constant 80 : i32
        %mul3A_434 = arith.muli %add3A, %mul3A_433 : i32
        %add3A_435 = arith.addi %mul3A_434, %add3A_432 : i32
        %dma_start3A_436 = arith.constant 0 : i32
        %dma_start3A_437 = tpu.memref_slice %arg3[%add3A_435, %dma_start3A_436] : memref<5120x128xi32, #tpu.memory_space<hbm>> -> memref<1x128xi32, #tpu.memory_space<hbm>>
        %dma_start3A_438 = arith.constant 0 : i32
        %dma_start3A_439 = tpu.memref_slice %arg3[%add3A_435, %dma_start3A_438] : memref<5120x128xi32, #tpu.memory_space<hbm>> -> memref<1x128xi32, #tpu.memory_space<hbm>>
        tpu.enqueue_dma source(%dma_start3A_439 : memref<1x128xi32, #tpu.memory_space<hbm>>) target(%arg16 : memref<1x128xi32, #tpu.memory_space<vmem>>) target_semaphore(%arg36 : memref<!tpu.dma_semaphore, #tpu.memory_space<semaphore_mem>>)
      } else {
      }
      %dma_wait3A_331 = arith.constant 2560 : i32
      %dma_wait3A_332 = arith.constant 0 : i32
      %dma_wait3A_333 = tpu.memref_slice %arg3[%dma_wait3A_331, %dma_wait3A_332] : memref<5120x128xi32, #tpu.memory_space<hbm>> -> memref<1x128xi32, #tpu.memory_space<hbm>>
      %dma_wait3A_334 = arith.constant 2560 : i32
      %dma_wait3A_335 = arith.constant 0 : i32
      %dma_wait3A_336 = tpu.memref_slice %arg3[%dma_wait3A_334, %dma_wait3A_335] : memref<5120x128xi32, #tpu.memory_space<hbm>> -> memref<1x128xi32, #tpu.memory_space<hbm>>
      tpu.wait_dma2 semaphore(%arg41 : memref<!tpu.dma_semaphore, #tpu.memory_space<semaphore_mem>>) src(%dma_wait3A_336 : memref<1x128xi32, #tpu.memory_space<hbm>>) dst(%arg21 : memref<1x128xi32, #tpu.memory_space<vmem>>)
      %dma_start3A_337 = arith.constant 0 : i32
      %dma_start3A_338 = arith.constant 0 : i32
      %dma_start3A_339 = tpu.memref_slice %arg21[%dma_start3A_337, %dma_start3A_338] : memref<1x128xi32, #tpu.memory_space<vmem>> -> memref<1x128xi32, #tpu.memory_space<vmem>>
      %dma_start3A_340 = tpu.memref_squeeze %dma_start3A_339 : memref<1x128xi32, #tpu.memory_space<vmem>> -> memref<128xi32, #tpu.memory_space<vmem>>
      %dma_start3A_341 = arith.constant 0 : i32
      %dma_start3A_342 = arith.constant 0 : i32
      %dma_start3A_343 = tpu.memref_slice %arg7[%dma_start3A_341, %dma_start3A_342] : memref<10240x64xf32, #tpu.memory_space<vmem_shared>> -> memref<10240x64xf32, #tpu.memory_space<vmem_shared>>
      tpu.enqueue_indirect_dma source(%arg11 : memref<128x64xf32, #tpu.memory_space<vmem>>) target(%dma_start3A_343 : memref<10240x64xf32, #tpu.memory_space<vmem_shared>>) offsets(%dma_start3A_340 : memref<128xi32, #tpu.memory_space<vmem>>) semaphore(%arg31 : memref<!tpu.dma_semaphore, #tpu.memory_space<semaphore_mem>>) {add = true}
      %mul3A_344 = arith.constant 5 : i32
      %mul3A_345 = arith.muli %scan3A_221, %mul3A_344 : i32
      %add3A_346 = arith.constant 4 : i32
      %add3A_347 = arith.addi %mul3A_345, %add3A_346 : i32
      %dma_wait3A_348 = arith.constant 0 : i32
      %dma_wait3A_349 = arith.constant 0 : i32
      %dma_wait3A_350 = tpu.memref_slice %arg17[%dma_wait3A_348, %dma_wait3A_349] : memref<1x128xi32, #tpu.memory_space<vmem>> -> memref<1x128xi32, #tpu.memory_space<vmem>>
      %dma_wait3A_351 = tpu.memref_squeeze %dma_wait3A_350 : memref<1x128xi32, #tpu.memory_space<vmem>> -> memref<128xi32, #tpu.memory_space<vmem>>
      %dma_wait3A_352 = arith.constant 0 : i32
      %dma_wait3A_353 = arith.constant 0 : i32
      %dma_wait3A_354 = tpu.memref_slice %arg6[%dma_wait3A_352, %dma_wait3A_353] : memref<10240x64xf32, #tpu.memory_space<vmem_shared>> -> memref<10240x64xf32, #tpu.memory_space<vmem_shared>>
      tpu.wait_indirect_dma semaphore(%arg27 : memref<!tpu.dma_semaphore, #tpu.memory_space<semaphore_mem>>) src(%dma_wait3A_354 : memref<10240x64xf32, #tpu.memory_space<vmem_shared>>) dst(%arg12 : memref<128x64xf32, #tpu.memory_space<vmem>>)
      %add3A_355 = arith.constant 5 : i32
      %add3A_356 = arith.addi %add3A_347, %add3A_355 : i32
      %lt3A_357 = arith.constant 80 : i32
      %lt3A_358 = arith.cmpi slt, %add3A_356, %lt3A_357 : i32
      %convert_element_type3A_359 = arith.extui %lt3A_358 : i1 to i32
      %cond3A_360 = arith.constant 0 : i32
      %cond3A_361 = arith.cmpi ne, %convert_element_type3A_359, %cond3A_360 : i32
      scf.if %cond3A_361 {
        %add3A_431 = arith.constant 5 : i32
        %add3A_432 = arith.addi %add3A_347, %add3A_431 : i32
        %mul3A_433 = arith.constant 80 : i32
        %mul3A_434 = arith.muli %add3A, %mul3A_433 : i32
        %add3A_435 = arith.addi %mul3A_434, %add3A_432 : i32
        %dma_start3A_436 = arith.constant 0 : i32
        %dma_start3A_437 = tpu.memref_slice %arg3[%add3A_435, %dma_start3A_436] : memref<5120x128xi32, #tpu.memory_space<hbm>> -> memref<1x128xi32, #tpu.memory_space<hbm>>
        %dma_start3A_438 = arith.constant 0 : i32
        %dma_start3A_439 = tpu.memref_slice %arg3[%add3A_435, %dma_start3A_438] : memref<5120x128xi32, #tpu.memory_space<hbm>> -> memref<1x128xi32, #tpu.memory_space<hbm>>
        tpu.enqueue_dma source(%dma_start3A_439 : memref<1x128xi32, #tpu.memory_space<hbm>>) target(%arg17 : memref<1x128xi32, #tpu.memory_space<vmem>>) target_semaphore(%arg37 : memref<!tpu.dma_semaphore, #tpu.memory_space<semaphore_mem>>)
      } else {
      }
      %dma_wait3A_362 = arith.constant 2560 : i32
      %dma_wait3A_363 = arith.constant 0 : i32
      %dma_wait3A_364 = tpu.memref_slice %arg3[%dma_wait3A_362, %dma_wait3A_363] : memref<5120x128xi32, #tpu.memory_space<hbm>> -> memref<1x128xi32, #tpu.memory_space<hbm>>
      %dma_wait3A_365 = arith.constant 2560 : i32
      %dma_wait3A_366 = arith.constant 0 : i32
      %dma_wait3A_367 = tpu.memref_slice %arg3[%dma_wait3A_365, %dma_wait3A_366] : memref<5120x128xi32, #tpu.memory_space<hbm>> -> memref<1x128xi32, #tpu.memory_space<hbm>>
      tpu.wait_dma2 semaphore(%arg42 : memref<!tpu.dma_semaphore, #tpu.memory_space<semaphore_mem>>) src(%dma_wait3A_367 : memref<1x128xi32, #tpu.memory_space<hbm>>) dst(%arg22 : memref<1x128xi32, #tpu.memory_space<vmem>>)
      %dma_start3A_368 = arith.constant 0 : i32
      %dma_start3A_369 = arith.constant 0 : i32
      %dma_start3A_370 = tpu.memref_slice %arg22[%dma_start3A_368, %dma_start3A_369] : memref<1x128xi32, #tpu.memory_space<vmem>> -> memref<1x128xi32, #tpu.memory_space<vmem>>
      %dma_start3A_371 = tpu.memref_squeeze %dma_start3A_370 : memref<1x128xi32, #tpu.memory_space<vmem>> -> memref<128xi32, #tpu.memory_space<vmem>>
      %dma_start3A_372 = arith.constant 0 : i32
      %dma_start3A_373 = arith.constant 0 : i32
      %dma_start3A_374 = tpu.memref_slice %arg7[%dma_start3A_372, %dma_start3A_373] : memref<10240x64xf32, #tpu.memory_space<vmem_shared>> -> memref<10240x64xf32, #tpu.memory_space<vmem_shared>>
      tpu.enqueue_indirect_dma source(%arg12 : memref<128x64xf32, #tpu.memory_space<vmem>>) target(%dma_start3A_374 : memref<10240x64xf32, #tpu.memory_space<vmem_shared>>) offsets(%dma_start3A_371 : memref<128xi32, #tpu.memory_space<vmem>>) semaphore(%arg32 : memref<!tpu.dma_semaphore, #tpu.memory_space<semaphore_mem>>) {add = true}
      %mul3A_375 = arith.constant 5 : i32
      %mul3A_376 = arith.muli %scan3A_221, %mul3A_375 : i32
      %add3A_377 = arith.constant 0 : i32
      %add3A_378 = arith.addi %mul3A_376, %add3A_377 : i32
      %add3A_379 = arith.constant 5 : i32
      %add3A_380 = arith.addi %add3A_378, %add3A_379 : i32
      %lt3A_381 = arith.constant 80 : i32
      %lt3A_382 = arith.cmpi slt, %add3A_380, %lt3A_381 : i32
      %convert_element_type3A_383 = arith.extui %lt3A_382 : i1 to i32
      %cond3A_384 = arith.constant 0 : i32
      %cond3A_385 = arith.cmpi ne, %convert_element_type3A_383, %cond3A_384 : i32
      scf.if %cond3A_385 {
        %dma_wait3A_431 = arith.constant 0 : i32
        %dma_wait3A_432 = arith.constant 0 : i32
        %dma_wait3A_433 = tpu.memref_slice %arg18[%dma_wait3A_431, %dma_wait3A_432] : memref<1x128xi32, #tpu.memory_space<vmem>> -> memref<1x128xi32, #tpu.memory_space<vmem>>
        %dma_wait3A_434 = tpu.memref_squeeze %dma_wait3A_433 : memref<1x128xi32, #tpu.memory_space<vmem>> -> memref<128xi32, #tpu.memory_space<vmem>>
        %dma_wait3A_435 = arith.constant 0 : i32
        %dma_wait3A_436 = arith.constant 0 : i32
        %dma_wait3A_437 = tpu.memref_slice %arg7[%dma_wait3A_435, %dma_wait3A_436] : memref<10240x64xf32, #tpu.memory_space<vmem_shared>> -> memref<10240x64xf32, #tpu.memory_space<vmem_shared>>
        tpu.wait_indirect_dma semaphore(%arg28 : memref<!tpu.dma_semaphore, #tpu.memory_space<semaphore_mem>>) src(%arg8 : memref<128x64xf32, #tpu.memory_space<vmem>>) dst(%dma_wait3A_437 : memref<10240x64xf32, #tpu.memory_space<vmem_shared>>)
        %add3A_438 = arith.constant 5 : i32
        %add3A_439 = arith.addi %add3A_378, %add3A_438 : i32
        %mul3A_440 = arith.constant 80 : i32
        %mul3A_441 = arith.muli %add3A, %mul3A_440 : i32
        %add3A_442 = arith.constant 2560 : i32
        %add3A_443 = arith.addi %add3A_442, %mul3A_441 : i32
        %add3A_444 = arith.addi %add3A_443, %add3A_439 : i32
        %dma_start3A_445 = arith.constant 0 : i32
        %dma_start3A_446 = tpu.memref_slice %arg3[%add3A_444, %dma_start3A_445] : memref<5120x128xi32, #tpu.memory_space<hbm>> -> memref<1x128xi32, #tpu.memory_space<hbm>>
        %dma_start3A_447 = arith.constant 0 : i32
        %dma_start3A_448 = tpu.memref_slice %arg3[%add3A_444, %dma_start3A_447] : memref<5120x128xi32, #tpu.memory_space<hbm>> -> memref<1x128xi32, #tpu.memory_space<hbm>>
        tpu.enqueue_dma source(%dma_start3A_448 : memref<1x128xi32, #tpu.memory_space<hbm>>) target(%arg18 : memref<1x128xi32, #tpu.memory_space<vmem>>) target_semaphore(%arg38 : memref<!tpu.dma_semaphore, #tpu.memory_space<semaphore_mem>>)
        %mul3A_449 = arith.constant 80 : i32
        %mul3A_450 = arith.muli %add3A, %mul3A_449 : i32
        %dma_wait3A_451 = arith.constant 0 : i32
        %dma_wait3A_452 = tpu.memref_slice %arg3[%mul3A_450, %dma_wait3A_451] : memref<5120x128xi32, #tpu.memory_space<hbm>> -> memref<1x128xi32, #tpu.memory_space<hbm>>
        %dma_wait3A_453 = arith.constant 0 : i32
        %dma_wait3A_454 = tpu.memref_slice %arg3[%mul3A_450, %dma_wait3A_453] : memref<5120x128xi32, #tpu.memory_space<hbm>> -> memref<1x128xi32, #tpu.memory_space<hbm>>
        tpu.wait_dma2 semaphore(%arg33 : memref<!tpu.dma_semaphore, #tpu.memory_space<semaphore_mem>>) src(%dma_wait3A_454 : memref<1x128xi32, #tpu.memory_space<hbm>>) dst(%arg13 : memref<1x128xi32, #tpu.memory_space<vmem>>)
        %add3A_455 = arith.constant 5 : i32
        %add3A_456 = arith.addi %add3A_378, %add3A_455 : i32
        %dma_start3A_457 = arith.constant 0 : i32
        %dma_start3A_458 = arith.constant 0 : i32
        %dma_start3A_459 = tpu.memref_slice %arg13[%dma_start3A_457, %dma_start3A_458] : memref<1x128xi32, #tpu.memory_space<vmem>> -> memref<1x128xi32, #tpu.memory_space<vmem>>
        %dma_start3A_460 = tpu.memref_squeeze %dma_start3A_459 : memref<1x128xi32, #tpu.memory_space<vmem>> -> memref<128xi32, #tpu.memory_space<vmem>>
        %dma_start3A_461 = arith.constant 0 : i32
        %dma_start3A_462 = arith.constant 0 : i32
        %dma_start3A_463 = tpu.memref_slice %arg6[%dma_start3A_461, %dma_start3A_462] : memref<10240x64xf32, #tpu.memory_space<vmem_shared>> -> memref<10240x64xf32, #tpu.memory_space<vmem_shared>>
        tpu.enqueue_indirect_dma source(%dma_start3A_463 : memref<10240x64xf32, #tpu.memory_space<vmem_shared>>) target(%arg8 : memref<128x64xf32, #tpu.memory_space<vmem>>) offsets(%dma_start3A_460 : memref<128xi32, #tpu.memory_space<vmem>>) semaphore(%arg23 : memref<!tpu.dma_semaphore, #tpu.memory_space<semaphore_mem>>)
      } else {
      }
      %mul3A_386 = arith.constant 5 : i32
      %mul3A_387 = arith.muli %scan3A_221, %mul3A_386 : i32
      %add3A_388 = arith.constant 1 : i32
      %add3A_389 = arith.addi %mul3A_387, %add3A_388 : i32
      %add3A_390 = arith.constant 5 : i32
      %add3A_391 = arith.addi %add3A_389, %add3A_390 : i32
      %lt3A_392 = arith.constant 80 : i32
      %lt3A_393 = arith.cmpi slt, %add3A_391, %lt3A_392 : i32
      %convert_element_type3A_394 = arith.extui %lt3A_393 : i1 to i32
      %cond3A_395 = arith.constant 0 : i32
      %cond3A_396 = arith.cmpi ne, %convert_element_type3A_394, %cond3A_395 : i32
      scf.if %cond3A_396 {
        %dma_wait3A_431 = arith.constant 0 : i32
        %dma_wait3A_432 = arith.constant 0 : i32
        %dma_wait3A_433 = tpu.memref_slice %arg19[%dma_wait3A_431, %dma_wait3A_432] : memref<1x128xi32, #tpu.memory_space<vmem>> -> memref<1x128xi32, #tpu.memory_space<vmem>>
        %dma_wait3A_434 = tpu.memref_squeeze %dma_wait3A_433 : memref<1x128xi32, #tpu.memory_space<vmem>> -> memref<128xi32, #tpu.memory_space<vmem>>
        %dma_wait3A_435 = arith.constant 0 : i32
        %dma_wait3A_436 = arith.constant 0 : i32
        %dma_wait3A_437 = tpu.memref_slice %arg7[%dma_wait3A_435, %dma_wait3A_436] : memref<10240x64xf32, #tpu.memory_space<vmem_shared>> -> memref<10240x64xf32, #tpu.memory_space<vmem_shared>>
        tpu.wait_indirect_dma semaphore(%arg29 : memref<!tpu.dma_semaphore, #tpu.memory_space<semaphore_mem>>) src(%arg9 : memref<128x64xf32, #tpu.memory_space<vmem>>) dst(%dma_wait3A_437 : memref<10240x64xf32, #tpu.memory_space<vmem_shared>>)
        %add3A_438 = arith.constant 5 : i32
        %add3A_439 = arith.addi %add3A_389, %add3A_438 : i32
        %mul3A_440 = arith.constant 80 : i32
        %mul3A_441 = arith.muli %add3A, %mul3A_440 : i32
        %add3A_442 = arith.constant 2560 : i32
        %add3A_443 = arith.addi %add3A_442, %mul3A_441 : i32
        %add3A_444 = arith.addi %add3A_443, %add3A_439 : i32
        %dma_start3A_445 = arith.constant 0 : i32
        %dma_start3A_446 = tpu.memref_slice %arg3[%add3A_444, %dma_start3A_445] : memref<5120x128xi32, #tpu.memory_space<hbm>> -> memref<1x128xi32, #tpu.memory_space<hbm>>
        %dma_start3A_447 = arith.constant 0 : i32
        %dma_start3A_448 = tpu.memref_slice %arg3[%add3A_444, %dma_start3A_447] : memref<5120x128xi32, #tpu.memory_space<hbm>> -> memref<1x128xi32, #tpu.memory_space<hbm>>
        tpu.enqueue_dma source(%dma_start3A_448 : memref<1x128xi32, #tpu.memory_space<hbm>>) target(%arg19 : memref<1x128xi32, #tpu.memory_space<vmem>>) target_semaphore(%arg39 : memref<!tpu.dma_semaphore, #tpu.memory_space<semaphore_mem>>)
        %mul3A_449 = arith.constant 80 : i32
        %mul3A_450 = arith.muli %add3A, %mul3A_449 : i32
        %dma_wait3A_451 = arith.constant 0 : i32
        %dma_wait3A_452 = tpu.memref_slice %arg3[%mul3A_450, %dma_wait3A_451] : memref<5120x128xi32, #tpu.memory_space<hbm>> -> memref<1x128xi32, #tpu.memory_space<hbm>>
        %dma_wait3A_453 = arith.constant 0 : i32
        %dma_wait3A_454 = tpu.memref_slice %arg3[%mul3A_450, %dma_wait3A_453] : memref<5120x128xi32, #tpu.memory_space<hbm>> -> memref<1x128xi32, #tpu.memory_space<hbm>>
        tpu.wait_dma2 semaphore(%arg34 : memref<!tpu.dma_semaphore, #tpu.memory_space<semaphore_mem>>) src(%dma_wait3A_454 : memref<1x128xi32, #tpu.memory_space<hbm>>) dst(%arg14 : memref<1x128xi32, #tpu.memory_space<vmem>>)
        %add3A_455 = arith.constant 5 : i32
        %add3A_456 = arith.addi %add3A_389, %add3A_455 : i32
        %dma_start3A_457 = arith.constant 0 : i32
        %dma_start3A_458 = arith.constant 0 : i32
        %dma_start3A_459 = tpu.memref_slice %arg14[%dma_start3A_457, %dma_start3A_458] : memref<1x128xi32, #tpu.memory_space<vmem>> -> memref<1x128xi32, #tpu.memory_space<vmem>>
        %dma_start3A_460 = tpu.memref_squeeze %dma_start3A_459 : memref<1x128xi32, #tpu.memory_space<vmem>> -> memref<128xi32, #tpu.memory_space<vmem>>
        %dma_start3A_461 = arith.constant 0 : i32
        %dma_start3A_462 = arith.constant 0 : i32
        %dma_start3A_463 = tpu.memref_slice %arg6[%dma_start3A_461, %dma_start3A_462] : memref<10240x64xf32, #tpu.memory_space<vmem_shared>> -> memref<10240x64xf32, #tpu.memory_space<vmem_shared>>
        tpu.enqueue_indirect_dma source(%dma_start3A_463 : memref<10240x64xf32, #tpu.memory_space<vmem_shared>>) target(%arg9 : memref<128x64xf32, #tpu.memory_space<vmem>>) offsets(%dma_start3A_460 : memref<128xi32, #tpu.memory_space<vmem>>) semaphore(%arg24 : memref<!tpu.dma_semaphore, #tpu.memory_space<semaphore_mem>>)
      } else {
      }
      %mul3A_397 = arith.constant 5 : i32
      %mul3A_398 = arith.muli %scan3A_221, %mul3A_397 : i32
      %add3A_399 = arith.constant 2 : i32
      %add3A_400 = arith.addi %mul3A_398, %add3A_399 : i32
      %add3A_401 = arith.constant 5 : i32
      %add3A_402 = arith.addi %add3A_400, %add3A_401 : i32
      %lt3A_403 = arith.constant 80 : i32
      %lt3A_404 = arith.cmpi slt, %add3A_402, %lt3A_403 : i32
      %convert_element_type3A_405 = arith.extui %lt3A_404 : i1 to i32
      %cond3A_406 = arith.constant 0 : i32
      %cond3A_407 = arith.cmpi ne, %convert_element_type3A_405, %cond3A_406 : i32
      scf.if %cond3A_407 {
        %dma_wait3A_431 = arith.constant 0 : i32
        %dma_wait3A_432 = arith.constant 0 : i32
        %dma_wait3A_433 = tpu.memref_slice %arg20[%dma_wait3A_431, %dma_wait3A_432] : memref<1x128xi32, #tpu.memory_space<vmem>> -> memref<1x128xi32, #tpu.memory_space<vmem>>
        %dma_wait3A_434 = tpu.memref_squeeze %dma_wait3A_433 : memref<1x128xi32, #tpu.memory_space<vmem>> -> memref<128xi32, #tpu.memory_space<vmem>>
        %dma_wait3A_435 = arith.constant 0 : i32
        %dma_wait3A_436 = arith.constant 0 : i32
        %dma_wait3A_437 = tpu.memref_slice %arg7[%dma_wait3A_435, %dma_wait3A_436] : memref<10240x64xf32, #tpu.memory_space<vmem_shared>> -> memref<10240x64xf32, #tpu.memory_space<vmem_shared>>
        tpu.wait_indirect_dma semaphore(%arg30 : memref<!tpu.dma_semaphore, #tpu.memory_space<semaphore_mem>>) src(%arg10 : memref<128x64xf32, #tpu.memory_space<vmem>>) dst(%dma_wait3A_437 : memref<10240x64xf32, #tpu.memory_space<vmem_shared>>)
        %add3A_438 = arith.constant 5 : i32
        %add3A_439 = arith.addi %add3A_400, %add3A_438 : i32
        %mul3A_440 = arith.constant 80 : i32
        %mul3A_441 = arith.muli %add3A, %mul3A_440 : i32
        %add3A_442 = arith.constant 2560 : i32
        %add3A_443 = arith.addi %add3A_442, %mul3A_441 : i32
        %add3A_444 = arith.addi %add3A_443, %add3A_439 : i32
        %dma_start3A_445 = arith.constant 0 : i32
        %dma_start3A_446 = tpu.memref_slice %arg3[%add3A_444, %dma_start3A_445] : memref<5120x128xi32, #tpu.memory_space<hbm>> -> memref<1x128xi32, #tpu.memory_space<hbm>>
        %dma_start3A_447 = arith.constant 0 : i32
        %dma_start3A_448 = tpu.memref_slice %arg3[%add3A_444, %dma_start3A_447] : memref<5120x128xi32, #tpu.memory_space<hbm>> -> memref<1x128xi32, #tpu.memory_space<hbm>>
        tpu.enqueue_dma source(%dma_start3A_448 : memref<1x128xi32, #tpu.memory_space<hbm>>) target(%arg20 : memref<1x128xi32, #tpu.memory_space<vmem>>) target_semaphore(%arg40 : memref<!tpu.dma_semaphore, #tpu.memory_space<semaphore_mem>>)
        %mul3A_449 = arith.constant 80 : i32
        %mul3A_450 = arith.muli %add3A, %mul3A_449 : i32
        %dma_wait3A_451 = arith.constant 0 : i32
        %dma_wait3A_452 = tpu.memref_slice %arg3[%mul3A_450, %dma_wait3A_451] : memref<5120x128xi32, #tpu.memory_space<hbm>> -> memref<1x128xi32, #tpu.memory_space<hbm>>
        %dma_wait3A_453 = arith.constant 0 : i32
        %dma_wait3A_454 = tpu.memref_slice %arg3[%mul3A_450, %dma_wait3A_453] : memref<5120x128xi32, #tpu.memory_space<hbm>> -> memref<1x128xi32, #tpu.memory_space<hbm>>
        tpu.wait_dma2 semaphore(%arg35 : memref<!tpu.dma_semaphore, #tpu.memory_space<semaphore_mem>>) src(%dma_wait3A_454 : memref<1x128xi32, #tpu.memory_space<hbm>>) dst(%arg15 : memref<1x128xi32, #tpu.memory_space<vmem>>)
        %add3A_455 = arith.constant 5 : i32
        %add3A_456 = arith.addi %add3A_400, %add3A_455 : i32
        %dma_start3A_457 = arith.constant 0 : i32
        %dma_start3A_458 = arith.constant 0 : i32
        %dma_start3A_459 = tpu.memref_slice %arg15[%dma_start3A_457, %dma_start3A_458] : memref<1x128xi32, #tpu.memory_space<vmem>> -> memref<1x128xi32, #tpu.memory_space<vmem>>
        %dma_start3A_460 = tpu.memref_squeeze %dma_start3A_459 : memref<1x128xi32, #tpu.memory_space<vmem>> -> memref<128xi32, #tpu.memory_space<vmem>>
        %dma_start3A_461 = arith.constant 0 : i32
        %dma_start3A_462 = arith.constant 0 : i32
        %dma_start3A_463 = tpu.memref_slice %arg6[%dma_start3A_461, %dma_start3A_462] : memref<10240x64xf32, #tpu.memory_space<vmem_shared>> -> memref<10240x64xf32, #tpu.memory_space<vmem_shared>>
        tpu.enqueue_indirect_dma source(%dma_start3A_463 : memref<10240x64xf32, #tpu.memory_space<vmem_shared>>) target(%arg10 : memref<128x64xf32, #tpu.memory_space<vmem>>) offsets(%dma_start3A_460 : memref<128xi32, #tpu.memory_space<vmem>>) semaphore(%arg25 : memref<!tpu.dma_semaphore, #tpu.memory_space<semaphore_mem>>)
      } else {
      }
      %mul3A_408 = arith.constant 5 : i32
      %mul3A_409 = arith.muli %scan3A_221, %mul3A_408 : i32
      %add3A_410 = arith.constant 3 : i32
      %add3A_411 = arith.addi %mul3A_409, %add3A_410 : i32
      %add3A_412 = arith.constant 5 : i32
      %add3A_413 = arith.addi %add3A_411, %add3A_412 : i32
      %lt3A_414 = arith.constant 80 : i32
      %lt3A_415 = arith.cmpi slt, %add3A_413, %lt3A_414 : i32
      %convert_element_type3A_416 = arith.extui %lt3A_415 : i1 to i32
      %cond3A_417 = arith.constant 0 : i32
      %cond3A_418 = arith.cmpi ne, %convert_element_type3A_416, %cond3A_417 : i32
      scf.if %cond3A_418 {
        %dma_wait3A_431 = arith.constant 0 : i32
        %dma_wait3A_432 = arith.constant 0 : i32
        %dma_wait3A_433 = tpu.memref_slice %arg21[%dma_wait3A_431, %dma_wait3A_432] : memref<1x128xi32, #tpu.memory_space<vmem>> -> memref<1x128xi32, #tpu.memory_space<vmem>>
        %dma_wait3A_434 = tpu.memref_squeeze %dma_wait3A_433 : memref<1x128xi32, #tpu.memory_space<vmem>> -> memref<128xi32, #tpu.memory_space<vmem>>
        %dma_wait3A_435 = arith.constant 0 : i32
        %dma_wait3A_436 = arith.constant 0 : i32
        %dma_wait3A_437 = tpu.memref_slice %arg7[%dma_wait3A_435, %dma_wait3A_436] : memref<10240x64xf32, #tpu.memory_space<vmem_shared>> -> memref<10240x64xf32, #tpu.memory_space<vmem_shared>>
        tpu.wait_indirect_dma semaphore(%arg31 : memref<!tpu.dma_semaphore, #tpu.memory_space<semaphore_mem>>) src(%arg11 : memref<128x64xf32, #tpu.memory_space<vmem>>) dst(%dma_wait3A_437 : memref<10240x64xf32, #tpu.memory_space<vmem_shared>>)
        %add3A_438 = arith.constant 5 : i32
        %add3A_439 = arith.addi %add3A_411, %add3A_438 : i32
        %mul3A_440 = arith.constant 80 : i32
        %mul3A_441 = arith.muli %add3A, %mul3A_440 : i32
        %add3A_442 = arith.constant 2560 : i32
        %add3A_443 = arith.addi %add3A_442, %mul3A_441 : i32
        %add3A_444 = arith.addi %add3A_443, %add3A_439 : i32
        %dma_start3A_445 = arith.constant 0 : i32
        %dma_start3A_446 = tpu.memref_slice %arg3[%add3A_444, %dma_start3A_445] : memref<5120x128xi32, #tpu.memory_space<hbm>> -> memref<1x128xi32, #tpu.memory_space<hbm>>
        %dma_start3A_447 = arith.constant 0 : i32
        %dma_start3A_448 = tpu.memref_slice %arg3[%add3A_444, %dma_start3A_447] : memref<5120x128xi32, #tpu.memory_space<hbm>> -> memref<1x128xi32, #tpu.memory_space<hbm>>
        tpu.enqueue_dma source(%dma_start3A_448 : memref<1x128xi32, #tpu.memory_space<hbm>>) target(%arg21 : memref<1x128xi32, #tpu.memory_space<vmem>>) target_semaphore(%arg41 : memref<!tpu.dma_semaphore, #tpu.memory_space<semaphore_mem>>)
        %mul3A_449 = arith.constant 80 : i32
        %mul3A_450 = arith.muli %add3A, %mul3A_449 : i32
        %dma_wait3A_451 = arith.constant 0 : i32
        %dma_wait3A_452 = tpu.memref_slice %arg3[%mul3A_450, %dma_wait3A_451] : memref<5120x128xi32, #tpu.memory_space<hbm>> -> memref<1x128xi32, #tpu.memory_space<hbm>>
        %dma_wait3A_453 = arith.constant 0 : i32
        %dma_wait3A_454 = tpu.memref_slice %arg3[%mul3A_450, %dma_wait3A_453] : memref<5120x128xi32, #tpu.memory_space<hbm>> -> memref<1x128xi32, #tpu.memory_space<hbm>>
        tpu.wait_dma2 semaphore(%arg36 : memref<!tpu.dma_semaphore, #tpu.memory_space<semaphore_mem>>) src(%dma_wait3A_454 : memref<1x128xi32, #tpu.memory_space<hbm>>) dst(%arg16 : memref<1x128xi32, #tpu.memory_space<vmem>>)
        %add3A_455 = arith.constant 5 : i32
        %add3A_456 = arith.addi %add3A_411, %add3A_455 : i32
        %dma_start3A_457 = arith.constant 0 : i32
        %dma_start3A_458 = arith.constant 0 : i32
        %dma_start3A_459 = tpu.memref_slice %arg16[%dma_start3A_457, %dma_start3A_458] : memref<1x128xi32, #tpu.memory_space<vmem>> -> memref<1x128xi32, #tpu.memory_space<vmem>>
        %dma_start3A_460 = tpu.memref_squeeze %dma_start3A_459 : memref<1x128xi32, #tpu.memory_space<vmem>> -> memref<128xi32, #tpu.memory_space<vmem>>
        %dma_start3A_461 = arith.constant 0 : i32
        %dma_start3A_462 = arith.constant 0 : i32
        %dma_start3A_463 = tpu.memref_slice %arg6[%dma_start3A_461, %dma_start3A_462] : memref<10240x64xf32, #tpu.memory_space<vmem_shared>> -> memref<10240x64xf32, #tpu.memory_space<vmem_shared>>
        tpu.enqueue_indirect_dma source(%dma_start3A_463 : memref<10240x64xf32, #tpu.memory_space<vmem_shared>>) target(%arg11 : memref<128x64xf32, #tpu.memory_space<vmem>>) offsets(%dma_start3A_460 : memref<128xi32, #tpu.memory_space<vmem>>) semaphore(%arg26 : memref<!tpu.dma_semaphore, #tpu.memory_space<semaphore_mem>>)
      } else {
      }
      %mul3A_419 = arith.constant 5 : i32
      %mul3A_420 = arith.muli %scan3A_221, %mul3A_419 : i32
      %add3A_421 = arith.constant 4 : i32
      %add3A_422 = arith.addi %mul3A_420, %add3A_421 : i32
      %add3A_423 = arith.constant 5 : i32
      %add3A_424 = arith.addi %add3A_422, %add3A_423 : i32
      %lt3A_425 = arith.constant 80 : i32
      %lt3A_426 = arith.cmpi slt, %add3A_424, %lt3A_425 : i32
      %convert_element_type3A_427 = arith.extui %lt3A_426 : i1 to i32
      %cond3A_428 = arith.constant 0 : i32
      %cond3A_429 = arith.cmpi ne, %convert_element_type3A_427, %cond3A_428 : i32
      scf.if %cond3A_429 {
        %dma_wait3A_431 = arith.constant 0 : i32
        %dma_wait3A_432 = arith.constant 0 : i32
        %dma_wait3A_433 = tpu.memref_slice %arg22[%dma_wait3A_431, %dma_wait3A_432] : memref<1x128xi32, #tpu.memory_space<vmem>> -> memref<1x128xi32, #tpu.memory_space<vmem>>
        %dma_wait3A_434 = tpu.memref_squeeze %dma_wait3A_433 : memref<1x128xi32, #tpu.memory_space<vmem>> -> memref<128xi32, #tpu.memory_space<vmem>>
        %dma_wait3A_435 = arith.constant 0 : i32
        %dma_wait3A_436 = arith.constant 0 : i32
        %dma_wait3A_437 = tpu.memref_slice %arg7[%dma_wait3A_435, %dma_wait3A_436] : memref<10240x64xf32, #tpu.memory_space<vmem_shared>> -> memref<10240x64xf32, #tpu.memory_space<vmem_shared>>
        tpu.wait_indirect_dma semaphore(%arg32 : memref<!tpu.dma_semaphore, #tpu.memory_space<semaphore_mem>>) src(%arg12 : memref<128x64xf32, #tpu.memory_space<vmem>>) dst(%dma_wait3A_437 : memref<10240x64xf32, #tpu.memory_space<vmem_shared>>)
        %add3A_438 = arith.constant 5 : i32
        %add3A_439 = arith.addi %add3A_422, %add3A_438 : i32
        %mul3A_440 = arith.constant 80 : i32
        %mul3A_441 = arith.muli %add3A, %mul3A_440 : i32
        %add3A_442 = arith.constant 2560 : i32
        %add3A_443 = arith.addi %add3A_442, %mul3A_441 : i32
        %add3A_444 = arith.addi %add3A_443, %add3A_439 : i32
        %dma_start3A_445 = arith.constant 0 : i32
        %dma_start3A_446 = tpu.memref_slice %arg3[%add3A_444, %dma_start3A_445] : memref<5120x128xi32, #tpu.memory_space<hbm>> -> memref<1x128xi32, #tpu.memory_space<hbm>>
        %dma_start3A_447 = arith.constant 0 : i32
        %dma_start3A_448 = tpu.memref_slice %arg3[%add3A_444, %dma_start3A_447] : memref<5120x128xi32, #tpu.memory_space<hbm>> -> memref<1x128xi32, #tpu.memory_space<hbm>>
        tpu.enqueue_dma source(%dma_start3A_448 : memref<1x128xi32, #tpu.memory_space<hbm>>) target(%arg22 : memref<1x128xi32, #tpu.memory_space<vmem>>) target_semaphore(%arg42 : memref<!tpu.dma_semaphore, #tpu.memory_space<semaphore_mem>>)
        %mul3A_449 = arith.constant 80 : i32
        %mul3A_450 = arith.muli %add3A, %mul3A_449 : i32
        %dma_wait3A_451 = arith.constant 0 : i32
        %dma_wait3A_452 = tpu.memref_slice %arg3[%mul3A_450, %dma_wait3A_451] : memref<5120x128xi32, #tpu.memory_space<hbm>> -> memref<1x128xi32, #tpu.memory_space<hbm>>
        %dma_wait3A_453 = arith.constant 0 : i32
        %dma_wait3A_454 = tpu.memref_slice %arg3[%mul3A_450, %dma_wait3A_453] : memref<5120x128xi32, #tpu.memory_space<hbm>> -> memref<1x128xi32, #tpu.memory_space<hbm>>
        tpu.wait_dma2 semaphore(%arg37 : memref<!tpu.dma_semaphore, #tpu.memory_space<semaphore_mem>>) src(%dma_wait3A_454 : memref<1x128xi32, #tpu.memory_space<hbm>>) dst(%arg17 : memref<1x128xi32, #tpu.memory_space<vmem>>)
        %add3A_455 = arith.constant 5 : i32
        %add3A_456 = arith.addi %add3A_422, %add3A_455 : i32
        %dma_start3A_457 = arith.constant 0 : i32
        %dma_start3A_458 = arith.constant 0 : i32
        %dma_start3A_459 = tpu.memref_slice %arg17[%dma_start3A_457, %dma_start3A_458] : memref<1x128xi32, #tpu.memory_space<vmem>> -> memref<1x128xi32, #tpu.memory_space<vmem>>
        %dma_start3A_460 = tpu.memref_squeeze %dma_start3A_459 : memref<1x128xi32, #tpu.memory_space<vmem>> -> memref<128xi32, #tpu.memory_space<vmem>>
        %dma_start3A_461 = arith.constant 0 : i32
        %dma_start3A_462 = arith.constant 0 : i32
        %dma_start3A_463 = tpu.memref_slice %arg6[%dma_start3A_461, %dma_start3A_462] : memref<10240x64xf32, #tpu.memory_space<vmem_shared>> -> memref<10240x64xf32, #tpu.memory_space<vmem_shared>>
        tpu.enqueue_indirect_dma source(%dma_start3A_463 : memref<10240x64xf32, #tpu.memory_space<vmem_shared>>) target(%arg12 : memref<128x64xf32, #tpu.memory_space<vmem>>) offsets(%dma_start3A_460 : memref<128xi32, #tpu.memory_space<vmem>>) semaphore(%arg27 : memref<!tpu.dma_semaphore, #tpu.memory_space<semaphore_mem>>)
      } else {
      }
      %scan3A_430 = arith.constant 0 : i32
      scf.yield %scan3A_430 : i32
    }
    %scan3A_177 = arith.constant 16 : i32
    %dma_wait3A_178 = arith.constant 0 : i32
    %dma_wait3A_179 = arith.constant 0 : i32
    %dma_wait3A_180 = tpu.memref_slice %arg18[%dma_wait3A_178, %dma_wait3A_179] : memref<1x128xi32, #tpu.memory_space<vmem>> -> memref<1x128xi32, #tpu.memory_space<vmem>>
    %dma_wait3A_181 = tpu.memref_squeeze %dma_wait3A_180 : memref<1x128xi32, #tpu.memory_space<vmem>> -> memref<128xi32, #tpu.memory_space<vmem>>
    %dma_wait3A_182 = arith.constant 0 : i32
    %dma_wait3A_183 = arith.constant 0 : i32
    %dma_wait3A_184 = tpu.memref_slice %arg7[%dma_wait3A_182, %dma_wait3A_183] : memref<10240x64xf32, #tpu.memory_space<vmem_shared>> -> memref<10240x64xf32, #tpu.memory_space<vmem_shared>>
    tpu.wait_indirect_dma semaphore(%arg28 : memref<!tpu.dma_semaphore, #tpu.memory_space<semaphore_mem>>) src(%arg8 : memref<128x64xf32, #tpu.memory_space<vmem>>) dst(%dma_wait3A_184 : memref<10240x64xf32, #tpu.memory_space<vmem_shared>>)
    %dma_wait3A_185 = arith.constant 0 : i32
    %dma_wait3A_186 = arith.constant 0 : i32
    %dma_wait3A_187 = tpu.memref_slice %arg19[%dma_wait3A_185, %dma_wait3A_186] : memref<1x128xi32, #tpu.memory_space<vmem>> -> memref<1x128xi32, #tpu.memory_space<vmem>>
    %dma_wait3A_188 = tpu.memref_squeeze %dma_wait3A_187 : memref<1x128xi32, #tpu.memory_space<vmem>> -> memref<128xi32, #tpu.memory_space<vmem>>
    %dma_wait3A_189 = arith.constant 0 : i32
    %dma_wait3A_190 = arith.constant 0 : i32
    %dma_wait3A_191 = tpu.memref_slice %arg7[%dma_wait3A_189, %dma_wait3A_190] : memref<10240x64xf32, #tpu.memory_space<vmem_shared>> -> memref<10240x64xf32, #tpu.memory_space<vmem_shared>>
    tpu.wait_indirect_dma semaphore(%arg29 : memref<!tpu.dma_semaphore, #tpu.memory_space<semaphore_mem>>) src(%arg9 : memref<128x64xf32, #tpu.memory_space<vmem>>) dst(%dma_wait3A_191 : memref<10240x64xf32, #tpu.memory_space<vmem_shared>>)
    %dma_wait3A_192 = arith.constant 0 : i32
    %dma_wait3A_193 = arith.constant 0 : i32
    %dma_wait3A_194 = tpu.memref_slice %arg20[%dma_wait3A_192, %dma_wait3A_193] : memref<1x128xi32, #tpu.memory_space<vmem>> -> memref<1x128xi32, #tpu.memory_space<vmem>>
    %dma_wait3A_195 = tpu.memref_squeeze %dma_wait3A_194 : memref<1x128xi32, #tpu.memory_space<vmem>> -> memref<128xi32, #tpu.memory_space<vmem>>
    %dma_wait3A_196 = arith.constant 0 : i32
    %dma_wait3A_197 = arith.constant 0 : i32
    %dma_wait3A_198 = tpu.memref_slice %arg7[%dma_wait3A_196, %dma_wait3A_197] : memref<10240x64xf32, #tpu.memory_space<vmem_shared>> -> memref<10240x64xf32, #tpu.memory_space<vmem_shared>>
    tpu.wait_indirect_dma semaphore(%arg30 : memref<!tpu.dma_semaphore, #tpu.memory_space<semaphore_mem>>) src(%arg10 : memref<128x64xf32, #tpu.memory_space<vmem>>) dst(%dma_wait3A_198 : memref<10240x64xf32, #tpu.memory_space<vmem_shared>>)
    %dma_wait3A_199 = arith.constant 0 : i32
    %dma_wait3A_200 = arith.constant 0 : i32
    %dma_wait3A_201 = tpu.memref_slice %arg21[%dma_wait3A_199, %dma_wait3A_200] : memref<1x128xi32, #tpu.memory_space<vmem>> -> memref<1x128xi32, #tpu.memory_space<vmem>>
    %dma_wait3A_202 = tpu.memref_squeeze %dma_wait3A_201 : memref<1x128xi32, #tpu.memory_space<vmem>> -> memref<128xi32, #tpu.memory_space<vmem>>
    %dma_wait3A_203 = arith.constant 0 : i32
    %dma_wait3A_204 = arith.constant 0 : i32
    %dma_wait3A_205 = tpu.memref_slice %arg7[%dma_wait3A_203, %dma_wait3A_204] : memref<10240x64xf32, #tpu.memory_space<vmem_shared>> -> memref<10240x64xf32, #tpu.memory_space<vmem_shared>>
    tpu.wait_indirect_dma semaphore(%arg31 : memref<!tpu.dma_semaphore, #tpu.memory_space<semaphore_mem>>) src(%arg11 : memref<128x64xf32, #tpu.memory_space<vmem>>) dst(%dma_wait3A_205 : memref<10240x64xf32, #tpu.memory_space<vmem_shared>>)
    %dma_wait3A_206 = arith.constant 0 : i32
    %dma_wait3A_207 = arith.constant 0 : i32
    %dma_wait3A_208 = tpu.memref_slice %arg22[%dma_wait3A_206, %dma_wait3A_207] : memref<1x128xi32, #tpu.memory_space<vmem>> -> memref<1x128xi32, #tpu.memory_space<vmem>>
    %dma_wait3A_209 = tpu.memref_squeeze %dma_wait3A_208 : memref<1x128xi32, #tpu.memory_space<vmem>> -> memref<128xi32, #tpu.memory_space<vmem>>
    %dma_wait3A_210 = arith.constant 0 : i32
    %dma_wait3A_211 = arith.constant 0 : i32
    %dma_wait3A_212 = tpu.memref_slice %arg7[%dma_wait3A_210, %dma_wait3A_211] : memref<10240x64xf32, #tpu.memory_space<vmem_shared>> -> memref<10240x64xf32, #tpu.memory_space<vmem_shared>>
    tpu.wait_indirect_dma semaphore(%arg32 : memref<!tpu.dma_semaphore, #tpu.memory_space<semaphore_mem>>) src(%arg12 : memref<128x64xf32, #tpu.memory_space<vmem>>) dst(%dma_wait3A_212 : memref<10240x64xf32, #tpu.memory_space<vmem_shared>>)
    %barrier3A_213 = arith.constant 0 : index
    tpu.barrier barrier_id(%barrier3A_213)
    %scan3A_214 = arith.constant 0 : i32
    %scan3A_215 = arith.constant 0 : i32
    %scan3A_216 = arith.constant 5 : i32
    %scan3A_217 = arith.addi %scan3A_215, %scan3A_216 : i32
    %scan3A_218 = arith.constant 1 : i32
    %scan3A_219 = scf.for %scan3A_221 = %scan3A_215 to %scan3A_217 step %scan3A_218 iter_args(%scan3A_222 = %scan3A_214) -> (i32)  : i32 {
      %mul3A_223 = arith.constant 640 : i32
      %mul3A_224 = arith.muli %arg1, %mul3A_223 : i32
      %mul3A_225 = arith.constant 128 : i32
      %mul3A_226 = arith.muli %scan3A_221, %mul3A_225 : i32
      %add3A_227 = arith.addi %mul3A_224, %mul3A_226 : i32
      "tpu.region"() ({
        %run_scoped3A = tpu.sem_alloc : memref<!tpu.dma_semaphore, #tpu.memory_space<semaphore_mem>>
        %dma_start3A_236 = arith.constant 0 : i32
        %dma_start3A_237 = tpu.memref_slice %arg7[%add3A_227, %dma_start3A_236] : memref<10240x64xf32, #tpu.memory_space<vmem_shared>> -> memref<128x64xf32, #tpu.memory_space<vmem_shared>>
        %dma_start3A_238 = arith.constant 0 : i32
        %dma_start3A_239 = tpu.memref_slice %arg7[%add3A_227, %dma_start3A_238] : memref<10240x64xf32, #tpu.memory_space<vmem_shared>> -> memref<128x64xf32, #tpu.memory_space<vmem_shared>>
        tpu.enqueue_dma source(%dma_start3A_239 : memref<128x64xf32, #tpu.memory_space<vmem_shared>>) target(%arg8 : memref<128x64xf32, #tpu.memory_space<vmem>>) target_semaphore(%run_scoped3A : memref<!tpu.dma_semaphore, #tpu.memory_space<semaphore_mem>>)
        %dma_wait3A_240 = arith.constant 0 : i32
        %dma_wait3A_241 = tpu.memref_slice %arg7[%add3A_227, %dma_wait3A_240] : memref<10240x64xf32, #tpu.memory_space<vmem_shared>> -> memref<128x64xf32, #tpu.memory_space<vmem_shared>>
        %dma_wait3A_242 = arith.constant 0 : i32
        %dma_wait3A_243 = tpu.memref_slice %arg7[%add3A_227, %dma_wait3A_242] : memref<10240x64xf32, #tpu.memory_space<vmem_shared>> -> memref<128x64xf32, #tpu.memory_space<vmem_shared>>
        tpu.wait_dma2 semaphore(%run_scoped3A : memref<!tpu.dma_semaphore, #tpu.memory_space<semaphore_mem>>) src(%dma_wait3A_243 : memref<128x64xf32, #tpu.memory_space<vmem_shared>>) dst(%arg8 : memref<128x64xf32, #tpu.memory_space<vmem>>)
        tpu.yield
      }) : () -> ()
      %eq3A = arith.constant 0 : i32
      %eq3A_228 = arith.cmpi eq, %arg0, %eq3A : i32
      %convert_element_type3A = arith.extui %eq3A_228 : i1 to i32
      %cond3A = arith.constant 0 : i32
      %cond3A_229 = arith.cmpi ne, %convert_element_type3A, %cond3A : i32
      scf.if %cond3A_229 {
        %mul3A_236 = arith.constant 640 : i32
        %mul3A_237 = arith.muli %arg1, %mul3A_236 : i32
        %mul3A_238 = arith.constant 128 : i32
        %mul3A_239 = arith.muli %scan3A_221, %mul3A_238 : i32
        %add3A_240 = arith.addi %mul3A_237, %mul3A_239 : i32
        "tpu.region"() ({
          %run_scoped3A = tpu.sem_alloc : memref<!tpu.dma_semaphore, #tpu.memory_space<semaphore_mem>>
          %dma_start3A_241 = arith.constant 0 : i32
          %dma_start3A_242 = tpu.memref_slice %arg4[%add3A_240, %dma_start3A_241] : memref<10240x64xf32, #tpu.memory_space<hbm>> -> memref<128x64xf32, #tpu.memory_space<hbm>>
          %dma_start3A_243 = arith.constant 0 : i32
          %dma_start3A_244 = tpu.memref_slice %arg4[%add3A_240, %dma_start3A_243] : memref<10240x64xf32, #tpu.memory_space<hbm>> -> memref<128x64xf32, #tpu.memory_space<hbm>>
          tpu.enqueue_dma source(%arg8 : memref<128x64xf32, #tpu.memory_space<vmem>>) target(%dma_start3A_244 : memref<128x64xf32, #tpu.memory_space<hbm>>) target_semaphore(%run_scoped3A : memref<!tpu.dma_semaphore, #tpu.memory_space<semaphore_mem>>)
          %dma_wait3A_245 = arith.constant 0 : i32
          %dma_wait3A_246 = tpu.memref_slice %arg4[%add3A_240, %dma_wait3A_245] : memref<10240x64xf32, #tpu.memory_space<hbm>> -> memref<128x64xf32, #tpu.memory_space<hbm>>
          %dma_wait3A_247 = arith.constant 0 : i32
          %dma_wait3A_248 = tpu.memref_slice %arg4[%add3A_240, %dma_wait3A_247] : memref<10240x64xf32, #tpu.memory_space<hbm>> -> memref<128x64xf32, #tpu.memory_space<hbm>>
          tpu.wait_dma2 semaphore(%run_scoped3A : memref<!tpu.dma_semaphore, #tpu.memory_space<semaphore_mem>>) src(%arg8 : memref<128x64xf32, #tpu.memory_space<vmem>>) dst(%dma_wait3A_248 : memref<128x64xf32, #tpu.memory_space<hbm>>)
          tpu.yield
        }) : () -> ()
      } else {
      }
      %eq3A_230 = arith.constant 1 : i32
      %eq3A_231 = arith.cmpi eq, %arg0, %eq3A_230 : i32
      %convert_element_type3A_232 = arith.extui %eq3A_231 : i1 to i32
      %cond3A_233 = arith.constant 0 : i32
      %cond3A_234 = arith.cmpi ne, %convert_element_type3A_232, %cond3A_233 : i32
      scf.if %cond3A_234 {
        %mul3A_236 = arith.constant 640 : i32
        %mul3A_237 = arith.muli %arg1, %mul3A_236 : i32
        %mul3A_238 = arith.constant 128 : i32
        %mul3A_239 = arith.muli %scan3A_221, %mul3A_238 : i32
        %add3A_240 = arith.addi %mul3A_237, %mul3A_239 : i32
        "tpu.region"() ({
          %run_scoped3A = tpu.sem_alloc : memref<!tpu.dma_semaphore, #tpu.memory_space<semaphore_mem>>
          %dma_start3A_241 = arith.constant 0 : i32
          %dma_start3A_242 = tpu.memref_slice %arg5[%add3A_240, %dma_start3A_241] : memref<10240x64xf32, #tpu.memory_space<hbm>> -> memref<128x64xf32, #tpu.memory_space<hbm>>
          %dma_start3A_243 = arith.constant 0 : i32
          %dma_start3A_244 = tpu.memref_slice %arg5[%add3A_240, %dma_start3A_243] : memref<10240x64xf32, #tpu.memory_space<hbm>> -> memref<128x64xf32, #tpu.memory_space<hbm>>
          tpu.enqueue_dma source(%arg8 : memref<128x64xf32, #tpu.memory_space<vmem>>) target(%dma_start3A_244 : memref<128x64xf32, #tpu.memory_space<hbm>>) target_semaphore(%run_scoped3A : memref<!tpu.dma_semaphore, #tpu.memory_space<semaphore_mem>>)
          %dma_wait3A_245 = arith.constant 0 : i32
          %dma_wait3A_246 = tpu.memref_slice %arg5[%add3A_240, %dma_wait3A_245] : memref<10240x64xf32, #tpu.memory_space<hbm>> -> memref<128x64xf32, #tpu.memory_space<hbm>>
          %dma_wait3A_247 = arith.constant 0 : i32
          %dma_wait3A_248 = tpu.memref_slice %arg5[%add3A_240, %dma_wait3A_247] : memref<10240x64xf32, #tpu.memory_space<hbm>> -> memref<128x64xf32, #tpu.memory_space<hbm>>
          tpu.wait_dma2 semaphore(%run_scoped3A : memref<!tpu.dma_semaphore, #tpu.memory_space<semaphore_mem>>) src(%arg8 : memref<128x64xf32, #tpu.memory_space<vmem>>) dst(%dma_wait3A_248 : memref<128x64xf32, #tpu.memory_space<hbm>>)
          tpu.yield
        }) : () -> ()
      } else {
      }
      %scan3A_235 = arith.constant 0 : i32
      scf.yield %scan3A_235 : i32
    }
    %scan3A_220 = arith.constant 5 : i32
    return
  }
}

#map = affine_map<(d0, d1) -> (0)>
module attributes {stable_mosaic.version = 14 : i64} {
  func.func @fin_kernel(%arg0: i32, %arg1: i32, %arg2: memref<10240xf32, #tpu.memory_space<hbm>>, %arg3: memref<10240xf32, #tpu.memory_space<hbm>>, %arg4: memref<10240xf32, #tpu.memory_space<hbm>>, %arg5: memref<10240xf32, #tpu.memory_space<hbm>>, %arg6: memref<16xf32, #tpu.memory_space<hbm>>, %arg7: memref<7992xf32, #tpu.memory_space<hbm>>, %arg8: memref<640xf32, #tpu.memory_space<vmem>>, %arg9: memref<640xf32, #tpu.memory_space<vmem>>, %arg10: memref<640xf32, #tpu.memory_space<vmem>>, %arg11: memref<640xf32, #tpu.memory_space<vmem>>, %arg12: memref<16xf32, #tpu.memory_space<vmem>>, %arg13: memref<2x128xi32, #tpu.memory_space<vmem>>, %arg14: memref<256xf32, #tpu.memory_space<vmem>>, %arg15: memref<10240xf32, #tpu.memory_space<vmem_shared>>, %arg16: memref<!tpu.dma_semaphore, #tpu.memory_space<semaphore_mem>>) attributes {dimension_semantics = [#tpu.dimension_semantics<core_parallel>, #tpu.dimension_semantics<subcore_parallel>], iteration_bounds = array<i64: 2, 16>, scalar_prefetch = 0 : i64, scratch_operands = 9 : i64, tpu.core_type = #tpu.core_type<sc_vector_subcore>, window_params = [{transform_indices = #map}, {transform_indices = #map}, {transform_indices = #map}, {transform_indices = #map}, {transform_indices = #map}, {transform_indices = #map}]} {
    %mul3A = arith.constant 640 : i32
    %mul3A_0 = arith.muli %arg1, %mul3A : i32
    "tpu.region"() ({
      %run_scoped3A = tpu.sem_alloc : memref<!tpu.dma_semaphore, #tpu.memory_space<semaphore_mem>>
      %dma_start3A_54 = tpu.memref_slice %arg2[%mul3A_0] : memref<10240xf32, #tpu.memory_space<hbm>> -> memref<640xf32, #tpu.memory_space<hbm>>
      %dma_start3A_55 = tpu.memref_slice %arg2[%mul3A_0] : memref<10240xf32, #tpu.memory_space<hbm>> -> memref<640xf32, #tpu.memory_space<hbm>>
      tpu.enqueue_dma source(%dma_start3A_55 : memref<640xf32, #tpu.memory_space<hbm>>) target(%arg8 : memref<640xf32, #tpu.memory_space<vmem>>) target_semaphore(%run_scoped3A : memref<!tpu.dma_semaphore, #tpu.memory_space<semaphore_mem>>)
      %dma_wait3A_56 = tpu.memref_slice %arg2[%mul3A_0] : memref<10240xf32, #tpu.memory_space<hbm>> -> memref<640xf32, #tpu.memory_space<hbm>>
      %dma_wait3A_57 = tpu.memref_slice %arg2[%mul3A_0] : memref<10240xf32, #tpu.memory_space<hbm>> -> memref<640xf32, #tpu.memory_space<hbm>>
      tpu.wait_dma2 semaphore(%run_scoped3A : memref<!tpu.dma_semaphore, #tpu.memory_space<semaphore_mem>>) src(%dma_wait3A_57 : memref<640xf32, #tpu.memory_space<hbm>>) dst(%arg8 : memref<640xf32, #tpu.memory_space<vmem>>)
      tpu.yield
    }) : () -> ()
    "tpu.region"() ({
      %run_scoped3A = tpu.sem_alloc : memref<!tpu.dma_semaphore, #tpu.memory_space<semaphore_mem>>
      %dma_start3A_54 = tpu.memref_slice %arg3[%mul3A_0] : memref<10240xf32, #tpu.memory_space<hbm>> -> memref<640xf32, #tpu.memory_space<hbm>>
      %dma_start3A_55 = tpu.memref_slice %arg3[%mul3A_0] : memref<10240xf32, #tpu.memory_space<hbm>> -> memref<640xf32, #tpu.memory_space<hbm>>
      tpu.enqueue_dma source(%dma_start3A_55 : memref<640xf32, #tpu.memory_space<hbm>>) target(%arg9 : memref<640xf32, #tpu.memory_space<vmem>>) target_semaphore(%run_scoped3A : memref<!tpu.dma_semaphore, #tpu.memory_space<semaphore_mem>>)
      %dma_wait3A_56 = tpu.memref_slice %arg3[%mul3A_0] : memref<10240xf32, #tpu.memory_space<hbm>> -> memref<640xf32, #tpu.memory_space<hbm>>
      %dma_wait3A_57 = tpu.memref_slice %arg3[%mul3A_0] : memref<10240xf32, #tpu.memory_space<hbm>> -> memref<640xf32, #tpu.memory_space<hbm>>
      tpu.wait_dma2 semaphore(%run_scoped3A : memref<!tpu.dma_semaphore, #tpu.memory_space<semaphore_mem>>) src(%dma_wait3A_57 : memref<640xf32, #tpu.memory_space<hbm>>) dst(%arg9 : memref<640xf32, #tpu.memory_space<vmem>>)
      tpu.yield
    }) : () -> ()
    "tpu.region"() ({
      %run_scoped3A = tpu.sem_alloc : memref<!tpu.dma_semaphore, #tpu.memory_space<semaphore_mem>>
      %dma_start3A_54 = tpu.memref_slice %arg4[%mul3A_0] : memref<10240xf32, #tpu.memory_space<hbm>> -> memref<640xf32, #tpu.memory_space<hbm>>
      %dma_start3A_55 = tpu.memref_slice %arg4[%mul3A_0] : memref<10240xf32, #tpu.memory_space<hbm>> -> memref<640xf32, #tpu.memory_space<hbm>>
      tpu.enqueue_dma source(%dma_start3A_55 : memref<640xf32, #tpu.memory_space<hbm>>) target(%arg10 : memref<640xf32, #tpu.memory_space<vmem>>) target_semaphore(%run_scoped3A : memref<!tpu.dma_semaphore, #tpu.memory_space<semaphore_mem>>)
      %dma_wait3A_56 = tpu.memref_slice %arg4[%mul3A_0] : memref<10240xf32, #tpu.memory_space<hbm>> -> memref<640xf32, #tpu.memory_space<hbm>>
      %dma_wait3A_57 = tpu.memref_slice %arg4[%mul3A_0] : memref<10240xf32, #tpu.memory_space<hbm>> -> memref<640xf32, #tpu.memory_space<hbm>>
      tpu.wait_dma2 semaphore(%run_scoped3A : memref<!tpu.dma_semaphore, #tpu.memory_space<semaphore_mem>>) src(%dma_wait3A_57 : memref<640xf32, #tpu.memory_space<hbm>>) dst(%arg10 : memref<640xf32, #tpu.memory_space<vmem>>)
      tpu.yield
    }) : () -> ()
    "tpu.region"() ({
      %run_scoped3A = tpu.sem_alloc : memref<!tpu.dma_semaphore, #tpu.memory_space<semaphore_mem>>
      %dma_start3A_54 = tpu.memref_slice %arg5[%mul3A_0] : memref<10240xf32, #tpu.memory_space<hbm>> -> memref<640xf32, #tpu.memory_space<hbm>>
      %dma_start3A_55 = tpu.memref_slice %arg5[%mul3A_0] : memref<10240xf32, #tpu.memory_space<hbm>> -> memref<640xf32, #tpu.memory_space<hbm>>
      tpu.enqueue_dma source(%dma_start3A_55 : memref<640xf32, #tpu.memory_space<hbm>>) target(%arg11 : memref<640xf32, #tpu.memory_space<vmem>>) target_semaphore(%run_scoped3A : memref<!tpu.dma_semaphore, #tpu.memory_space<semaphore_mem>>)
      %dma_wait3A_56 = tpu.memref_slice %arg5[%mul3A_0] : memref<10240xf32, #tpu.memory_space<hbm>> -> memref<640xf32, #tpu.memory_space<hbm>>
      %dma_wait3A_57 = tpu.memref_slice %arg5[%mul3A_0] : memref<10240xf32, #tpu.memory_space<hbm>> -> memref<640xf32, #tpu.memory_space<hbm>>
      tpu.wait_dma2 semaphore(%run_scoped3A : memref<!tpu.dma_semaphore, #tpu.memory_space<semaphore_mem>>) src(%dma_wait3A_57 : memref<640xf32, #tpu.memory_space<hbm>>) dst(%arg11 : memref<640xf32, #tpu.memory_space<vmem>>)
      tpu.yield
    }) : () -> ()
    "tpu.region"() ({
      %run_scoped3A = tpu.sem_alloc : memref<!tpu.dma_semaphore, #tpu.memory_space<semaphore_mem>>
      tpu.enqueue_dma source(%arg6 : memref<16xf32, #tpu.memory_space<hbm>>) target(%arg12 : memref<16xf32, #tpu.memory_space<vmem>>) target_semaphore(%run_scoped3A : memref<!tpu.dma_semaphore, #tpu.memory_space<semaphore_mem>>)
      tpu.wait_dma2 semaphore(%run_scoped3A : memref<!tpu.dma_semaphore, #tpu.memory_space<semaphore_mem>>) src(%arg6 : memref<16xf32, #tpu.memory_space<hbm>>) dst(%arg12 : memref<16xf32, #tpu.memory_space<vmem>>)
      tpu.yield
    }) : () -> ()
    %scan3A = arith.constant 0 : i32
    %scan3A_1 = arith.constant 0 : i32
    %scan3A_2 = arith.constant 40 : i32
    %scan3A_3 = arith.addi %scan3A_1, %scan3A_2 : i32
    %scan3A_4 = arith.constant 1 : i32
    %scan3A_5 = scf.for %scan3A_54 = %scan3A_1 to %scan3A_3 step %scan3A_4 iter_args(%scan3A_55 = %scan3A) -> (i32)  : i32 {
      %mul3A_56 = arith.constant 16 : i32
      %mul3A_57 = arith.muli %scan3A_54, %mul3A_56 : i32
      %multiple_of3A = tpu.assume_multiple %mul3A_57, 16 : i32
      %get3A = arith.index_cast %multiple_of3A : i32 to index
      %get3A_58 = tpu.vector_load %arg8[%get3A] {strides = array<i32>} : memref<640xf32, #tpu.memory_space<vmem>>, vector<16xf32>,
      %get3A_59 = arith.index_cast %multiple_of3A : i32 to index
      %get3A_60 = tpu.vector_load %arg9[%get3A_59] {strides = array<i32>} : memref<640xf32, #tpu.memory_space<vmem>>, vector<16xf32>,
      %add3A_61 = arith.addf %get3A_58, %get3A_60 : vector<16xf32>
      %get3A_62 = arith.index_cast %multiple_of3A : i32 to index
      %get3A_63 = tpu.vector_load %arg10[%get3A_62] {strides = array<i32>} : memref<640xf32, #tpu.memory_space<vmem>>, vector<16xf32>,
      %add3A_64 = arith.addf %add3A_61, %get3A_63 : vector<16xf32>
      %get3A_65 = arith.index_cast %multiple_of3A : i32 to index
      %get3A_66 = tpu.vector_load %arg11[%get3A_65] {strides = array<i32>} : memref<640xf32, #tpu.memory_space<vmem>>, vector<16xf32>,
      %mul3A_67 = arith.mulf %add3A_64, %get3A_66 : vector<16xf32>
      %get3A_68 = arith.constant 0 : index
      %get3A_69 = tpu.vector_load %arg12[%get3A_68] {strides = array<i32>} : memref<16xf32, #tpu.memory_space<vmem>>, vector<16xf32>,
      %add3A_70 = arith.addf %mul3A_67, %get3A_69 : vector<16xf32>
      %max3A = arith.constant 0.000000e+00 : f32
      %max3A_71 = vector.broadcast %max3A : f32 to vector<16xf32>
      %max3A_72 = arith.maximumf %add3A_70, %max3A_71 : vector<16xf32>
      %swap3A = arith.index_cast %multiple_of3A : i32 to index
      %swap3A_73 = tpu.vector_load %arg8[%swap3A] {strides = array<i32>} : memref<640xf32, #tpu.memory_space<vmem>>, vector<16xf32>,
      tpu.vector_store %arg8[%swap3A], %max3A_72 {strides = array<i32>} : memref<640xf32, #tpu.memory_space<vmem>>, vector<16xf32>,
      %scan3A_74 = arith.constant 0 : i32
      scf.yield %scan3A_74 : i32
    }
    %scan3A_6 = arith.constant 40 : i32
    "tpu.region"() ({
      %run_scoped3A = tpu.sem_alloc : memref<!tpu.dma_semaphore, #tpu.memory_space<semaphore_mem>>
      %dma_start3A_54 = tpu.memref_slice %arg15[%mul3A_0] : memref<10240xf32, #tpu.memory_space<vmem_shared>> -> memref<640xf32, #tpu.memory_space<vmem_shared>>
      %dma_start3A_55 = tpu.memref_slice %arg15[%mul3A_0] : memref<10240xf32, #tpu.memory_space<vmem_shared>> -> memref<640xf32, #tpu.memory_space<vmem_shared>>
      tpu.enqueue_dma source(%arg8 : memref<640xf32, #tpu.memory_space<vmem>>) target(%dma_start3A_55 : memref<640xf32, #tpu.memory_space<vmem_shared>>) target_semaphore(%run_scoped3A : memref<!tpu.dma_semaphore, #tpu.memory_space<semaphore_mem>>)
      %dma_wait3A_56 = tpu.memref_slice %arg15[%mul3A_0] : memref<10240xf32, #tpu.memory_space<vmem_shared>> -> memref<640xf32, #tpu.memory_space<vmem_shared>>
      %dma_wait3A_57 = tpu.memref_slice %arg15[%mul3A_0] : memref<10240xf32, #tpu.memory_space<vmem_shared>> -> memref<640xf32, #tpu.memory_space<vmem_shared>>
      tpu.wait_dma2 semaphore(%run_scoped3A : memref<!tpu.dma_semaphore, #tpu.memory_space<semaphore_mem>>) src(%arg8 : memref<640xf32, #tpu.memory_space<vmem>>) dst(%dma_wait3A_57 : memref<640xf32, #tpu.memory_space<vmem_shared>>)
      tpu.yield
    }) : () -> ()
    %barrier3A = arith.constant 0 : index
    tpu.barrier barrier_id(%barrier3A)
    %mul3A_7 = arith.constant 16 : i32
    %mul3A_8 = arith.muli %arg0, %mul3A_7 : i32
    %add3A = arith.addi %mul3A_8, %arg1 : i32
    %mul3A_9 = arith.constant 256 : i32
    %mul3A_10 = arith.muli %add3A, %mul3A_9 : i32
    %scan3A_11 = arith.constant 0 : i32
    %scan3A_12 = arith.constant 0 : i32
    %scan3A_13 = arith.constant 16 : i32
    %scan3A_14 = arith.addi %scan3A_12, %scan3A_13 : i32
    %scan3A_15 = arith.constant 1 : i32
    %scan3A_16 = scf.for %scan3A_54 = %scan3A_12 to %scan3A_14 step %scan3A_15 iter_args(%scan3A_55 = %scan3A_11) -> (i32)  : i32 {
      %iota3A = tpu.iota {dimensions = array<i32: 0>} : vector<16xi32>
      %mul3A_56 = arith.constant 16 : i32
      %mul3A_57 = arith.muli %scan3A_54, %mul3A_56 : i32
      %add3A_58 = arith.addi %mul3A_10, %mul3A_57 : i32
      %add3A_59 = vector.broadcast %add3A_58 : i32 to vector<16xi32>
      %add3A_60 = arith.addi %iota3A, %add3A_59 : vector<16xi32>
      %jit3A = arith.constant 12 : i32
      %div3A = vector.broadcast %jit3A : i32 to vector<16xi32>
      %div3A_61 = arith.divsi %add3A_60, %div3A : vector<16xi32>
      %sign3A = arith.constant 0 : i32
      %sign3A_62 = vector.broadcast %sign3A : i32 to vector<16xi32>
      %sign3A_63 = arith.cmpi sgt, %add3A_60, %sign3A_62 : vector<16xi32>
      %sign3A_64 = arith.extui %sign3A_63 : vector<16xi1> to vector<16xi32>
      %sign3A_65 = arith.constant 0 : i32
      %sign3A_66 = vector.broadcast %sign3A_65 : i32 to vector<16xi32>
      %sign3A_67 = arith.cmpi slt, %add3A_60, %sign3A_66 : vector<16xi32>
      %sign3A_68 = arith.extui %sign3A_67 : vector<16xi1> to vector<16xi32>
      %sign3A_69 = arith.subi %sign3A_64, %sign3A_68 : vector<16xi32>
      %sign3A_70 = arith.constant 0 : i32
      %sign3A_71 = arith.cmpi sgt, %jit3A, %sign3A_70 : i32
      %sign3A_72 = arith.extui %sign3A_71 : i1 to i32
      %sign3A_73 = arith.constant 0 : i32
      %sign3A_74 = arith.cmpi slt, %jit3A, %sign3A_73 : i32
      %sign3A_75 = arith.extui %sign3A_74 : i1 to i32
      %sign3A_76 = arith.subi %sign3A_72, %sign3A_75 : i32
      %ne3A = vector.broadcast %sign3A_76 : i32 to vector<16xi32>
      %ne3A_77 = arith.cmpi ne, %sign3A_69, %ne3A : vector<16xi32>
      %rem3A = vector.broadcast %jit3A : i32 to vector<16xi32>
      %rem3A_78 = arith.remsi %add3A_60, %rem3A : vector<16xi32>
      %ne3A_79 = arith.constant 0 : i32
      %ne3A_80 = vector.broadcast %ne3A_79 : i32 to vector<16xi32>
      %ne3A_81 = arith.cmpi ne, %rem3A_78, %ne3A_80 : vector<16xi32>
      %and3A = arith.andi %ne3A_77, %ne3A_81 : vector<16xi1>
      %sub3A = arith.constant 1 : i32
      %sub3A_82 = vector.broadcast %sub3A : i32 to vector<16xi32>
      %sub3A_83 = arith.subi %div3A_61, %sub3A_82 : vector<16xi32>
      %select_n3A = arith.select %and3A, %sub3A_83, %div3A_61 : vector<16xi1>, vector<16xi32>
      %mul3A_84 = arith.constant 15 : i32
      %mul3A_85 = vector.broadcast %mul3A_84 : i32 to vector<16xi32>
      %mul3A_86 = arith.muli %select_n3A, %mul3A_85 : vector<16xi32>
      %add3A_87 = arith.constant 3 : i32
      %add3A_88 = vector.broadcast %add3A_87 : i32 to vector<16xi32>
      %add3A_89 = arith.addi %mul3A_86, %add3A_88 : vector<16xi32>
      %mul3A_90 = arith.constant 12 : i32
      %mul3A_91 = vector.broadcast %mul3A_90 : i32 to vector<16xi32>
      %mul3A_92 = arith.muli %select_n3A, %mul3A_91 : vector<16xi32>
      %sub3A_93 = arith.subi %add3A_60, %mul3A_92 : vector<16xi32>
      %add3A_94 = arith.addi %add3A_89, %sub3A_93 : vector<16xi32>
      %min3A = arith.constant 10239 : i32
      %min3A_95 = vector.broadcast %min3A : i32 to vector<16xi32>
      %min3A_96 = arith.minsi %add3A_94, %min3A_95 : vector<16xi32>
      %jit3A_97 = arith.constant 8 : i32
      %div3A_98 = arith.divsi %scan3A_54, %jit3A_97 : i32
      %sign3A_99 = arith.constant 0 : i32
      %sign3A_100 = arith.cmpi sgt, %scan3A_54, %sign3A_99 : i32
      %sign3A_101 = arith.extui %sign3A_100 : i1 to i32
      %sign3A_102 = arith.constant 0 : i32
      %sign3A_103 = arith.cmpi slt, %scan3A_54, %sign3A_102 : i32
      %sign3A_104 = arith.extui %sign3A_103 : i1 to i32
      %sign3A_105 = arith.subi %sign3A_101, %sign3A_104 : i32
      %sign3A_106 = arith.constant 0 : i32
      %sign3A_107 = arith.cmpi sgt, %jit3A_97, %sign3A_106 : i32
      %sign3A_108 = arith.extui %sign3A_107 : i1 to i32
      %sign3A_109 = arith.constant 0 : i32
      %sign3A_110 = arith.cmpi slt, %jit3A_97, %sign3A_109 : i32
      %sign3A_111 = arith.extui %sign3A_110 : i1 to i32
      %sign3A_112 = arith.subi %sign3A_108, %sign3A_111 : i32
      %ne3A_113 = arith.cmpi ne, %sign3A_105, %sign3A_112 : i32
      %rem3A_114 = arith.remsi %scan3A_54, %jit3A_97 : i32
      %ne3A_115 = arith.constant 0 : i32
      %ne3A_116 = arith.cmpi ne, %rem3A_114, %ne3A_115 : i32
      %and3A_117 = arith.andi %ne3A_113, %ne3A_116 : i1
      %sub3A_118 = arith.constant 1 : i32
      %sub3A_119 = arith.subi %div3A_98, %sub3A_118 : i32
      %select_n3A_120 = arith.select %and3A_117, %sub3A_119, %div3A_98 : i32
      %jit3A_121 = arith.constant 8 : i32
      %eq3A_122 = arith.constant 0 : i32
      %eq3A_123 = arith.cmpi eq, %jit3A_121, %eq3A_122 : i32
      %jit3A_124 = arith.constant 1 : i32
      %select_n3A_125 = arith.select %eq3A_123, %jit3A_124, %jit3A_121 : i32
      %rem3A_126 = arith.remsi %scan3A_54, %select_n3A_125 : i32
      %ne3A_127 = arith.constant 0 : i32
      %ne3A_128 = arith.cmpi ne, %rem3A_126, %ne3A_127 : i32
      %lt3A_129 = arith.constant 0 : i32
      %lt3A_130 = arith.cmpi slt, %rem3A_126, %lt3A_129 : i32
      %lt3A_131 = arith.constant 0 : i32
      %lt3A_132 = arith.cmpi slt, %select_n3A_125, %lt3A_131 : i32
      %ne3A_133 = arith.xori %lt3A_130, %lt3A_132 : i1
      %and3A_134 = arith.andi %ne3A_133, %ne3A_128 : i1
      %add3A_135 = arith.addi %rem3A_126, %select_n3A_125 : i32
      %select_n3A_136 = arith.select %and3A_134, %add3A_135, %rem3A_126 : i32
      %mul3A_137 = arith.constant 16 : i32
      %mul3A_138 = arith.muli %select_n3A_136, %mul3A_137 : i32
      %multiple_of3A = tpu.assume_multiple %mul3A_138, 16 : i32
      %swap3A = arith.index_cast %select_n3A_120 : i32 to index
      %swap3A_139 = arith.index_cast %multiple_of3A : i32 to index
      %swap3A_140 = tpu.vector_load %arg13[%swap3A, %swap3A_139] {strides = array<i32>} : memref<2x128xi32, #tpu.memory_space<vmem>>, vector<16xi32>,
      tpu.vector_store %arg13[%swap3A, %swap3A_139], %min3A_96 {strides = array<i32>} : memref<2x128xi32, #tpu.memory_space<vmem>>, vector<16xi32>,
      %scan3A_141 = arith.constant 0 : i32
      scf.yield %scan3A_141 : i32
    }
    %scan3A_17 = arith.constant 16 : i32
    %dma_start3A = arith.constant 0 : i32
    %dma_start3A_18 = arith.constant 0 : i32
    %dma_start3A_19 = tpu.memref_slice %arg14[%dma_start3A_18] : memref<256xf32, #tpu.memory_space<vmem>> -> memref<128xf32, #tpu.memory_space<vmem>>
    %dma_start3A_20 = arith.constant 0 : i32
    %dma_start3A_21 = tpu.memref_slice %arg13[%dma_start3A, %dma_start3A_20] : memref<2x128xi32, #tpu.memory_space<vmem>> -> memref<1x128xi32, #tpu.memory_space<vmem>>
    %dma_start3A_22 = tpu.memref_squeeze %dma_start3A_21 : memref<1x128xi32, #tpu.memory_space<vmem>> -> memref<128xi32, #tpu.memory_space<vmem>>
    %dma_start3A_23 = arith.constant 0 : i32
    %dma_start3A_24 = tpu.memref_slice %arg15[%dma_start3A_23] : memref<10240xf32, #tpu.memory_space<vmem_shared>> -> memref<10240xf32, #tpu.memory_space<vmem_shared>>
    tpu.enqueue_indirect_dma source(%dma_start3A_24 : memref<10240xf32, #tpu.memory_space<vmem_shared>>) target(%dma_start3A_19 : memref<128xf32, #tpu.memory_space<vmem>>) offsets(%dma_start3A_22 : memref<128xi32, #tpu.memory_space<vmem>>) semaphore(%arg16 : memref<!tpu.dma_semaphore, #tpu.memory_space<semaphore_mem>>)
    %dma_start3A_25 = arith.constant 1 : i32
    %dma_start3A_26 = arith.constant 128 : i32
    %dma_start3A_27 = tpu.memref_slice %arg14[%dma_start3A_26] : memref<256xf32, #tpu.memory_space<vmem>> -> memref<128xf32, #tpu.memory_space<vmem>>
    %dma_start3A_28 = arith.constant 0 : i32
    %dma_start3A_29 = tpu.memref_slice %arg13[%dma_start3A_25, %dma_start3A_28] : memref<2x128xi32, #tpu.memory_space<vmem>> -> memref<1x128xi32, #tpu.memory_space<vmem>>
    %dma_start3A_30 = tpu.memref_squeeze %dma_start3A_29 : memref<1x128xi32, #tpu.memory_space<vmem>> -> memref<128xi32, #tpu.memory_space<vmem>>
    %dma_start3A_31 = arith.constant 0 : i32
    %dma_start3A_32 = tpu.memref_slice %arg15[%dma_start3A_31] : memref<10240xf32, #tpu.memory_space<vmem_shared>> -> memref<10240xf32, #tpu.memory_space<vmem_shared>>
    tpu.enqueue_indirect_dma source(%dma_start3A_32 : memref<10240xf32, #tpu.memory_space<vmem_shared>>) target(%dma_start3A_27 : memref<128xf32, #tpu.memory_space<vmem>>) offsets(%dma_start3A_30 : memref<128xi32, #tpu.memory_space<vmem>>) semaphore(%arg16 : memref<!tpu.dma_semaphore, #tpu.memory_space<semaphore_mem>>)
    %dma_wait3A = arith.constant 0 : i32
    %dma_wait3A_33 = arith.constant 0 : i32
    %dma_wait3A_34 = tpu.memref_slice %arg14[%dma_wait3A_33] : memref<256xf32, #tpu.memory_space<vmem>> -> memref<128xf32, #tpu.memory_space<vmem>>
    %dma_wait3A_35 = arith.constant 0 : i32
    %dma_wait3A_36 = tpu.memref_slice %arg13[%dma_wait3A, %dma_wait3A_35] : memref<2x128xi32, #tpu.memory_space<vmem>> -> memref<1x128xi32, #tpu.memory_space<vmem>>
    %dma_wait3A_37 = tpu.memref_squeeze %dma_wait3A_36 : memref<1x128xi32, #tpu.memory_space<vmem>> -> memref<128xi32, #tpu.memory_space<vmem>>
    %dma_wait3A_38 = arith.constant 0 : i32
    %dma_wait3A_39 = tpu.memref_slice %arg15[%dma_wait3A_38] : memref<10240xf32, #tpu.memory_space<vmem_shared>> -> memref<10240xf32, #tpu.memory_space<vmem_shared>>
    tpu.wait_indirect_dma semaphore(%arg16 : memref<!tpu.dma_semaphore, #tpu.memory_space<semaphore_mem>>) src(%dma_wait3A_39 : memref<10240xf32, #tpu.memory_space<vmem_shared>>) dst(%dma_wait3A_34 : memref<128xf32, #tpu.memory_space<vmem>>)
    %dma_wait3A_40 = arith.constant 1 : i32
    %dma_wait3A_41 = arith.constant 128 : i32
    %dma_wait3A_42 = tpu.memref_slice %arg14[%dma_wait3A_41] : memref<256xf32, #tpu.memory_space<vmem>> -> memref<128xf32, #tpu.memory_space<vmem>>
    %dma_wait3A_43 = arith.constant 0 : i32
    %dma_wait3A_44 = tpu.memref_slice %arg13[%dma_wait3A_40, %dma_wait3A_43] : memref<2x128xi32, #tpu.memory_space<vmem>> -> memref<1x128xi32, #tpu.memory_space<vmem>>
    %dma_wait3A_45 = tpu.memref_squeeze %dma_wait3A_44 : memref<1x128xi32, #tpu.memory_space<vmem>> -> memref<128xi32, #tpu.memory_space<vmem>>
    %dma_wait3A_46 = arith.constant 0 : i32
    %dma_wait3A_47 = tpu.memref_slice %arg15[%dma_wait3A_46] : memref<10240xf32, #tpu.memory_space<vmem_shared>> -> memref<10240xf32, #tpu.memory_space<vmem_shared>>
    tpu.wait_indirect_dma semaphore(%arg16 : memref<!tpu.dma_semaphore, #tpu.memory_space<semaphore_mem>>) src(%dma_wait3A_47 : memref<10240xf32, #tpu.memory_space<vmem_shared>>) dst(%dma_wait3A_42 : memref<128xf32, #tpu.memory_space<vmem>>)
    %lt3A = arith.constant 31 : i32
    %lt3A_48 = arith.cmpi slt, %add3A, %lt3A : i32
    %convert_element_type3A = arith.extui %lt3A_48 : i1 to i32
    %cond3A = arith.constant 0 : i32
    %cond3A_49 = arith.cmpi ne, %convert_element_type3A, %cond3A : i32
    scf.if %cond3A_49 {
      "tpu.region"() ({
        %run_scoped3A = tpu.sem_alloc : memref<!tpu.dma_semaphore, #tpu.memory_space<semaphore_mem>>
        %dma_start3A_54 = tpu.memref_slice %arg7[%mul3A_10] : memref<7992xf32, #tpu.memory_space<hbm>> -> memref<256xf32, #tpu.memory_space<hbm>>
        %dma_start3A_55 = tpu.memref_slice %arg7[%mul3A_10] : memref<7992xf32, #tpu.memory_space<hbm>> -> memref<256xf32, #tpu.memory_space<hbm>>
        tpu.enqueue_dma source(%arg14 : memref<256xf32, #tpu.memory_space<vmem>>) target(%dma_start3A_55 : memref<256xf32, #tpu.memory_space<hbm>>) target_semaphore(%run_scoped3A : memref<!tpu.dma_semaphore, #tpu.memory_space<semaphore_mem>>)
        %dma_wait3A_56 = tpu.memref_slice %arg7[%mul3A_10] : memref<7992xf32, #tpu.memory_space<hbm>> -> memref<256xf32, #tpu.memory_space<hbm>>
        %dma_wait3A_57 = tpu.memref_slice %arg7[%mul3A_10] : memref<7992xf32, #tpu.memory_space<hbm>> -> memref<256xf32, #tpu.memory_space<hbm>>
        tpu.wait_dma2 semaphore(%run_scoped3A : memref<!tpu.dma_semaphore, #tpu.memory_space<semaphore_mem>>) src(%arg14 : memref<256xf32, #tpu.memory_space<vmem>>) dst(%dma_wait3A_57 : memref<256xf32, #tpu.memory_space<hbm>>)
        tpu.yield
      }) : () -> ()
    } else {
    }
    %eq3A = arith.constant 31 : i32
    %eq3A_50 = arith.cmpi eq, %add3A, %eq3A : i32
    %convert_element_type3A_51 = arith.extui %eq3A_50 : i1 to i32
    %cond3A_52 = arith.constant 0 : i32
    %cond3A_53 = arith.cmpi ne, %convert_element_type3A_51, %cond3A_52 : i32
    scf.if %cond3A_53 {
      "tpu.region"() ({
        %run_scoped3A = tpu.sem_alloc : memref<!tpu.dma_semaphore, #tpu.memory_space<semaphore_mem>>
        %dma_start3A_54 = arith.constant 0 : i32
        %dma_start3A_55 = tpu.memref_slice %arg14[%dma_start3A_54] : memref<256xf32, #tpu.memory_space<vmem>> -> memref<56xf32, #tpu.memory_space<vmem>>
        %dma_start3A_56 = tpu.memref_slice %arg7[%mul3A_10] : memref<7992xf32, #tpu.memory_space<hbm>> -> memref<56xf32, #tpu.memory_space<hbm>>
        %dma_start3A_57 = tpu.memref_slice %arg7[%mul3A_10] : memref<7992xf32, #tpu.memory_space<hbm>> -> memref<56xf32, #tpu.memory_space<hbm>>
        %dma_start3A_58 = arith.constant 0 : i32
        %dma_start3A_59 = tpu.memref_slice %arg14[%dma_start3A_58] : memref<256xf32, #tpu.memory_space<vmem>> -> memref<56xf32, #tpu.memory_space<vmem>>
        tpu.enqueue_dma source(%dma_start3A_59 : memref<56xf32, #tpu.memory_space<vmem>>) target(%dma_start3A_57 : memref<56xf32, #tpu.memory_space<hbm>>) target_semaphore(%run_scoped3A : memref<!tpu.dma_semaphore, #tpu.memory_space<semaphore_mem>>)
        %dma_wait3A_60 = arith.constant 0 : i32
        %dma_wait3A_61 = tpu.memref_slice %arg14[%dma_wait3A_60] : memref<256xf32, #tpu.memory_space<vmem>> -> memref<56xf32, #tpu.memory_space<vmem>>
        %dma_wait3A_62 = tpu.memref_slice %arg7[%mul3A_10] : memref<7992xf32, #tpu.memory_space<hbm>> -> memref<56xf32, #tpu.memory_space<hbm>>
        %dma_wait3A_63 = tpu.memref_slice %arg7[%mul3A_10] : memref<7992xf32, #tpu.memory_space<hbm>> -> memref<56xf32, #tpu.memory_space<hbm>>
        %dma_wait3A_64 = arith.constant 0 : i32
        %dma_wait3A_65 = tpu.memref_slice %arg14[%dma_wait3A_64] : memref<256xf32, #tpu.memory_space<vmem>> -> memref<56xf32, #tpu.memory_space<vmem>>
        tpu.wait_dma2 semaphore(%run_scoped3A : memref<!tpu.dma_semaphore, #tpu.memory_space<semaphore_mem>>) src(%dma_wait3A_65 : memref<56xf32, #tpu.memory_space<vmem>>) dst(%dma_wait3A_63 : memref<56xf32, #tpu.memory_space<hbm>>)
        tpu.yield
      }) : () -> ()
    } else {
    }
    return
  }
}

module attributes {stable_mosaic.version = 14 : i64} {
  func.func @_mm(%arg0: memref<10240x128xf32, #tpu.memory_space<vmem>>, %arg1: memref<128x64xf32, #tpu.memory_space<vmem>>, %arg2: memref<10240x64xf32, #tpu.memory_space<vmem>>) attributes {dimension_semantics = [], scalar_prefetch = 0 : i64, scratch_operands = 0 : i64, tpu.core_type = #tpu.core_type<tc>} {
    %get3A = arith.constant 0 : index
    %get3A_0 = arith.constant 0 : index
    %get3A_1 = vector.load %arg0[%get3A, %get3A_0] : memref<10240x128xf32, #tpu.memory_space<vmem>>, vector<10240x128xf32>
    %convert_element_type3A = arith.truncf %get3A_1 : vector<10240x128xf32> to vector<10240x128xbf16>
    %get3A_2 = arith.constant 0 : index
    %get3A_3 = arith.constant 0 : index
    %get3A_4 = vector.load %arg1[%get3A_2, %get3A_3] : memref<128x64xf32, #tpu.memory_space<vmem>>, vector<128x64xf32>
    %convert_element_type3A_5 = arith.truncf %get3A_4 : vector<128x64xf32> to vector<128x64xbf16>
    %dot_general3A = arith.constant dense<0.000000e+00> : vector<10240x64xf32>
    %dot_general3A_6 = tpu.matmul %convert_element_type3A, %convert_element_type3A_5, %dot_general3A {dimension_numbers = #tpu.dot_dimension_numbers<[1], [0], [0], [1], [0, 0, 1, 1], [], []>, transpose_lhs_hint = false} : vector<10240x128xbf16>, vector<128x64xbf16>, vector<10240x64xf32> -> vector<10240x64xf32>
    %swap3A = arith.constant 0 : index
    %swap3A_7 = arith.constant 0 : index
    %swap3A_8 = vector.load %arg2[%swap3A, %swap3A_7] : memref<10240x64xf32, #tpu.memory_space<vmem>>, vector<10240x64xf32>
    tpu.vector_store %arg2[%swap3A, %swap3A_7], %dot_general3A_6 {strides = array<i32>} : memref<10240x64xf32, #tpu.memory_space<vmem>>, vector<10240x64xf32>,
    return
  }
}

module attributes {stable_mosaic.version = 14 : i64} {
  func.func @_scale(%arg0: memref<10240x64xf32, #tpu.memory_space<vmem>>, %arg1: memref<80x128xf32, #tpu.memory_space<vmem>>, %arg2: memref<80x128xf32, #tpu.memory_space<vmem>>, %arg3: memref<10240x64xf32, #tpu.memory_space<vmem>>, %arg4: memref<80x128xf32, #tpu.memory_space<vmem>>) attributes {dimension_semantics = [], scalar_prefetch = 0 : i64, scratch_operands = 0 : i64, tpu.core_type = #tpu.core_type<tc>} {
    %get3A = arith.constant 0 : index
    %get3A_0 = arith.constant 0 : index
    %get3A_1 = vector.load %arg1[%get3A, %get3A_0] : memref<80x128xf32, #tpu.memory_space<vmem>>, vector<80x128xf32>
    %get3A_2 = arith.constant 0 : index
    %get3A_3 = arith.constant 0 : index
    %get3A_4 = vector.load %arg2[%get3A_2, %get3A_3] : memref<80x128xf32, #tpu.memory_space<vmem>>, vector<80x128xf32>
    %add3A = arith.addf %get3A_1, %get3A_4 : vector<80x128xf32>
    %add3A_5 = arith.constant 1.000000e+00 : f32
    %add3A_6 = vector.broadcast %add3A_5 : f32 to vector<80x128xf32>
    %add3A_7 = arith.addf %add3A, %add3A_6 : vector<80x128xf32>
    %rsqrt3A = math.rsqrt %add3A_7 : vector<80x128xf32>
    %get3A_8 = arith.constant 0 : index
    %get3A_9 = arith.constant 0 : index
    %get3A_10 = vector.load %arg0[%get3A_8, %get3A_9] : memref<10240x64xf32, #tpu.memory_space<vmem>>, vector<10240x64xf32>
    %reshape3A = vector.shape_cast %get3A_10 : vector<10240x64xf32> to vector<80x128x64xf32>
    %broadcast_in_dim3A = vector.shape_cast %rsqrt3A : vector<80x128xf32> to vector<80x128x1xf32>
    %mul3A = vector.broadcast %broadcast_in_dim3A : vector<80x128x1xf32> to vector<80x128x64xf32>
    %mul3A_11 = arith.mulf %reshape3A, %mul3A : vector<80x128x64xf32>
    %reshape3A_12 = vector.shape_cast %mul3A_11 : vector<80x128x64xf32> to vector<10240x64xf32>
    %swap3A = arith.constant 0 : index
    %swap3A_13 = arith.constant 0 : index
    %swap3A_14 = vector.load %arg3[%swap3A, %swap3A_13] : memref<10240x64xf32, #tpu.memory_space<vmem>>, vector<10240x64xf32>
    tpu.vector_store %arg3[%swap3A, %swap3A_13], %reshape3A_12 {strides = array<i32>} : memref<10240x64xf32, #tpu.memory_space<vmem>>, vector<10240x64xf32>,
    %swap3A_15 = arith.constant 0 : index
    %swap3A_16 = arith.constant 0 : index
    %swap3A_17 = vector.load %arg4[%swap3A_15, %swap3A_16] : memref<80x128xf32, #tpu.memory_space<vmem>>, vector<80x128xf32>
    tpu.vector_store %arg4[%swap3A_15, %swap3A_16], %rsqrt3A {strides = array<i32>} : memref<80x128xf32, #tpu.memory_space<vmem>>, vector<80x128xf32>,
    return
  }
}

module attributes {stable_mosaic.version = 14 : i64} {
  func.func @_mid(%arg0: memref<10240x64xf32, #tpu.memory_space<vmem>>, %arg1: memref<10240x64xf32, #tpu.memory_space<vmem>>, %arg2: memref<10240x64xf32, #tpu.memory_space<vmem>>, %arg3: memref<80x128xf32, #tpu.memory_space<vmem>>, %arg4: memref<1x1x64xf32, #tpu.memory_space<vmem>>, %arg5: memref<1x1x64xf32, #tpu.memory_space<vmem>>, %arg6: memref<80x128xf32, #tpu.memory_space<vmem>>) attributes {dimension_semantics = [], scalar_prefetch = 0 : i64, scratch_operands = 0 : i64, tpu.core_type = #tpu.core_type<tc>} {
    %get3A = arith.constant 0 : index
    %get3A_0 = arith.constant 0 : index
    %get3A_1 = vector.load %arg3[%get3A, %get3A_0] : memref<80x128xf32, #tpu.memory_space<vmem>>, vector<80x128xf32>
    %get3A_2 = arith.constant 0 : index
    %get3A_3 = arith.constant 0 : index
    %get3A_4 = vector.load %arg0[%get3A_2, %get3A_3] : memref<10240x64xf32, #tpu.memory_space<vmem>>, vector<10240x64xf32>
    %get3A_5 = arith.constant 0 : index
    %get3A_6 = arith.constant 0 : index
    %get3A_7 = vector.load %arg1[%get3A_5, %get3A_6] : memref<10240x64xf32, #tpu.memory_space<vmem>>, vector<10240x64xf32>
    %add3A = arith.addf %get3A_4, %get3A_7 : vector<10240x64xf32>
    %get3A_8 = arith.constant 0 : index
    %get3A_9 = arith.constant 0 : index
    %get3A_10 = vector.load %arg2[%get3A_8, %get3A_9] : memref<10240x64xf32, #tpu.memory_space<vmem>>, vector<10240x64xf32>
    %add3A_11 = arith.addf %add3A, %get3A_10 : vector<10240x64xf32>
    %reshape3A = vector.shape_cast %add3A_11 : vector<10240x64xf32> to vector<80x128x64xf32>
    %broadcast_in_dim3A = vector.shape_cast %get3A_1 : vector<80x128xf32> to vector<80x128x1xf32>
    %mul3A = vector.broadcast %broadcast_in_dim3A : vector<80x128x1xf32> to vector<80x128x64xf32>
    %mul3A_12 = arith.mulf %reshape3A, %mul3A : vector<80x128x64xf32>
    %get3A_13 = arith.constant 0 : index
    %get3A_14 = arith.constant 0 : index
    %get3A_15 = arith.constant 0 : index
    %get3A_16 = vector.load %arg4[%get3A_13, %get3A_14, %get3A_15] : memref<1x1x64xf32, #tpu.memory_space<vmem>>, vector<1x1x64xf32>
    %add3A_17 = vector.broadcast %get3A_16 : vector<1x1x64xf32> to vector<80x128x64xf32>
    %add3A_18 = arith.addf %mul3A_12, %add3A_17 : vector<80x128x64xf32>
    %max3A = arith.constant 0.000000e+00 : f32
    %max3A_19 = vector.broadcast %max3A : f32 to vector<80x128x64xf32>
    %max3A_20 = arith.maximumf %add3A_18, %max3A_19 : vector<80x128x64xf32>
    %convert_element_type3A = arith.truncf %max3A_20 : vector<80x128x64xf32> to vector<80x128x64xbf16>
    %convert_element_type3A_21 = arith.extf %convert_element_type3A : vector<80x128x64xbf16> to vector<80x128x64xf32>
    %get3A_22 = arith.constant 0 : index
    %get3A_23 = arith.constant 0 : index
    %get3A_24 = arith.constant 0 : index
    %get3A_25 = vector.load %arg5[%get3A_22, %get3A_23, %get3A_24] : memref<1x1x64xf32, #tpu.memory_space<vmem>>, vector<1x1x64xf32>
    %convert_element_type3A_26 = arith.truncf %get3A_25 : vector<1x1x64xf32> to vector<1x1x64xbf16>
    %convert_element_type3A_27 = arith.extf %convert_element_type3A_26 : vector<1x1x64xbf16> to vector<1x1x64xf32>
    %mul3A_28 = vector.broadcast %convert_element_type3A_27 : vector<1x1x64xf32> to vector<80x128x64xf32>
    %mul3A_29 = arith.mulf %convert_element_type3A_21, %mul3A_28 : vector<80x128x64xf32>
    %reduce_sum3A = arith.constant dense<0.000000e+00> : vector<80x128xf32>
    %reduce_sum3A_30 = vector.multi_reduction <add>, %mul3A_29, %reduce_sum3A [2] : vector<80x128x64xf32> to vector<80x128xf32>
    %mul3A_31 = arith.mulf %reduce_sum3A_30, %get3A_1 : vector<80x128xf32>
    %swap3A = arith.constant 0 : index
    %swap3A_32 = arith.constant 0 : index
    %swap3A_33 = vector.load %arg6[%swap3A, %swap3A_32] : memref<80x128xf32, #tpu.memory_space<vmem>>, vector<80x128xf32>
    tpu.vector_store %arg6[%swap3A, %swap3A_32], %mul3A_31 {strides = array<i32>} : memref<80x128xf32, #tpu.memory_space<vmem>>, vector<80x128xf32>,
    return
  }
}

</mosaic_0001>

<sc_bundles>
// kernel: kernel.12.cloned.1.call-start
scs
__scs_entry_jumppad:
0x0: {  	(pc) =	sbr.rel $0x88, $3  }
0x1: {  	(tag) =	ssettag $0x0;
	lr =	simm.s32 $0x1  }
0x2: {  	[smem:$0x3F9B] =	sst lr;
	_ =	strace $0xD0000000  }
0x3: {  	_ = 	snop  }
0x4: {  	_ = 	snop  }
0x5: {  	_ = 	snop  }
0x6: {  	_ = 	snop  }
0x7: {  	_ = 	snop  }
__scs_overlays_trampoline_lowered:
0x8: {  	[smem:$0x3FAA] =	sst s0  }
0x9: {  	[smem:$0x3FAB] =	sst s1  }
0xa: {  	[smem:$0x3FAC] =	sst s2  }
0xb: {  	[smem:$0x3FAD] =	sst s3  }
0xc: {  	[smem:$0x3FAE] =	sst s4  }
0xd: {  	[smem:$0x3FAF] =	sst s5  }
0xe: {  	[smem:$0x3FB0] =	sst s6  }
0xf: {  	[smem:$0x3FB1] =	sst s7  }
0x10: {  	[smem:$0x3FB2] =	sst s8  }
0x11: {  	[smem:$0x3FB3] =	sst s9;
	s0 =	simm.s32 @!p0 $0x0  }
0x12: {  	s1 =	sld [smem:$0x3F99];
	s0 =	simm.s32 @p0 $0x1  }
0x13: {  	[smem:$0x3FB4] =	sst s0;
	s0 =	simm.s32 @!p1 $0x0  }
0x14: {  	s2 =	sld [smem:$0x3F98];
	s0 =	simm.s32 @p1 $0x1  }
0x15: {  	[smem:$0x3FB5] =	sst s0;
	s0 =	simm.s32 @!p2 $0x0  }
0x16: {  	s3 =	sld [smem:$0x3FDB];
	s0 =	simm.s32 @p2 $0x1  }
0x17: {  	s4 =	simm.s32 $0x1BF5;
	[smem:$0x3FB7] =	sst s0  }
0x18: {  	s0 =	sld [smem:$0x3F9A];
	_ =	swait.ge [sflag:s4], $0x0  }
0x19: {  	s7 =	sld [smem:$0x3F9B]  }
0x1a: {  	s8 =	sadd.s32 $0xFFFFE003, lr  }
0x1b: {  	s9 =	sadd.s32 $0xFFFFFEF7, lr;
	s5 =	simm.s32 $0xFFFFFFFF;
	p2 =	slt.u32 s8, $0xFFFFF086  }
0x1c: {  	p1 =	slt.u32 s9, $0xF7A;
	s5 =	simm.s32 @!p2 $0x0  }
0x1d: {  	s5 =	simm.s32 @p1 $0x1;
	p0 =	seq.s32 s7, s2  }
0x1e: {  	s7 =	smul.u32 @!p0 $0xF7A, s2;
	p2 =	seq.s32 @!p0 s5, $0x0  }
0x1f: {  	s9 =	smul.u32 $0xF7A, s1;
	s8 =	simm.s32 @!p0 $0x1BF5;
	p2 =	por !p2, p0  }
0x20: {  	[sflag:s8] =	ssyncset.s32 @!p0 $0xFFFFF086;
	s6 =	sadd.s32 @!p0 s3, s7;
	s7 =	simm.s32 @!p0 $0x108  }
0x21: {  	s3 =	sadd.s32 s3, s9;
	s6 =	sadd.s32 @!p0 $0x88, s6;
	s7 =	simm.s32 @p2 $0x1082  }
0x22: {  	[simem:s7], [sflag:s8] =	dma.local @!p0 [hbm:s6], $0xF7A  }
0x23: {  	s9 =	sor.u32 $0xD0000000, s2;
	s6 =	simm.s32 $0x108;
	_ =	swait.ge @!p0 [sflag:s8], $0x0  }
0x24: {  	s3 =	sadd.s32 $0x88, s3;
	s6 =	simm.s32 @!p1 $0x1082;
	[sflag:s4] =	ssyncset.s32 $0xFFFFF086  }
0x25: {  	[simem:s6], [sflag:s4] =	dma.local [hbm:s3], $0xF7A  }
0x26: {  	[smem:$0x3F9B] =	sst s1;
	(tag) =	ssettag s2;
	_ =	strace s9  }
0x27: {  	s1 =	sld [smem:$0x3FAB]  }
0x28: {  	s2 =	sld [smem:$0x3FAC]  }
0x29: {  	s4 =	sld [smem:$0x3FAE]  }
0x2a: {  	p0 =	seq.s32 s5, $0x0;
	s5 =	sld [smem:$0x3FAF]  }
0x2b: {  	s6 =	sld [smem:$0x3FB0]  }
0x2c: {  	s7 =	sld [smem:$0x3FB1]  }
0x2d: {  	s3 =	simm.s32 $0x108;
	s8 =	sld [smem:$0x3FB2]  }
0x2e: {  	s3 =	simm.s32 @!p0 $0x1082;
	s9 =	sld [smem:$0x3FB3]  }
0x2f: {  	lr =	sadd.s32 s0, s3;
	s0 =	sld [smem:$0x3FAA]  }
0x30: {  	s3 =	sld [smem:$0x3FAD]  }
0x31: {  	[smem:$0x3FB6] =	sst s10  }
0x32: {  	s10 =	sld [smem:$0x3FB4];
	_ =	sdelay $0x3  }
0x33: {  	p0 =	seq.s32 s10, $0x1;
	s10 =	sld [smem:$0x3FB6];
	_ =	sdelay $0x3  }
0x34: {  	[smem:$0x3FB6] =	sst s10  }
0x35: {  	s10 =	sld [smem:$0x3FB5];
	_ =	sdelay $0x3  }
0x36: {  	p1 =	seq.s32 s10, $0x1;
	s10 =	sld [smem:$0x3FB6];
	_ =	sdelay $0x3  }
0x37: {  	[smem:$0x3FB6] =	sst s10  }
0x38: {  	s10 =	sld [smem:$0x3FB7]  }
0x39: {  	_ = 	snop;
	(pc) =	sbr.ind lr, $3  }
0x3a: {  	_ = 	snop  }
0x3b: {  	_ = 	snop  }
0x3c: {  	p2 =	seq.s32 s10, $0x1;
	s10 =	sld [smem:$0x3FB6]  }
0x3d: {  	_ =	shalt  }
0x3e: {  	_ =	shalt  }
0x3f: {  	_ =	shalt  }
0x40: {  	_ =	shalt  }
0x41: {  	_ =	shalt  }
0x42: {  	_ =	shalt  }
0x43: {  	_ =	shalt  }
0x44: {  	_ =	shalt  }
0x45: {  	_ =	shalt  }
0x46: {  	_ =	shalt  }
0x47: {  	_ =	shalt  }
0x48: {  	_ =	shalt  }
0x49: {  	_ =	shalt  }
0x4a: {  	_ =	shalt  }
0x4b: {  	_ =	shalt  }
0x4c: {  	_ =	shalt  }
0x4d: {  	_ =	shalt  }
0x4e: {  	_ =	shalt  }
0x4f: {  	_ =	shalt  }
0x50: {  	_ =	shalt  }
0x51: {  	_ =	shalt  }
0x52: {  	_ =	shalt  }
0x53: {  	_ =	shalt  }
0x54: {  	_ =	shalt  }
0x55: {  	_ =	shalt  }
0x56: {  	_ =	shalt  }
0x57: {  	_ =	shalt  }
0x58: {  	_ =	shalt  }
0x59: {  	_ =	shalt  }
0x5a: {  	_ =	shalt  }
0x5b: {  	_ =	shalt  }
0x5c: {  	_ =	shalt  }
0x5d: {  	_ =	shalt  }
0x5e: {  	_ =	shalt  }
0x5f: {  	_ =	shalt  }
0x60: {  	_ =	shalt  }
0x61: {  	_ =	shalt  }
0x62: {  	_ =	shalt  }
0x63: {  	_ =	shalt  }
0x64: {  	_ =	shalt  }
0x65: {  	_ =	shalt  }
0x66: {  	_ =	shalt  }
0x67: {  	_ =	shalt  }
0x68: {  	_ =	shalt  }
0x69: {  	_ =	shalt  }
0x6a: {  	_ =	shalt  }
0x6b: {  	_ =	shalt  }
0x6c: {  	_ =	shalt  }
0x6d: {  	_ =	shalt  }
0x6e: {  	_ =	shalt  }
0x6f: {  	_ =	shalt  }
0x70: {  	_ =	shalt  }
0x71: {  	_ =	shalt  }
0x72: {  	_ =	shalt  }
0x73: {  	_ =	shalt  }
0x74: {  	_ =	shalt  }
0x75: {  	_ =	shalt  }
0x76: {  	_ =	shalt  }
0x77: {  	_ =	shalt  }
0x78: {  	_ =	shalt  }
0x79: {  	_ =	shalt  }
0x7a: {  	_ =	shalt  }
0x7b: {  	_ =	shalt  }
0x7c: {  	_ =	shalt  }
0x7d: {  	_ =	shalt  }
0x7e: {  	_ =	shalt  }
0x7f: {  	_ =	shalt  }
0x80: {  	_ =	shalt  }
0x81: {  	_ =	shalt  }
0x82: {  	_ =	shalt  }
0x83: {  	_ =	shalt  }
0x84: {  	_ =	shalt  }
0x85: {  	_ =	shalt  }
0x86: {  	_ =	shalt  }
0x87: {  	_ =	shalt  }
.Lfunc_end0:
.L_simem_size_0:
called_computation.1_lowered:
.L_overlay_start_0:
0x88: {  	s2 =	sld [smem:$0x3FD9]  }
0x89: {  	s3 =	sld [smem:$0x3FFE];
	_ =	sdelay $0x1  }
0x8a: {  	s1 =	srdreg.scid  }
0x8b: {  	s0 =	sand.u32 $0x1, s1  }
0x8c: {  	s16 =	sshll.u32 s0, $0xA;
	s2 =	sadd.s32 s3, s2  }
0x8d: {  	s2 =	sadd.s32 s2, s16  }
0x8e: {  	[smem:$0x3FC2] =	sst s2  }
0x8f: {  	_ = 	snop  }
0x90: {  	(tm) =	ssettm $0x1  }
0x91: {  	s17 =	sld [smem:$0x3FFB];
	_ =	sdelay $0x3  }
0x92: {  	_ =	strace s17  }
0x93: {  	s2 =	sld [smem:$0x3FFC];
	_ =	sdelay $0x3  }
0x94: {  	_ =	strace s2  }
0x95: {  	s2 =	sld [smem:$0x3FFD];
	_ =	sdelay $0x3  }
0x96: {  	_ =	strace s2  }
0x97: {  	_ =	strace $0x8FFFFFFF  }
0x98: {  	s18 =	sld [smem:$0x3FDB];
	_ =	sdelay $0x1  }
0x99: {  	s19 =	simm.s32 $_scs_section_size  }
0x9a: {  	s4 =	simm.s32 $_size__tile_overlayer_lowered;
	s5 =	simm.s32 $_tile_overlayer_lowered  }
0x9b: {  	s22 =	simm.s32 $0x1BFF;
	s21 =	sshll.u32 s5, $0x1;
	s2 =	sadd.s32 s19, s18  }
0x9c: {  	s6 =	simm.s32 $0x0;
	s20 =	sshll.u32 s4, $0x1;
	s4 =	sadd.s32 s21, s2  }
0x9d: {  	[timem:s6], [sflag:s22] =	dma.local [hbm:s4], s20  }
0x9e: {  	_ =	swait.ge [sflag:s22], s20  }
0x9f: {  	s3 =	ssub.s32 $0x0, s20;
	[sflag:s22] =	ssyncset.done $0x0  }
0xa0: {  	[sflag:s22] =	ssyncadd.s32 s3;
	_ =	sdelay $0x1  }
0xa1: {  	s23 =	simm.s32 $0x1B8B  }
0xa2: {  	_ =	swait.ge [sflag:s23], $0x1  }
0xa3: {  	[sflag:s23] =	ssyncset.done $0x0  }
0xa4: {  	s25 =	simm.s32 $0x1B8E;
	s24 =	sld [smem:$0x3FFE];
	[sflag:s23] =	ssyncadd.s32 $0xFFFFFFFF  }
0xa5: {  	s26 =	simm.s32 $execute0_lowered;
	[smem:$0x3FD2] =	sst s25  }
0xa6: {  	s4 =	sshll.u32 s26, $0x1;
	_ =	strace $0x80000049;
	[dreg:$0x1] =	wrdreg $0xFFFFFFFF  }
0xa7: {  	s28 =	simm.s32 $_size_execute0_lowered;
	s2 =	sadd.s32 s2, s4;
	[dreg:$0x0] =	wrdreg $0x0  }
0xa8: {  	s4 =	sshll.u32 s28, $0x1;
	[dreg:$0x2] =	wrdreg s2  }
0xa9: {  	[dreg:$0x3] =	wrdreg s4  }
0xaa: {  	[dreg:$0x4] =	wrdreg $0xC0  }
0xab: {  	_ =	task [dreg:s6], $0x5FFFF  }
0xac: {  	[dreg:$0x1] =	wrdreg $0xFFFFFFFF  }
0xad: {  	[dreg:$0x0] =	wrdreg $0x60  }
0xae: {  	[dreg:$0x2] =	wrdreg s24  }
0xaf: {  	[dreg:$0x3] =	wrdreg $0x0  }
0xb0: {  	[dreg:$0x4] =	wrdreg $0xA0000  }
0xb1: {  	[dreg:$0x5] =	wrdreg $0x9  }
0xb2: {  	_ =	task.clear_ibuf [dreg:s6], $0x6FFFF;
	_ =	strace $0x90000049  }
0xb3: {  	s29 =	simm.s32 $0x9;
	_ =	strace $0x8000004B  }
0xb4: {  	_ =	swait.ge [sflag:s29], $0x1  }
0xb5: {  	[sflag:s29] =	ssyncadd.s32 $0xFFFFFFFF  }
0xb6: {  	_ =	strace $0x9000004B  }
0xb7: {  	_ =	sfence  }
0xb8: {  	s30 =	sld [smem:$0x0];
	_ =	sdelay $0x2  }
0xb9: {  	s31 =	sshll.u32 s1, $0xD;
	s1 =	sshrl.u32 s1, $0x2  }
0xba: {  	s3 =	sand.u32 $0x4000, s31;
	s1 =	sadd.s32 s1, s30  }
0xbb: {  	s0 =	sor.u32 s3, s0;
	s1 =	sshll.u32 s1, $0x11  }
0xbc: {  	s0 =	sor.u32 s1, s0  }
0xbd: {  	s0 =	sadd.s32 $0x8F2B, s0  }
0xbe: {  	[sflag:s0] =	ssyncadd.remote.s32 $0x1  }
0xbf: {  	_ =	sfence.sel $0xFFFF  }
0xc0: {  	[dreg:$0x0] =	wrdreg $0xFFFFFFFF;
	(pc) =	sbr.abs _section_cstart, $3  }
0xc1: {  	[dreg:$0x1] =	wrdreg $0xFFFFFFFF  }
0xc2: {  	_ =	task.clear_ibuf [dreg:s6], $0x2FFFF;
	_ =	strace $0x9FFFFFFF  }
0xc3: {  	(tm) =	ssettm $0x7FFFFFFF  }
tec
execute0_lowered:
.L_overlay_start_1:
0x0: {  	(tag) =	ssettag $0x1  }
0x1: {  	s0 =	rddreg [dreg:$0x0]  }
0x2: {  	s3 =	rddreg [dreg:$0x1]  }
0x3: {  	s24 =	rddreg [dreg:$0x2]  }
0x4: {  	s15 =	stileid.u32;
	s4 =	simm.s32 $0x0;
	s5 =	srdreg.scid  }
0x5: {  	s18 =	simm.s32 $0x3FC00;
	s1 =	smul.u32 $0xA000, s15;
	[smem:$0x7FF] =	sst s4  }
0x6: {  	s5 =	sand.u32 $0x1, s5;
	s11 =	smul.u32 $0x28000, s15;
	s12 =	sadd.s32 $0x3600, s0  }
0x7: {  	s25 =	sshll.u32 s15, $0x6;
	_ =	strace $0x8000004A;
	s8 =	ssub.s32 $0x2, s5  }
0x8: {  	s9 =	sshll.u32 s5, $0x4;
	p0 =	seq.s32 s5, $0x0;
	s5 =	smul.u32 $0x500, s5  }
0x9: {  	s6 =	sshrl.u32 s1, $0x3;
	s10 =	sshrl.u32 s8, $0x1;
	s9 =	sor.u32 s15, s9  }
0xa: {  	s13 =	sadd.s32 s1, s3;
	s11 =	sshrl.u32 s11, $0x2;
	s15 =	smul.u32 $0x50, s15  }
0xb: {  	s14 =	sadd.s32 $0x6000, s1;
	s18 =	simm.s32 @!p0 $0x2BC00;
	s23 =	smul.u32 $0x2800, s9  }
0xc: {  	s7 =	sadd.s32 s6, s0;
	s8 =	ssub.s32 s8, s10;
	s9 =	smul.u32 $0x500, s9  }
0xd: {  	s19 =	sadd.s32 s11, s24;
	s11 =	sadd.s32 $0x4000, s1;
	s17 =	sshrl.u32 s14, $0x3  }
0xe: {  	s0 =	sadd.s32 s18, s0;
	s7 =	sadd.s32 $0x17C00, s7;
	[dreg:$0x7] =	wrdreg s19  }
0xf: {  	s16 =	sshrl.u32 s11, $0x3;
	s6 =	sadd.s32 s0, s6;
	[dreg:$0x5] =	wrdreg s7  }
0x10: {  	s5 =	sadd.s32 s15, s5;
	s7 =	sor.u32 $0x1C15, s25;
	[dreg:$0xa] =	wrdreg s6  }
0x11: {  	s10 =	sshrl.u32 s23, $0x3;
	s23 =	sadd.s32 s0, s16;
	[dreg:$0x6] =	wrdreg s7  }
0x12: {  	s15 =	sadd.s32 $0x8000, s1;
	s25 =	sadd.s32 s0, s17;
	[dreg:$0xc] =	wrdreg s23  }
0x13: {  	s20 =	sadd.s32 s12, s9;
	s9 =	sadd.s32 $0x2000, s1;
	[dreg:$0xd] =	wrdreg s25  }
0x14: {  	s2 =	sshrl.u32 s9, $0x3;
	s9 =	sadd.s32 s9, s24;
	[dreg:$0x8] =	wrdreg s20  }
0x15: {  	s7 =	sadd.s32 s12, s10;
	s10 =	sadd.s32 s11, s24;
	[dreg:$0x14] =	wrdreg s9  }
0x16: {  	s5 =	sshll.u32 s5, $0x4;
	s11 =	sadd.s32 s14, s24;
	[dreg:$0x15] =	wrdreg s10  }
0x17: {  	s30 =	sadd.s32 s5, s12;
	s12 =	sadd.s32 s15, s24;
	[dreg:$0x16] =	wrdreg s11  }
0x18: {  	s14 =	sshrl.u32 s13, $0x3;
	[dreg:$0x17] =	wrdreg s12  }
0x19: {  	s21 =	sshrl.u32 s15, $0x3;
	s15 =	sadd.s32 $0xA000, s20;
	[dreg:$0x18] =	wrdreg s14  }
0x1a: {  	s28 =	simm.s32 $0x15;
	s16 =	sadd.s32 $0x10, s20;
	[dreg:$0x19] =	wrdreg s15  }
0x1b: {  	s29 =	simm.s32 $0x16000;
	s17 =	sadd.s32 $0x20, s20;
	[dreg:$0x1a] =	wrdreg s16  }
0x1c: {  	s31 =	simm.s32 $0xA;
	s18 =	sadd.s32 $0x30, s20;
	[dreg:$0x1b] =	wrdreg s17  }
0x1d: {  	s23 =	sadd.s32 $0x4000, s19;
	s25 =	sadd.s32 $0x6000, s19;
	[dreg:$0x1c] =	wrdreg s18  }
0x1e: {  	s13 =	simm.s32 $0x5;
	s26 =	sadd.s32 $0xA010, s7;
	[dreg:$0x1f] =	wrdreg s23  }
0x1f: {  	s22 =	sadd.s32 s0, s2;
	s0 =	sadd.s32 s0, s21;
	[smem:$0x7FC] =	sst s25  }
0x20: {  	s2 =	sadd.s32 $0xA020, s7;
	s5 =	sadd.s32 $0xA030, s7;
	[dreg:$0x9] =	wrdreg s26  }
0x21: {  	s6 =	sadd.s32 $0xA040, s7;
	s7 =	smax.u32 s8, $0x1;
	[dreg:$0xb] =	wrdreg s22  }
0x22: {  	s8 =	sadd.s32 s1, s24;
	s21 =	sadd.s32 $0x40, s20;
	[dreg:$0xe] =	wrdreg s0  }
0x23: {  	s23 =	simm.s32 $0x80;
	s1 =	simm.s32 $0x1;
	[dreg:$0xf] =	wrdreg s2  }
0x24: {  	s9 =	simm.s32 $0x12;
	s11 =	simm.s32 $0x4;
	[dreg:$0x10] =	wrdreg s5  }
0x25: {  	s12 =	simm.s32 $0x13;
	s14 =	simm.s32 $0x14;
	[dreg:$0x11] =	wrdreg s6  }
0x26: {  	s10 =	simm.s32 $0x6;
	s15 =	simm.s32 $0x7;
	[dreg:$0x12] =	wrdreg s7  }
0x27: {  	s16 =	simm.s32 $0x8;
	s17 =	simm.s32 $0x9;
	[dreg:$0x13] =	wrdreg s8  }
0x28: {  	s20 =	simm.s32 $0x0;
	s26 =	sadd.s32 $0xA000, s30;
	[dreg:$0x1d] =	wrdreg s21  }
0x29: {  	s22 =	sadd.s32 $0x2000, s19;
	s5 =	simm.s32 $0x18000;
	[dreg:$0x4] =	wrdreg s26  }
0x2a: {  	s6 =	simm.s32 $0x2;
	[dreg:$0x1e] =	wrdreg s22;
	s26 =	sadd.s32 $0x8000, s19  }
0x2b: {  	v0 =	vimm.f32 $0.0e+00;
	s7 =	simm.s32 $0x11;
	s8 =	simm.s32 $0x3;
	[smem:$0x7FD] =	sst s26  }
.LBB2_1:
0x2c: {  	[smem:$0x7FB] =	sst s20  }
0x2d: {  	s19 =	rddreg [dreg:$0x5]  }
0x2e: {  	s22 =	rddreg [dreg:$0x6]  }
0x2f: {  	s0 =	rddreg [dreg:$0x18]  }
0x30: {  	[spmem:s0], [sflag:s22] =	dma.local [hbm:s19], $0x1400  }
0x31: {  	s25 =	sand.u32 $0x7F00, s4;
	s26 =	sand.u32 $0x30, s4;
	_ =	swait.ge [sflag:s28], $0x1400  }
0x32: {  	s20 =	simm.s32 $0x0;
	s21 =	sshrl.u32 s25, $0x2;
	[sflag:s28] =	ssyncset.done $0x0  }
0x33: {  	s19 =	simm.s32 $0x40;
	s21 =	sor.u32 s26, s21;
	[sflag:s28] =	ssyncadd.s32 $0xFFFFEC00  }
.LBB2_2:
0x34: {  	p1 =	sne.s32 s19, $0x7FC0  }
0x35: {  	[tilespmem:s21+$0x14000] =	vst v0;
	s20 =	sadd.s32 $0x10, s20;
	s21 =	smov.u32 s19;
	s19 =	sadd.s32 $0x40, s19  }
.Ltmp0:
0x36: {  	(pc) =	sbr.rel @p1 .LBB2_2-.Ltmp0, $4  }
0x37: {  	_ = 	snop  }
0x38: {  	s21 =	sand.u32 $0x7F00, s21  }
0x39: {  	s25 =	sand.u32 $0x30, s20;
	s21 =	sshrl.u32 s21, $0x2  }
0x3a: {  	s21 =	sor.u32 s25, s21  }
0x3b: {  	[tilespmem:s21+$0x14000] =	vst v0;
	s19 =	rddreg [dreg:$0x7];
	s25 =	simm.s32 $0x14000  }
0x3c: {  	[spmem:s19] =	stream.linear.scatter [tilespmem:s25], [sflag:$0x15], $0x2000, $0x38;
	[tilespmem:$0x1E500] =	vst v63  }
0x3d: {  	_ =	swait.ge [sflag:s28], $0x2000  }
0x3e: {  	[sflag:s28] =	ssyncset.done $0x0  }
0x3f: {  	s0 =	rddreg [dreg:$0x1e];
	[sflag:s28] =	ssyncadd.s32 $0xFFFFE000  }
0x40: {  	[spmem:s0] =	stream.linear.scatter [tilespmem:s25], [sflag:$0x15], $0x2000, $0x38;
	[tilespmem:$0x1E500] =	vst v63  }
0x41: {  	_ =	swait.ge [sflag:s28], $0x2000  }
0x42: {  	[sflag:s28] =	ssyncset.done $0x0  }
0x43: {  	s18 =	rddreg [dreg:$0x1f];
	[sflag:s28] =	ssyncadd.s32 $0xFFFFE000  }
0x44: {  	[spmem:s18] =	stream.linear.scatter [tilespmem:s25], [sflag:$0x15], $0x2000, $0x38;
	[tilespmem:$0x1E500] =	vst v63  }
0x45: {  	_ =	swait.ge [sflag:s28], $0x2000  }
0x46: {  	s19 =	sld [smem:$0x7FC]  }
0x47: {  	[sflag:s28] =	ssyncset.done $0x0  }
0x48: {  	[sflag:s28] =	ssyncadd.s32 $0xFFFFE000  }
0x49: {  	[spmem:s19] =	stream.linear.scatter [tilespmem:s25], [sflag:$0x15], $0x2000, $0x38;
	[tilespmem:$0x1E500] =	vst v63  }
0x4a: {  	_ =	swait.ge [sflag:s28], $0x2000  }
0x4b: {  	s20 =	sld [smem:$0x7FD]  }
0x4c: {  	[sflag:s28] =	ssyncset.done $0x0  }
0x4d: {  	[sflag:s28] =	ssyncadd.s32 $0xFFFFE000  }
0x4e: {  	[spmem:s20] =	stream.linear.scatter [tilespmem:s25], [sflag:$0x15], $0x2000, $0x38;
	[tilespmem:$0x1E500] =	vst v63  }
0x4f: {  	_ =	swait.ge [sflag:s28], $0x2000  }
0x50: {  	[sflag:s28] =	ssyncset.done $0x0  }
0x51: {  	[sflag:s28] =	ssyncadd.s32 $0xFFFFE000  }
0x52: {  	[bflag:$0x0] =	sbarrier.arrive $0xFFFF  }
0x53: {  	s26 =	simm.s32 $0x1E000;
	s19 =	simm.s32 $0x0;
	s20 =	rddreg [dreg:$0x8]  }
0x54: {  	[tilespmem:s26], [sflag:$0xB] =	stream.linear.gather [hbm4b:s20+s19], $0x80, $0x38;
	[tilespmem:$0x1E500] =	vst v63  }
0x55: {  	s22 =	simm.s32 $0x1E280;
	s21 =	rddreg [dreg:$0x19]  }
0x56: {  	[tilespmem:s22], [sflag:$0x10] =	stream.linear.gather [hbm4b:s21+s19], $0x80, $0x38;
	[tilespmem:$0x1E500] =	vst v63  }
0x57: {  	s2 =	simm.s32 $0x1E080;
	s28 =	rddreg [dreg:$0x1a]  }
0x58: {  	[tilespmem:s2], [sflag:$0xC] =	stream.linear.gather [hbm4b:s28+s19], $0x80, $0x38;
	[tilespmem:$0x1E500] =	vst v63  }
0x59: {  	s18 =	simm.s32 $0x1E300;
	s2 =	rddreg [dreg:$0x9]  }
0x5a: {  	[tilespmem:s18], [sflag:$0x11] =	stream.linear.gather [hbm4b:s2+s19], $0x80, $0x38;
	[tilespmem:$0x1E500] =	vst v63  }
0x5b: {  	s21 =	rddreg [dreg:$0x1b];
	s22 =	simm.s32 $0x1E100  }
0x5c: {  	[tilespmem:s22], [sflag:$0xD] =	stream.linear.gather [hbm4b:s21+s19], $0x80, $0x38;
	[tilespmem:$0x1E500] =	vst v63  }
0x5d: {  	s20 =	simm.s32 $0x1E380;
	s2 =	rddreg [dreg:$0xf]  }
0x5e: {  	[tilespmem:s20], [sflag:$0x12] =	stream.linear.gather [hbm4b:s2+s19], $0x80, $0x38;
	[tilespmem:$0x1E500] =	vst v63  }
0x5f: {  	s21 =	rddreg [dreg:$0x1c];
	s22 =	simm.s32 $0x1E180  }
0x60: {  	[tilespmem:s22], [sflag:$0xE] =	stream.linear.gather [hbm4b:s21+s19], $0x80, $0x38;
	[tilespmem:$0x1E500] =	vst v63  }
0x61: {  	s20 =	rddreg [dreg:$0x10];
	s21 =	simm.s32 $0x1E400  }
0x62: {  	[tilespmem:s21], [sflag:$0x13] =	stream.linear.gather [hbm4b:s20+s19], $0x80, $0x38;
	[tilespmem:$0x1E500] =	vst v63  }
0x63: {  	s20 =	rddreg [dreg:$0x1d];
	s21 =	simm.s32 $0x1E200  }
0x64: {  	[tilespmem:s21], [sflag:$0xF] =	stream.linear.gather [hbm4b:s20+s19], $0x80, $0x38;
	[tilespmem:$0x1E500] =	vst v63  }
0x65: {  	s2 =	rddreg [dreg:$0x11];
	s21 =	simm.s32 $0x1E480  }
0x66: {  	[tilespmem:s21], [sflag:$0x14] =	stream.linear.gather [hbm4b:s2+s19], $0x80, $0x38;
	[tilespmem:$0x1E500] =	vst v63  }
0x67: {  	s21 =	simm.s32 $0xB  }
0x68: {  	_ =	swait.ge [sflag:s21], $0x80  }
0x69: {  	[sflag:s21] =	ssyncset.done $0x0  }
0x6a: {  	s2 =	simm.s32 $0xC;
	[sflag:s21] =	ssyncadd.s32 $0xFFFFFF80  }
0x6b: {  	[tilespmem:s25], [sflag:$0x1] =	stream.indirect.gather [spmem:s3], $0x40, s26, s23, $0xb8;
	[tilespmem:$0x1E500] =	vst v63  }
0x6c: {  	_ =	swait.ge [sflag:s2], $0x80  }
0x6d: {  	[sflag:s2] =	ssyncset.done $0x0  }
0x6e: {  	s0 =	simm.s32 $0xD;
	s28 =	simm.s32 $0x1E080;
	[sflag:s2] =	ssyncadd.s32 $0xFFFFFF80  }
0x6f: {  	[tilespmem:s29], [sflag:$0x2] =	stream.indirect.gather [spmem:s3], $0x40, s28, s23, $0xb8;
	[tilespmem:$0x1E500] =	vst v63  }
0x70: {  	_ =	swait.ge [sflag:s0], $0x80  }
0x71: {  	[sflag:s0] =	ssyncset.done $0x0  }
0x72: {  	s18 =	simm.s32 $0x1E100;
	[sflag:s0] =	ssyncadd.s32 $0xFFFFFF80  }
0x73: {  	[tilespmem:s5], [sflag:$0x3] =	stream.indirect.gather [spmem:s3], $0x40, s18, s23, $0xb8;
	[tilespmem:$0x1E500] =	vst v63  }
0x74: {  	s18 =	simm.s32 $0xE  }
0x75: {  	_ =	swait.ge [sflag:s18], $0x80  }
0x76: {  	[sflag:s18] =	ssyncset.done $0x0  }
0x77: {  	s22 =	simm.s32 $0x1E180;
	s19 =	simm.s32 $0x1A000;
	[sflag:s18] =	ssyncadd.s32 $0xFFFFFF80  }
0x78: {  	[tilespmem:s19], [sflag:$0x4] =	stream.indirect.gather [spmem:s3], $0x40, s22, s23, $0xb8;
	[tilespmem:$0x1E500] =	vst v63  }
0x79: {  	s22 =	simm.s32 $0xF  }
0x7a: {  	_ =	swait.ge [sflag:s22], $0x80  }
0x7b: {  	[sflag:s22] =	ssyncset.done $0x0  }
0x7c: {  	s20 =	simm.s32 $0x1E200;
	s19 =	simm.s32 $0x1C000;
	[sflag:s22] =	ssyncadd.s32 $0xFFFFFF80  }
0x7d: {  	[tilespmem:s19], [sflag:$0x5] =	stream.indirect.gather [spmem:s3], $0x40, s20, s23, $0xb8;
	[tilespmem:$0x1E500] =	vst v63  }
0x7e: {  	_ =	swait.ge [sflag:s1], $0x2000  }
0x7f: {  	s19 =	sadd.s32 $0x0, s30;
	[sflag:s1] =	ssyncset.done $0x0  }
0x80: {  	s5 =	sadd.s32 $0x50, s19;
	[sflag:s1] =	ssyncadd.s32 $0xFFFFE000  }
0x81: {  	[tilespmem:s26], [sflag:$0xB] =	stream.linear.gather [hbm4b:s5+s4], $0x80, $0x38;
	[tilespmem:$0x1E500] =	vst v63  }
0x82: {  	s5 =	simm.s32 $0x10  }
0x83: {  	_ =	swait.ge [sflag:s5], $0x80  }
0x84: {  	[sflag:s5] =	ssyncset.done $0x0  }
0x85: {  	s20 =	simm.s32 $0x1E280;
	[sflag:s5] =	ssyncadd.s32 $0xFFFFFF80  }
0x86: {  	[spmem:s24] =	stream.indirect.scatter.add.f32 [tilespmem:s25], [sflag:$0x6], $0x40, s20, s23, $0xb8;
	[tilespmem:$0x1E500] =	vst v63  }
0x87: {  	_ =	swait.ge [sflag:s6], $0x2000  }
0x88: {  	[sflag:s6] =	ssyncset.done $0x0  }
0x89: {  	s28 =	simm.s32 $0x1E080;
	s20 =	sadd.s32 $0x60, s19;
	[sflag:s6] =	ssyncadd.s32 $0xFFFFE000  }
0x8a: {  	[tilespmem:s28], [sflag:$0xC] =	stream.linear.gather [hbm4b:s20+s4], $0x80, $0x38;
	[tilespmem:$0x1E500] =	vst v63  }
0x8b: {  	_ =	swait.ge [sflag:s7], $0x80  }
0x8c: {  	[sflag:s7] =	ssyncset.done $0x0  }
0x8d: {  	s29 =	simm.s32 $0x16000;
	s28 =	simm.s32 $0x1E300;
	[sflag:s7] =	ssyncadd.s32 $0xFFFFFF80  }
0x8e: {  	[spmem:s24] =	stream.indirect.scatter.add.f32 [tilespmem:s29], [sflag:$0x7], $0x40, s28, s23, $0xb8;
	[tilespmem:$0x1E500] =	vst v63  }
0x8f: {  	_ =	swait.ge [sflag:s8], $0x2000  }
0x90: {  	[sflag:s8] =	ssyncset.done $0x0  }
0x91: {  	s28 =	simm.s32 $0x1E100;
	[sflag:s8] =	ssyncadd.s32 $0xFFFFE000;
	s8 =	sadd.s32 $0x70, s19  }
0x92: {  	[tilespmem:s28], [sflag:$0xD] =	stream.linear.gather [hbm4b:s8+s4], $0x80, $0x38;
	[tilespmem:$0x1E500] =	vst v63  }
0x93: {  	_ =	swait.ge [sflag:s9], $0x80  }
0x94: {  	[sflag:s9] =	ssyncset.done $0x0  }
0x95: {  	s29 =	simm.s32 $0x18000;
	s28 =	simm.s32 $0x1E380;
	[sflag:s9] =	ssyncadd.s32 $0xFFFFFF80  }
0x96: {  	[spmem:s24] =	stream.indirect.scatter.add.f32 [tilespmem:s29], [sflag:$0x8], $0x40, s28, s23, $0xb8;
	[tilespmem:$0x1E500] =	vst v63  }
0x97: {  	_ =	swait.ge [sflag:s11], $0x2000  }
0x98: {  	[sflag:s11] =	ssyncset.done $0x0  }
0x99: {  	s9 =	sadd.s32 $0x80, s19;
	[sflag:s11] =	ssyncadd.s32 $0xFFFFE000;
	s11 =	simm.s32 $0x1E180  }
0x9a: {  	[tilespmem:s11], [sflag:$0xE] =	stream.linear.gather [hbm4b:s9+s4], $0x80, $0x38;
	[tilespmem:$0x1E500] =	vst v63  }
0x9b: {  	_ =	swait.ge [sflag:s12], $0x80  }
0x9c: {  	[sflag:s12] =	ssyncset.done $0x0  }
0x9d: {  	s9 =	simm.s32 $0x1E400;
	[sflag:s12] =	ssyncadd.s32 $0xFFFFFF80;
	s12 =	simm.s32 $0x1A000  }
0x9e: {  	[spmem:s24] =	stream.indirect.scatter.add.f32 [tilespmem:s12], [sflag:$0x9], $0x40, s9, s23, $0xb8;
	[tilespmem:$0x1E500] =	vst v63  }
0x9f: {  	_ =	swait.ge [sflag:s13], $0x2000  }
0xa0: {  	[sflag:s13] =	ssyncset.done $0x0  }
0xa1: {  	s19 =	sadd.s32 $0x90, s19;
	[sflag:s13] =	ssyncadd.s32 $0xFFFFE000;
	s13 =	simm.s32 $0x1E200  }
0xa2: {  	[tilespmem:s13], [sflag:$0xF] =	stream.linear.gather [hbm4b:s19+s4], $0x80, $0x38;
	[tilespmem:$0x1E500] =	vst v63  }
0xa3: {  	_ =	swait.ge [sflag:s14], $0x80  }
0xa4: {  	[sflag:s14] =	ssyncset.done $0x0  }
0xa5: {  	s8 =	simm.s32 $0x1E480;
	s19 =	simm.s32 $0x1C000;
	[sflag:s14] =	ssyncadd.s32 $0xFFFFFF80  }
0xa6: {  	[spmem:s24] =	stream.indirect.scatter.add.f32 [tilespmem:s19], [sflag:$0xA], $0x40, s8, s23, $0xb8;
	[tilespmem:$0x1E500] =	vst v63  }
0xa7: {  	_ =	swait.ge [sflag:s10], $0x2000  }
0xa8: {  	s20 =	rddreg [dreg:$0x4]  }
0xa9: {  	[sflag:s10] =	ssyncset.done $0x0;
	s19 =	sadd.s32 $0x0, s20  }
0xaa: {  	s14 =	simm.s32 $0x1E280;
	[sflag:s10] =	ssyncadd.s32 $0xFFFFE000;
	s10 =	sadd.s32 $0x50, s19  }
0xab: {  	[tilespmem:s14], [sflag:$0x10] =	stream.linear.gather [hbm4b:s10+s4], $0x80, $0x38;
	[tilespmem:$0x1E500] =	vst v63  }
0xac: {  	_ =	swait.ge [sflag:s21], $0x80  }
0xad: {  	[sflag:s21] =	ssyncset.done $0x0  }
0xae: {  	[sflag:s21] =	ssyncadd.s32 $0xFFFFFF80  }
0xaf: {  	[tilespmem:s25], [sflag:$0x1] =	stream.indirect.gather [spmem:s3], $0x40, s26, s23, $0xb8;
	[tilespmem:$0x1E500] =	vst v63  }
0xb0: {  	_ =	swait.ge [sflag:s15], $0x2000  }
0xb1: {  	[sflag:s15] =	ssyncset.done $0x0  }
0xb2: {  	s14 =	sadd.s32 $0x60, s19;
	[sflag:s15] =	ssyncadd.s32 $0xFFFFE000;
	s15 =	simm.s32 $0x1E300  }
0xb3: {  	[tilespmem:s15], [sflag:$0x11] =	stream.linear.gather [hbm4b:s14+s4], $0x80, $0x38;
	[tilespmem:$0x1E500] =	vst v63  }
0xb4: {  	_ =	swait.ge [sflag:s2], $0x80  }
0xb5: {  	[sflag:s2] =	ssyncset.done $0x0  }
0xb6: {  	s20 =	simm.s32 $0x1E080;
	s21 =	simm.s32 $0x16000;
	[sflag:s2] =	ssyncadd.s32 $0xFFFFFF80  }
0xb7: {  	[tilespmem:s21], [sflag:$0x2] =	stream.indirect.gather [spmem:s3], $0x40, s20, s23, $0xb8;
	[tilespmem:$0x1E500] =	vst v63  }
0xb8: {  	_ =	swait.ge [sflag:s16], $0x2000  }
0xb9: {  	[sflag:s16] =	ssyncset.done $0x0  }
0xba: {  	s25 =	sadd.s32 $0x70, s19;
	[sflag:s16] =	ssyncadd.s32 $0xFFFFE000  }
0xbb: {  	[tilespmem:s28], [sflag:$0x12] =	stream.linear.gather [hbm4b:s25+s4], $0x80, $0x38;
	[tilespmem:$0x1E500] =	vst v63  }
0xbc: {  	_ =	swait.ge [sflag:s0], $0x80  }
0xbd: {  	[sflag:s0] =	ssyncset.done $0x0  }
0xbe: {  	s29 =	simm.s32 $0x18000;
	s26 =	simm.s32 $0x1E100;
	[sflag:s0] =	ssyncadd.s32 $0xFFFFFF80  }
0xbf: {  	[tilespmem:s29], [sflag:$0x3] =	stream.indirect.gather [spmem:s3], $0x40, s26, s23, $0xb8;
	[tilespmem:$0x1E500] =	vst v63  }
0xc0: {  	_ =	swait.ge [sflag:s17], $0x2000  }
0xc1: {  	[sflag:s17] =	ssyncset.done $0x0  }
0xc2: {  	s28 =	sadd.s32 $0x80, s19;
	[sflag:s17] =	ssyncadd.s32 $0xFFFFE000  }
0xc3: {  	[tilespmem:s9], [sflag:$0x13] =	stream.linear.gather [hbm4b:s28+s4], $0x80, $0x38;
	[tilespmem:$0x1E500] =	vst v63  }
0xc4: {  	_ =	swait.ge [sflag:s18], $0x80  }
0xc5: {  	[sflag:s18] =	ssyncset.done $0x0  }
0xc6: {  	s12 =	simm.s32 $0x1A000;
	s29 =	simm.s32 $0x1E180;
	[sflag:s18] =	ssyncadd.s32 $0xFFFFFF80  }
0xc7: {  	[tilespmem:s12], [sflag:$0x4] =	stream.indirect.gather [spmem:s3], $0x40, s29, s23, $0xb8;
	[tilespmem:$0x1E500] =	vst v63  }
0xc8: {  	_ =	swait.ge [sflag:s31], $0x2000  }
0xc9: {  	[sflag:s31] =	ssyncset.done $0x0  }
0xca: {  	s19 =	sadd.s32 $0x90, s19;
	[sflag:s31] =	ssyncadd.s32 $0xFFFFE000  }
0xcb: {  	[tilespmem:s8], [sflag:$0x14] =	stream.linear.gather [hbm4b:s19+s4], $0x80, $0x38;
	[tilespmem:$0x1E500] =	vst v63  }
0xcc: {  	s11 =	simm.s32 $0x1C000;
	s13 =	simm.s32 $0x1E200;
	_ =	swait.ge [sflag:s22], $0x80  }
0xcd: {  	s14 =	simm.s32 $0x5;
	s20 =	simm.s32 $0xA0;
	[sflag:s22] =	ssyncset.done $0x0  }
0xce: {  	s21 =	sadd.s32 $0x50, s30;
	s9 =	simm.s32 $0x3;
	[sflag:s22] =	ssyncadd.s32 $0xFFFFFF80  }
0xcf: {  	[tilespmem:s11], [sflag:$0x5] =	stream.indirect.gather [spmem:s3], $0x40, s13, s23, $0xb8;
	[tilespmem:$0x1E500] =	vst v63  }
0xd0: {  	s12 =	simm.s32 $0x12;
	s19 =	simm.s32 $0x50;
	_ =	swait.ge [sflag:s1], $0x2000  }
0xd1: {  	s11 =	simm.s32 $0x4;
	s13 =	simm.s32 $0x13;
	[sflag:s1] =	ssyncset.done $0x0  }
.LBB2_4:
0xd2: {  	s0 =	smov.u32 s30  }
0xd3: {  	s30 =	sadd.s32 $0x50, s21;
	[sflag:s1] =	ssyncadd.s32 $0xFFFFE000;
	s10 =	simm.s32 $0x1E000  }
0xd4: {  	[tilespmem:s10], [sflag:$0xB] =	stream.linear.gather [hbm4b:s30+s4], $0x80, $0x38;
	[tilespmem:$0x1E500] =	vst v63  }
0xd5: {  	_ =	swait.ge [sflag:s5], $0x80  }
0xd6: {  	s1 =	simm.s32 $0x14000;
	[sflag:s5] =	ssyncset.done $0x0  }
0xd7: {  	s30 =	smov.u32 s0;
	s0 =	simm.s32 $0x1E280;
	[sflag:s5] =	ssyncadd.s32 $0xFFFFFF80  }
0xd8: {  	[spmem:s24] =	stream.indirect.scatter.add.f32 [tilespmem:s1], [sflag:$0x6], $0x40, s0, s23, $0xb8;
	[tilespmem:$0x1E500] =	vst v63  }
0xd9: {  	_ =	swait.ge [sflag:s6], $0x2000  }
0xda: {  	[sflag:s6] =	ssyncset.done $0x0  }
0xdb: {  	s2 =	sadd.s32 $0x60, s21;
	s16 =	simm.s32 $0x1E080;
	[sflag:s6] =	ssyncadd.s32 $0xFFFFE000  }
0xdc: {  	[tilespmem:s16], [sflag:$0xC] =	stream.linear.gather [hbm4b:s2+s4], $0x80, $0x38;
	[tilespmem:$0x1E500] =	vst v63  }
0xdd: {  	_ =	swait.ge [sflag:s7], $0x80  }
0xde: {  	[sflag:s7] =	ssyncset.done $0x0  }
0xdf: {  	s8 =	simm.s32 $0x1E300;
	s29 =	simm.s32 $0x16000;
	[sflag:s7] =	ssyncadd.s32 $0xFFFFFF80  }
0xe0: {  	[spmem:s24] =	stream.indirect.scatter.add.f32 [tilespmem:s29], [sflag:$0x7], $0x40, s8, s23, $0xb8;
	[tilespmem:$0x1E500] =	vst v63  }
0xe1: {  	_ =	swait.ge [sflag:s9], $0x2000  }
0xe2: {  	[sflag:s9] =	ssyncset.done $0x0  }
0xe3: {  	s17 =	simm.s32 $0x1E100;
	s5 =	sadd.s32 $0x70, s21;
	[sflag:s9] =	ssyncadd.s32 $0xFFFFE000  }
0xe4: {  	[tilespmem:s17], [sflag:$0xD] =	stream.linear.gather [hbm4b:s5+s4], $0x80, $0x38;
	[tilespmem:$0x1E500] =	vst v63  }
0xe5: {  	_ =	swait.ge [sflag:s12], $0x80  }
0xe6: {  	[sflag:s12] =	ssyncset.done $0x0  }
0xe7: {  	s26 =	simm.s32 $0x18000;
	s7 =	simm.s32 $0x1E380;
	[sflag:s12] =	ssyncadd.s32 $0xFFFFFF80  }
0xe8: {  	[spmem:s24] =	stream.indirect.scatter.add.f32 [tilespmem:s26], [sflag:$0x8], $0x40, s7, s23, $0xb8;
	[tilespmem:$0x1E500] =	vst v63  }
0xe9: {  	_ =	swait.ge [sflag:s11], $0x2000  }
0xea: {  	[sflag:s11] =	ssyncset.done $0x0  }
0xeb: {  	s18 =	simm.s32 $0x1E180;
	s6 =	sadd.s32 $0x80, s21;
	[sflag:s11] =	ssyncadd.s32 $0xFFFFE000  }
0xec: {  	[tilespmem:s18], [sflag:$0xE] =	stream.linear.gather [hbm4b:s6+s4], $0x80, $0x38;
	[tilespmem:$0x1E500] =	vst v63  }
0xed: {  	_ =	swait.ge [sflag:s13], $0x80  }
0xee: {  	[sflag:s13] =	ssyncset.done $0x0  }
0xef: {  	s31 =	simm.s32 $0x1A000;
	s6 =	simm.s32 $0x1E400;
	[sflag:s13] =	ssyncadd.s32 $0xFFFFFF80  }
0xf0: {  	[spmem:s24] =	stream.indirect.scatter.add.f32 [tilespmem:s31], [sflag:$0x9], $0x40, s6, s23, $0xb8;
	[tilespmem:$0x1E500] =	vst v63  }
0xf1: {  	s25 =	smov.u32 s20;
	s28 =	sadd.s32 $0x50, s20;
	_ =	swait.ge [sflag:s14], $0x2000  }
0xf2: {  	p1 =	sne.s32 s20, $0x460;
	s15 =	sadd.s32 $0x90, s21;
	[sflag:s14] =	ssyncset.done $0x0  }
0xf3: {  	s20 =	simm.s32 $0x14;
	s2 =	simm.s32 $0x1E200;
	[sflag:s14] =	ssyncadd.s32 $0xFFFFE000  }
0xf4: {  	[tilespmem:s2], [sflag:$0xF] =	stream.linear.gather [hbm4b:s15+s4], $0x80, $0x38;
	[tilespmem:$0x1E500] =	vst v63  }
0xf5: {  	_ =	swait.ge [sflag:s20], $0x80  }
0xf6: {  	s22 =	simm.s32 $0x6;
	[sflag:s20] =	ssyncset.done $0x0  }
0xf7: {  	s5 =	simm.s32 $0x1E480;
	s15 =	simm.s32 $0x1C000;
	[sflag:s20] =	ssyncadd.s32 $0xFFFFFF80  }
0xf8: {  	[spmem:s24] =	stream.indirect.scatter.add.f32 [tilespmem:s15], [sflag:$0xA], $0x40, s5, s23, $0xb8;
	[tilespmem:$0x1E500] =	vst v63  }
0xf9: {  	_ =	swait.ge [sflag:s22], $0x2000  }
0xfa: {  	s21 =	rddreg [dreg:$0x4]  }
0xfb: {  	[sflag:s22] =	ssyncset.done $0x0;
	s21 =	sadd.s32 s19, s21;
	s19 =	smov.u32 s25  }
0xfc: {  	s25 =	simm.s32 $0xB;
	[sflag:s22] =	ssyncadd.s32 $0xFFFFE000;
	s20 =	sadd.s32 $0x50, s21  }
0xfd: {  	[tilespmem:s0], [sflag:$0x10] =	stream.linear.gather [hbm4b:s20+s4], $0x80, $0x38;
	[tilespmem:$0x1E500] =	vst v63  }
0xfe: {  	_ =	swait.ge [sflag:s25], $0x80  }
0xff: {  	[sflag:s25] =	ssyncset.done $0x0  }
0x100: {  	s22 =	simm.s32 $0x7;
	[sflag:s25] =	ssyncadd.s32 $0xFFFFFF80  }
0x101: {  	[tilespmem:s1], [sflag:$0x1] =	stream.indirect.gather [spmem:s3], $0x40, s10, s23, $0xb8;
	[tilespmem:$0x1E500] =	vst v63  }
0x102: {  	_ =	swait.ge [sflag:s22], $0x2000  }
0x103: {  	[sflag:s22] =	ssyncset.done $0x0  }
0x104: {  	s10 =	sadd.s32 $0x60, s21;
	[sflag:s22] =	ssyncadd.s32 $0xFFFFE000;
	s22 =	simm.s32 $0xC  }
0x105: {  	[tilespmem:s8], [sflag:$0x11] =	stream.linear.gather [hbm4b:s10+s4], $0x80, $0x38;
	[tilespmem:$0x1E500] =	vst v63  }
0x106: {  	_ =	swait.ge [sflag:s22], $0x80  }
0x107: {  	[sflag:s22] =	ssyncset.done $0x0  }
0x108: {  	[sflag:s22] =	ssyncadd.s32 $0xFFFFFF80  }
0x109: {  	[tilespmem:s29], [sflag:$0x2] =	stream.indirect.gather [spmem:s3], $0x40, s16, s23, $0xb8;
	[tilespmem:$0x1E500] =	vst v63  }
0x10a: {  	s29 =	simm.s32 $0x8  }
0x10b: {  	_ =	swait.ge [sflag:s29], $0x2000  }
0x10c: {  	[sflag:s29] =	ssyncset.done $0x0  }
0x10d: {  	s8 =	sadd.s32 $0x70, s21;
	s10 =	simm.s32 $0xD;
	[sflag:s29] =	ssyncadd.s32 $0xFFFFE000  }
0x10e: {  	[tilespmem:s7], [sflag:$0x12] =	stream.linear.gather [hbm4b:s8+s4], $0x80, $0x38;
	[tilespmem:$0x1E500] =	vst v63  }
0x10f: {  	_ =	swait.ge [sflag:s10], $0x80  }
0x110: {  	[sflag:s10] =	ssyncset.done $0x0  }
0x111: {  	s16 =	simm.s32 $0x9;
	[sflag:s10] =	ssyncadd.s32 $0xFFFFFF80  }
0x112: {  	[tilespmem:s26], [sflag:$0x3] =	stream.indirect.gather [spmem:s3], $0x40, s17, s23, $0xb8;
	[tilespmem:$0x1E500] =	vst v63  }
0x113: {  	_ =	swait.ge [sflag:s16], $0x2000  }
0x114: {  	[sflag:s16] =	ssyncset.done $0x0  }
0x115: {  	s22 =	simm.s32 $0xE;
	s17 =	sadd.s32 $0x80, s21;
	[sflag:s16] =	ssyncadd.s32 $0xFFFFE000  }
0x116: {  	[tilespmem:s6], [sflag:$0x13] =	stream.linear.gather [hbm4b:s17+s4], $0x80, $0x38;
	[tilespmem:$0x1E500] =	vst v63  }
0x117: {  	_ =	swait.ge [sflag:s22], $0x80  }
0x118: {  	[sflag:s22] =	ssyncset.done $0x0  }
0x119: {  	s26 =	simm.s32 $0xA;
	[sflag:s22] =	ssyncadd.s32 $0xFFFFFF80  }
0x11a: {  	[tilespmem:s31], [sflag:$0x4] =	stream.indirect.gather [spmem:s3], $0x40, s18, s23, $0xb8;
	[tilespmem:$0x1E500] =	vst v63  }
0x11b: {  	_ =	swait.ge [sflag:s26], $0x2000  }
0x11c: {  	[sflag:s26] =	ssyncset.done $0x0  }
0x11d: {  	s29 =	sadd.s32 $0x90, s21;
	s31 =	simm.s32 $0xF;
	[sflag:s26] =	ssyncadd.s32 $0xFFFFE000  }
0x11e: {  	[tilespmem:s5], [sflag:$0x14] =	stream.linear.gather [hbm4b:s29+s4], $0x80, $0x38;
	[tilespmem:$0x1E500] =	vst v63  }
0x11f: {  	_ =	swait.ge [sflag:s31], $0x80  }
.Ltmp1:
0x120: {  	[sflag:s31] =	ssyncset.done $0x0;
	(pc) =	sbr.rel @p1 .LBB2_4-.Ltmp1, $4  }
0x121: {  	s20 =	smov.u32 s28;
	s1 =	simm.s32 $0x1;
	[sflag:s31] =	ssyncadd.s32 $0xFFFFFF80  }
0x122: {  	[tilespmem:s15], [sflag:$0x5] =	stream.indirect.gather [spmem:s3], $0x40, s2, s23, $0xb8;
	[tilespmem:$0x1E500] =	vst v63  }
0x123: {  	s7 =	simm.s32 $0x11;
	s21 =	sadd.s32 s19, s30;
	_ =	swait.ge [sflag:s1], $0x2000  }
0x124: {  	s6 =	simm.s32 $0x2;
	s5 =	simm.s32 $0x10;
	[sflag:s1] =	ssyncset.done $0x0  }
0x125: {  	s20 =	sadd.s32 $0x50, s21;
	[sflag:s1] =	ssyncadd.s32 $0xFFFFE000;
	s10 =	simm.s32 $0x1E000  }
0x126: {  	[tilespmem:s10], [sflag:$0xB] =	stream.linear.gather [hbm4b:s20+s4], $0x80, $0x38;
	[tilespmem:$0x1E500] =	vst v63  }
0x127: {  	_ =	swait.ge [sflag:s5], $0x80  }
0x128: {  	[sflag:s5] =	ssyncset.done $0x0  }
0x129: {  	s28 =	simm.s32 $0x14000;
	[sflag:s5] =	ssyncadd.s32 $0xFFFFFF80  }
0x12a: {  	[spmem:s24] =	stream.indirect.scatter.add.f32 [tilespmem:s28], [sflag:$0x6], $0x40, s0, s23, $0xb8;
	[tilespmem:$0x1E500] =	vst v63  }
0x12b: {  	_ =	swait.ge [sflag:s6], $0x2000  }
0x12c: {  	[sflag:s6] =	ssyncset.done $0x0  }
0x12d: {  	s22 =	sadd.s32 $0x60, s21;
	s16 =	simm.s32 $0x1E080;
	[sflag:s6] =	ssyncadd.s32 $0xFFFFE000  }
0x12e: {  	[tilespmem:s16], [sflag:$0xC] =	stream.linear.gather [hbm4b:s22+s4], $0x80, $0x38;
	[tilespmem:$0x1E500] =	vst v63  }
0x12f: {  	_ =	swait.ge [sflag:s7], $0x80  }
0x130: {  	[sflag:s7] =	ssyncset.done $0x0  }
0x131: {  	s2 =	simm.s32 $0x1E300;
	s26 =	simm.s32 $0x16000;
	[sflag:s7] =	ssyncadd.s32 $0xFFFFFF80  }
0x132: {  	[spmem:s24] =	stream.indirect.scatter.add.f32 [tilespmem:s26], [sflag:$0x7], $0x40, s2, s23, $0xb8;
	[tilespmem:$0x1E500] =	vst v63  }
0x133: {  	_ =	swait.ge [sflag:s9], $0x2000  }
0x134: {  	[sflag:s9] =	ssyncset.done $0x0  }
0x135: {  	s17 =	simm.s32 $0x1E100;
	s2 =	sadd.s32 $0x70, s21;
	[sflag:s9] =	ssyncadd.s32 $0xFFFFE000  }
0x136: {  	[tilespmem:s17], [sflag:$0xD] =	stream.linear.gather [hbm4b:s2+s4], $0x80, $0x38;
	[tilespmem:$0x1E500] =	vst v63  }
0x137: {  	_ =	swait.ge [sflag:s12], $0x80  }
0x138: {  	[sflag:s12] =	ssyncset.done $0x0  }
0x139: {  	s8 =	simm.s32 $0x18000;
	s5 =	simm.s32 $0x1E380;
	[sflag:s12] =	ssyncadd.s32 $0xFFFFFF80  }
0x13a: {  	[spmem:s24] =	stream.indirect.scatter.add.f32 [tilespmem:s8], [sflag:$0x8], $0x40, s5, s23, $0xb8;
	[tilespmem:$0x1E500] =	vst v63  }
0x13b: {  	_ =	swait.ge [sflag:s11], $0x2000  }
0x13c: {  	[sflag:s11] =	ssyncset.done $0x0  }
0x13d: {  	s15 =	sadd.s32 $0x80, s21;
	s18 =	simm.s32 $0x1E180;
	[sflag:s11] =	ssyncadd.s32 $0xFFFFE000  }
0x13e: {  	[tilespmem:s18], [sflag:$0xE] =	stream.linear.gather [hbm4b:s15+s4], $0x80, $0x38;
	[tilespmem:$0x1E500] =	vst v63  }
0x13f: {  	_ =	swait.ge [sflag:s13], $0x80  }
0x140: {  	[sflag:s13] =	ssyncset.done $0x0  }
0x141: {  	s29 =	simm.s32 $0x1A000;
	s22 =	simm.s32 $0x1E400;
	[sflag:s13] =	ssyncadd.s32 $0xFFFFFF80  }
0x142: {  	[spmem:s24] =	stream.indirect.scatter.add.f32 [tilespmem:s29], [sflag:$0x9], $0x40, s22, s23, $0xb8;
	[tilespmem:$0x1E500] =	vst v63  }
0x143: {  	_ =	swait.ge [sflag:s14], $0x2000  }
0x144: {  	s26 =	sadd.s32 $0x90, s21;
	[sflag:s14] =	ssyncset.done $0x0  }
0x145: {  	s8 =	simm.s32 $0x14;
	s22 =	simm.s32 $0x1E200;
	[sflag:s14] =	ssyncadd.s32 $0xFFFFE000  }
0x146: {  	[tilespmem:s22], [sflag:$0xF] =	stream.linear.gather [hbm4b:s26+s4], $0x80, $0x38;
	[tilespmem:$0x1E500] =	vst v63  }
0x147: {  	_ =	swait.ge [sflag:s8], $0x80  }
0x148: {  	s5 =	simm.s32 $0x6;
	[sflag:s8] =	ssyncset.done $0x0  }
0x149: {  	s15 =	simm.s32 $0x1C000;
	s26 =	simm.s32 $0x1E480;
	[sflag:s8] =	ssyncadd.s32 $0xFFFFFF80  }
0x14a: {  	[spmem:s24] =	stream.indirect.scatter.add.f32 [tilespmem:s15], [sflag:$0xA], $0x40, s26, s23, $0xb8;
	[tilespmem:$0x1E500] =	vst v63  }
0x14b: {  	_ =	swait.ge [sflag:s5], $0x2000  }
0x14c: {  	s2 =	rddreg [dreg:$0x4]  }
0x14d: {  	[sflag:s5] =	ssyncset.done $0x0;
	s19 =	sadd.s32 s19, s2  }
0x14e: {  	[sflag:s5] =	ssyncadd.s32 $0xFFFFE000;
	s20 =	sadd.s32 $0x50, s19  }
0x14f: {  	[tilespmem:s0], [sflag:$0x10] =	stream.linear.gather [hbm4b:s20+s4], $0x80, $0x38;
	[tilespmem:$0x1E500] =	vst v63  }
0x150: {  	_ =	swait.ge [sflag:s25], $0x80  }
0x151: {  	[sflag:s25] =	ssyncset.done $0x0  }
0x152: {  	s2 =	simm.s32 $0x7;
	[sflag:s25] =	ssyncadd.s32 $0xFFFFFF80  }
0x153: {  	[tilespmem:s28], [sflag:$0x1] =	stream.indirect.gather [spmem:s3], $0x40, s10, s23, $0xb8;
	[tilespmem:$0x1E500] =	vst v63  }
0x154: {  	_ =	swait.ge [sflag:s2], $0x2000  }
0x155: {  	s31 =	simm.s32 $0x1E300;
	[sflag:s2] =	ssyncset.done $0x0  }
0x156: {  	s20 =	simm.s32 $0xC;
	s10 =	sadd.s32 $0x60, s19;
	[sflag:s2] =	ssyncadd.s32 $0xFFFFE000  }
0x157: {  	[tilespmem:s31], [sflag:$0x11] =	stream.linear.gather [hbm4b:s10+s4], $0x80, $0x38;
	[tilespmem:$0x1E500] =	vst v63  }
0x158: {  	_ =	swait.ge [sflag:s20], $0x80  }
0x159: {  	[sflag:s20] =	ssyncset.done $0x0  }
0x15a: {  	s25 =	simm.s32 $0x16000;
	s31 =	simm.s32 $0x8;
	[sflag:s20] =	ssyncadd.s32 $0xFFFFFF80  }
0x15b: {  	[tilespmem:s25], [sflag:$0x2] =	stream.indirect.gather [spmem:s3], $0x40, s16, s23, $0xb8;
	[tilespmem:$0x1E500] =	vst v63  }
0x15c: {  	_ =	swait.ge [sflag:s31], $0x2000  }
0x15d: {  	s10 =	sadd.s32 $0x70, s19;
	[sflag:s31] =	ssyncset.done $0x0  }
0x15e: {  	s20 =	simm.s32 $0xD;
	s16 =	simm.s32 $0x1E380;
	[sflag:s31] =	ssyncadd.s32 $0xFFFFE000  }
0x15f: {  	[tilespmem:s16], [sflag:$0x12] =	stream.linear.gather [hbm4b:s10+s4], $0x80, $0x38;
	[tilespmem:$0x1E500] =	vst v63  }
0x160: {  	_ =	swait.ge [sflag:s20], $0x80  }
0x161: {  	[sflag:s20] =	ssyncset.done $0x0  }
0x162: {  	s25 =	simm.s32 $0x18000;
	[sflag:s20] =	ssyncadd.s32 $0xFFFFFF80  }
0x163: {  	[tilespmem:s25], [sflag:$0x3] =	stream.indirect.gather [spmem:s3], $0x40, s17, s23, $0xb8;
	[tilespmem:$0x1E500] =	vst v63  }
0x164: {  	s25 =	simm.s32 $0x9  }
0x165: {  	_ =	swait.ge [sflag:s25], $0x2000  }
0x166: {  	s16 =	sadd.s32 $0x80, s19;
	[sflag:s25] =	ssyncset.done $0x0  }
0x167: {  	s10 =	simm.s32 $0xE;
	s17 =	simm.s32 $0x1E400;
	[sflag:s25] =	ssyncadd.s32 $0xFFFFE000  }
0x168: {  	[tilespmem:s17], [sflag:$0x13] =	stream.linear.gather [hbm4b:s16+s4], $0x80, $0x38;
	[tilespmem:$0x1E500] =	vst v63  }
0x169: {  	_ =	swait.ge [sflag:s10], $0x80  }
0x16a: {  	[sflag:s10] =	ssyncset.done $0x0  }
0x16b: {  	[sflag:s10] =	ssyncadd.s32 $0xFFFFFF80;
	s10 =	simm.s32 $0xA  }
0x16c: {  	[tilespmem:s29], [sflag:$0x4] =	stream.indirect.gather [spmem:s3], $0x40, s18, s23, $0xb8;
	[tilespmem:$0x1E500] =	vst v63  }
0x16d: {  	_ =	swait.ge [sflag:s10], $0x2000  }
0x16e: {  	[sflag:s10] =	ssyncset.done $0x0  }
0x16f: {  	s19 =	sadd.s32 $0x90, s19;
	s16 =	simm.s32 $0xF;
	[sflag:s10] =	ssyncadd.s32 $0xFFFFE000  }
0x170: {  	[tilespmem:s26], [sflag:$0x14] =	stream.linear.gather [hbm4b:s19+s4], $0x80, $0x38;
	[tilespmem:$0x1E500] =	vst v63  }
0x171: {  	_ =	swait.ge [sflag:s16], $0x80  }
0x172: {  	[sflag:s16] =	ssyncset.done $0x0  }
0x173: {  	[sflag:s16] =	ssyncadd.s32 $0xFFFFFF80  }
0x174: {  	[tilespmem:s15], [sflag:$0x5] =	stream.indirect.gather [spmem:s3], $0x40, s22, s23, $0xb8;
	[tilespmem:$0x1E500] =	vst v63  }
0x175: {  	_ =	swait.ge [sflag:s1], $0x2000  }
0x176: {  	[sflag:s1] =	ssyncset.done $0x0  }
0x177: {  	s21 =	simm.s32 $0x10;
	[sflag:s1] =	ssyncadd.s32 $0xFFFFE000  }
0x178: {  	_ =	swait.ge [sflag:s21], $0x80  }
0x179: {  	[sflag:s21] =	ssyncset.done $0x0  }
0x17a: {  	[sflag:s21] =	ssyncadd.s32 $0xFFFFFF80  }
0x17b: {  	[spmem:s24] =	stream.indirect.scatter.add.f32 [tilespmem:s28], [sflag:$0x6], $0x40, s0, s23, $0xb8;
	[tilespmem:$0x1E500] =	vst v63  }
0x17c: {  	_ =	swait.ge [sflag:s6], $0x2000  }
0x17d: {  	[sflag:s6] =	ssyncset.done $0x0  }
0x17e: {  	[sflag:s6] =	ssyncadd.s32 $0xFFFFE000  }
0x17f: {  	_ =	swait.ge [sflag:s7], $0x80  }
0x180: {  	[sflag:s7] =	ssyncset.done $0x0  }
0x181: {  	s18 =	simm.s32 $0x1E300;
	s19 =	simm.s32 $0x16000;
	[sflag:s7] =	ssyncadd.s32 $0xFFFFFF80  }
0x182: {  	[spmem:s24] =	stream.indirect.scatter.add.f32 [tilespmem:s19], [sflag:$0x7], $0x40, s18, s23, $0xb8;
	[tilespmem:$0x1E500] =	vst v63  }
0x183: {  	_ =	swait.ge [sflag:s9], $0x2000  }
0x184: {  	[sflag:s9] =	ssyncset.done $0x0  }
0x185: {  	[sflag:s9] =	ssyncadd.s32 $0xFFFFE000  }
0x186: {  	_ =	swait.ge [sflag:s12], $0x80  }
0x187: {  	[sflag:s12] =	ssyncset.done $0x0  }
0x188: {  	s22 =	simm.s32 $0x18000;
	s21 =	simm.s32 $0x1E380;
	[sflag:s12] =	ssyncadd.s32 $0xFFFFFF80  }
0x189: {  	[spmem:s24] =	stream.indirect.scatter.add.f32 [tilespmem:s22], [sflag:$0x8], $0x40, s21, s23, $0xb8;
	[tilespmem:$0x1E500] =	vst v63  }
0x18a: {  	_ =	swait.ge [sflag:s11], $0x2000  }
0x18b: {  	[sflag:s11] =	ssyncset.done $0x0  }
0x18c: {  	[sflag:s11] =	ssyncadd.s32 $0xFFFFE000  }
0x18d: {  	_ =	swait.ge [sflag:s13], $0x80  }
0x18e: {  	[sflag:s13] =	ssyncset.done $0x0  }
0x18f: {  	s20 =	simm.s32 $0x1E400;
	[sflag:s13] =	ssyncadd.s32 $0xFFFFFF80  }
0x190: {  	[spmem:s24] =	stream.indirect.scatter.add.f32 [tilespmem:s29], [sflag:$0x9], $0x40, s20, s23, $0xb8;
	[tilespmem:$0x1E500] =	vst v63  }
0x191: {  	_ =	swait.ge [sflag:s14], $0x2000  }
0x192: {  	[sflag:s14] =	ssyncset.done $0x0  }
0x193: {  	[sflag:s14] =	ssyncadd.s32 $0xFFFFE000  }
0x194: {  	_ =	swait.ge [sflag:s8], $0x80  }
0x195: {  	[sflag:s8] =	ssyncset.done $0x0  }
0x196: {  	[sflag:s8] =	ssyncadd.s32 $0xFFFFFF80  }
0x197: {  	[spmem:s24] =	stream.indirect.scatter.add.f32 [tilespmem:s15], [sflag:$0xA], $0x40, s26, s23, $0xb8;
	[tilespmem:$0x1E500] =	vst v63  }
0x198: {  	_ =	swait.ge [sflag:s5], $0x2000  }
0x199: {  	[sflag:s5] =	ssyncset.done $0x0  }
0x19a: {  	[sflag:s5] =	ssyncadd.s32 $0xFFFFE000  }
0x19b: {  	_ =	swait.ge [sflag:s2], $0x2000  }
0x19c: {  	[sflag:s2] =	ssyncset.done $0x0  }
0x19d: {  	[sflag:s2] =	ssyncadd.s32 $0xFFFFE000  }
0x19e: {  	_ =	swait.ge [sflag:s31], $0x2000  }
0x19f: {  	[sflag:s31] =	ssyncset.done $0x0  }
0x1a0: {  	[sflag:s31] =	ssyncadd.s32 $0xFFFFE000  }
0x1a1: {  	_ =	swait.ge [sflag:s25], $0x2000  }
0x1a2: {  	[sflag:s25] =	ssyncset.done $0x0  }
0x1a3: {  	[sflag:s25] =	ssyncadd.s32 $0xFFFFE000  }
0x1a4: {  	_ =	swait.ge [sflag:s10], $0x2000  }
0x1a5: {  	[sflag:s10] =	ssyncset.done $0x0  }
0x1a6: {  	[sflag:s10] =	ssyncadd.s32 $0xFFFFE000  }
0x1a7: {  	[bflag:$0x0] =	sbarrier.arrive $0xFFFF  }
0x1a8: {  	s11 =	simm.s32 $0x16;
	s10 =	rddreg [dreg:$0x13]  }
0x1a9: {  	[tilespmem:s28], [sflag:$0x16] =	stream.linear.gather [spmem:s10], $0x2000, $0x38;
	[tilespmem:$0x1E500] =	vst v63  }
0x1aa: {  	_ =	swait.ge [sflag:s11], $0x2000  }
0x1ab: {  	s19 =	simm.s32 $0x16;
	[sflag:s11] =	ssyncset.done $0x0  }
0x1ac: {  	s19 =	simm.s32 @!p0 $0x15;
	s12 =	rddreg [dreg:$0xa];
	[sflag:s11] =	ssyncadd.s32 $0xFFFFE000  }
0x1ad: {  	[hbm4b:s12+s4] =	stream.linear.scatter [tilespmem:s28], [sflag:s19], $0x2000, $0x38;
	[tilespmem:$0x1E500] =	vst v63  }
0x1ae: {  	_ =	swait.ge [sflag:s19], $0x2000  }
0x1af: {  	[sflag:s19] =	ssyncset.done $0x0  }
0x1b0: {  	s13 =	rddreg [dreg:$0x14];
	[sflag:s19] =	ssyncadd.s32 $0xFFFFE000  }
0x1b1: {  	[tilespmem:s28], [sflag:$0x16] =	stream.linear.gather [spmem:s13], $0x2000, $0x38;
	[tilespmem:$0x1E500] =	vst v63  }
0x1b2: {  	_ =	swait.ge [sflag:s11], $0x2000  }
0x1b3: {  	[sflag:s11] =	ssyncset.done $0x0  }
0x1b4: {  	s14 =	rddreg [dreg:$0xb];
	[sflag:s11] =	ssyncadd.s32 $0xFFFFE000  }
0x1b5: {  	[hbm4b:s14+s4] =	stream.linear.scatter [tilespmem:s28], [sflag:s19], $0x2000, $0x38;
	[tilespmem:$0x1E500] =	vst v63  }
0x1b6: {  	_ =	swait.ge [sflag:s19], $0x2000  }
0x1b7: {  	[sflag:s19] =	ssyncset.done $0x0  }
0x1b8: {  	s15 =	rddreg [dreg:$0x15];
	[sflag:s19] =	ssyncadd.s32 $0xFFFFE000  }
0x1b9: {  	[tilespmem:s28], [sflag:$0x16] =	stream.linear.gather [spmem:s15], $0x2000, $0x38;
	[tilespmem:$0x1E500] =	vst v63  }
0x1ba: {  	_ =	swait.ge [sflag:s11], $0x2000  }
0x1bb: {  	[sflag:s11] =	ssyncset.done $0x0  }
0x1bc: {  	s16 =	rddreg [dreg:$0xc];
	[sflag:s11] =	ssyncadd.s32 $0xFFFFE000  }
0x1bd: {  	[hbm4b:s16+s4] =	stream.linear.scatter [tilespmem:s28], [sflag:s19], $0x2000, $0x38;
	[tilespmem:$0x1E500] =	vst v63  }
0x1be: {  	_ =	swait.ge [sflag:s19], $0x2000  }
0x1bf: {  	[sflag:s19] =	ssyncset.done $0x0  }
0x1c0: {  	s17 =	rddreg [dreg:$0x16];
	[sflag:s19] =	ssyncadd.s32 $0xFFFFE000  }
0x1c1: {  	[tilespmem:s28], [sflag:$0x16] =	stream.linear.gather [spmem:s17], $0x2000, $0x38;
	[tilespmem:$0x1E500] =	vst v63  }
0x1c2: {  	_ =	swait.ge [sflag:s11], $0x2000  }
0x1c3: {  	[sflag:s11] =	ssyncset.done $0x0  }
0x1c4: {  	s18 =	rddreg [dreg:$0xd];
	[sflag:s11] =	ssyncadd.s32 $0xFFFFE000  }
0x1c5: {  	[hbm4b:s18+s4] =	stream.linear.scatter [tilespmem:s28], [sflag:s19], $0x2000, $0x38;
	[tilespmem:$0x1E500] =	vst v63  }
0x1c6: {  	_ =	swait.ge [sflag:s19], $0x2000  }
0x1c7: {  	[sflag:s19] =	ssyncset.done $0x0  }
0x1c8: {  	s20 =	rddreg [dreg:$0x17];
	[sflag:s19] =	ssyncadd.s32 $0xFFFFE000  }
0x1c9: {  	[tilespmem:s28], [sflag:$0x16] =	stream.linear.gather [spmem:s20], $0x2000, $0x38;
	[tilespmem:$0x1E500] =	vst v63  }
0x1ca: {  	_ =	swait.ge [sflag:s11], $0x2000  }
0x1cb: {  	[sflag:s11] =	ssyncset.done $0x0  }
0x1cc: {  	s22 =	rddreg [dreg:$0xe];
	[sflag:s11] =	ssyncadd.s32 $0xFFFFE000  }
0x1cd: {  	[hbm4b:s22+s4] =	stream.linear.scatter [tilespmem:s28], [sflag:s19], $0x2000, $0x38;
	[tilespmem:$0x1E500] =	vst v63  }
0x1ce: {  	_ =	swait.ge [sflag:s19], $0x2000  }
0x1cf: {  	s25 =	sld [smem:$0x7FB];
	_ =	sdelay $0x2  }
0x1d0: {  	s26 =	rddreg [dreg:$0x12];
	s20 =	sadd.s32 $0x1, s25  }
0x1d1: {  	s9 =	simm.s32 $0x12;
	s29 =	simm.s32 $0x16000;
	p1 =	sne.s32 s20, s26  }
.Ltmp2:
0x1d2: {  	s8 =	simm.s32 $0x3;
	s5 =	simm.s32 $0x18000;
	(pc) =	sbr.rel @p1 .LBB2_1-.Ltmp2, $4  }
0x1d3: {  	s31 =	simm.s32 $0xA;
	s10 =	simm.s32 $0x6;
	s12 =	simm.s32 $0x13  }
0x1d4: {  	s13 =	simm.s32 $0x5;
	s14 =	simm.s32 $0x14;
	s15 =	simm.s32 $0x7  }
0x1d5: {  	s16 =	simm.s32 $0x8;
	s17 =	simm.s32 $0x9;
	[sflag:s19] =	ssyncset.done $0x0  }
0x1d6: {  	s11 =	simm.s32 $0x4;
	s28 =	simm.s32 $0x15;
	[sflag:s19] =	ssyncadd.s32 $0xFFFFE000  }
0x1d7: {  	_ =	sfence.sel $0x180000  }
0x1d8: {  	[bflag:$0x0] =	sbarrier.arrive $0xFFFF  }
0x1d9: {  	_ =	strace $0x9000004A  }
0x1da: {  	s0 =	stileid.u32;
	[bflag:$0x2] =	sbarrier.arrive $0xFFFF  }
0x1db: {  	p0 =	sne.s32 s0, $0x0;
	s0 =	rddreg [dreg:$0x3]  }
0x1dc: {  	s0 =	sadd.s32 @!p0 $0x100000, s0  }
0x1dd: {  	[sflag:s0] =	ssyncadd.tile.s32 @!p0 $0x1;
	_ =	shalt  }
.Lfunc_end2:
_tile_overlayer_lowered:
.L_overlay_start_2:
0x1de: {  	(tag) =	ssettag $0x2  }
0x1df: {  	s0 =	rddreg [dreg:$0x0];
	s2 =	stileid.u32  }
0x1e0: {  	s1 =	rddreg [dreg:$0x1];
	p0 =	sne.s32 s2, $0x0  }
0x1e1: {  	s3 =	rddreg [dreg:$0x2];
	[bflag:$0x3] =	sbarrier.arrive $0xFFFF;
	s2 =	simm.s32 @!p0 $0x1C15  }
0x1e2: {  	[timem:s3], [sflag:s2] =	dma.local @!p0 [hbm:s0], s1  }
0x1e3: {  	s0 =	simm.s32 @!p0 $0x15  }
0x1e4: {  	_ =	swait.ge @!p0 [sflag:s0], s1  }
0x1e5: {  	s1 =	ssub.s32 @!p0 $0x0, s1;
	[sflag:s0] =	ssyncset.done @!p0 $0x0  }
0x1e6: {  	[sflag:s0] =	ssyncadd.s32 @!p0 s1  }
0x1e7: {  	[bflag:$0x3] =	sbarrier.arrive $0xFFFF  }
0x1e8: {  	_ =	shalt  }

// kernel: kernel.15.cloned.1.call-start
scs
__scs_entry_jumppad:
0x0: {  	(pc) =	sbr.rel $0x88, $3  }
0x1: {  	(tag) =	ssettag $0x0;
	lr =	simm.s32 $0x1  }
0x2: {  	[smem:$0x3F9B] =	sst lr;
	_ =	strace $0xD0000000  }
0x3: {  	_ = 	snop  }
0x4: {  	_ = 	snop  }
0x5: {  	_ = 	snop  }
0x6: {  	_ = 	snop  }
0x7: {  	_ = 	snop  }
__scs_overlays_trampoline_lowered:
0x8: {  	[smem:$0x3FAA] =	sst s0  }
0x9: {  	[smem:$0x3FAB] =	sst s1  }
0xa: {  	[smem:$0x3FAC] =	sst s2  }
0xb: {  	[smem:$0x3FAD] =	sst s3  }
0xc: {  	[smem:$0x3FAE] =	sst s4  }
0xd: {  	[smem:$0x3FAF] =	sst s5  }
0xe: {  	[smem:$0x3FB0] =	sst s6  }
0xf: {  	[smem:$0x3FB1] =	sst s7  }
0x10: {  	[smem:$0x3FB2] =	sst s8  }
0x11: {  	[smem:$0x3FB3] =	sst s9;
	s0 =	simm.s32 @!p0 $0x0  }
0x12: {  	s1 =	sld [smem:$0x3F99];
	s0 =	simm.s32 @p0 $0x1  }
0x13: {  	[smem:$0x3FB4] =	sst s0;
	s0 =	simm.s32 @!p1 $0x0  }
0x14: {  	s2 =	sld [smem:$0x3F98];
	s0 =	simm.s32 @p1 $0x1  }
0x15: {  	[smem:$0x3FB5] =	sst s0;
	s0 =	simm.s32 @!p2 $0x0  }
0x16: {  	s3 =	sld [smem:$0x3FDB];
	s0 =	simm.s32 @p2 $0x1  }
0x17: {  	s4 =	simm.s32 $0x1BF5;
	[smem:$0x3FB7] =	sst s0  }
0x18: {  	s0 =	sld [smem:$0x3F9A];
	_ =	swait.ge [sflag:s4], $0x0  }
0x19: {  	s7 =	sld [smem:$0x3F9B]  }
0x1a: {  	s8 =	sadd.s32 $0xFFFFE003, lr  }
0x1b: {  	s9 =	sadd.s32 $0xFFFFFEF7, lr;
	s5 =	simm.s32 $0xFFFFFFFF;
	p2 =	slt.u32 s8, $0xFFFFF086  }
0x1c: {  	p1 =	slt.u32 s9, $0xF7A;
	s5 =	simm.s32 @!p2 $0x0  }
0x1d: {  	s5 =	simm.s32 @p1 $0x1;
	p0 =	seq.s32 s7, s2  }
0x1e: {  	s7 =	smul.u32 @!p0 $0xF7A, s2;
	p2 =	seq.s32 @!p0 s5, $0x0  }
0x1f: {  	s9 =	smul.u32 $0xF7A, s1;
	s8 =	simm.s32 @!p0 $0x1BF5;
	p2 =	por !p2, p0  }
0x20: {  	[sflag:s8] =	ssyncset.s32 @!p0 $0xFFFFF086;
	s6 =	sadd.s32 @!p0 s3, s7;
	s7 =	simm.s32 @!p0 $0x108  }
0x21: {  	s3 =	sadd.s32 s3, s9;
	s6 =	sadd.s32 @!p0 $0x88, s6;
	s7 =	simm.s32 @p2 $0x1082  }
0x22: {  	[simem:s7], [sflag:s8] =	dma.local @!p0 [hbm:s6], $0xF7A  }
0x23: {  	s9 =	sor.u32 $0xD0000000, s2;
	s6 =	simm.s32 $0x108;
	_ =	swait.ge @!p0 [sflag:s8], $0x0  }
0x24: {  	s3 =	sadd.s32 $0x88, s3;
	s6 =	simm.s32 @!p1 $0x1082;
	[sflag:s4] =	ssyncset.s32 $0xFFFFF086  }
0x25: {  	[simem:s6], [sflag:s4] =	dma.local [hbm:s3], $0xF7A  }
0x26: {  	[smem:$0x3F9B] =	sst s1;
	(tag) =	ssettag s2;
	_ =	strace s9  }
0x27: {  	s1 =	sld [smem:$0x3FAB]  }
0x28: {  	s2 =	sld [smem:$0x3FAC]  }
0x29: {  	s4 =	sld [smem:$0x3FAE]  }
0x2a: {  	p0 =	seq.s32 s5, $0x0;
	s5 =	sld [smem:$0x3FAF]  }
0x2b: {  	s6 =	sld [smem:$0x3FB0]  }
0x2c: {  	s7 =	sld [smem:$0x3FB1]  }
0x2d: {  	s3 =	simm.s32 $0x108;
	s8 =	sld [smem:$0x3FB2]  }
0x2e: {  	s3 =	simm.s32 @!p0 $0x1082;
	s9 =	sld [smem:$0x3FB3]  }
0x2f: {  	lr =	sadd.s32 s0, s3;
	s0 =	sld [smem:$0x3FAA]  }
0x30: {  	s3 =	sld [smem:$0x3FAD]  }
0x31: {  	[smem:$0x3FB6] =	sst s10  }
0x32: {  	s10 =	sld [smem:$0x3FB4];
	_ =	sdelay $0x3  }
0x33: {  	p0 =	seq.s32 s10, $0x1;
	s10 =	sld [smem:$0x3FB6];
	_ =	sdelay $0x3  }
0x34: {  	[smem:$0x3FB6] =	sst s10  }
0x35: {  	s10 =	sld [smem:$0x3FB5];
	_ =	sdelay $0x3  }
0x36: {  	p1 =	seq.s32 s10, $0x1;
	s10 =	sld [smem:$0x3FB6];
	_ =	sdelay $0x3  }
0x37: {  	[smem:$0x3FB6] =	sst s10  }
0x38: {  	s10 =	sld [smem:$0x3FB7]  }
0x39: {  	_ = 	snop;
	(pc) =	sbr.ind lr, $3  }
0x3a: {  	_ = 	snop  }
0x3b: {  	_ = 	snop  }
0x3c: {  	p2 =	seq.s32 s10, $0x1;
	s10 =	sld [smem:$0x3FB6]  }
0x3d: {  	_ =	shalt  }
0x3e: {  	_ =	shalt  }
0x3f: {  	_ =	shalt  }
0x40: {  	_ =	shalt  }
0x41: {  	_ =	shalt  }
0x42: {  	_ =	shalt  }
0x43: {  	_ =	shalt  }
0x44: {  	_ =	shalt  }
0x45: {  	_ =	shalt  }
0x46: {  	_ =	shalt  }
0x47: {  	_ =	shalt  }
0x48: {  	_ =	shalt  }
0x49: {  	_ =	shalt  }
0x4a: {  	_ =	shalt  }
0x4b: {  	_ =	shalt  }
0x4c: {  	_ =	shalt  }
0x4d: {  	_ =	shalt  }
0x4e: {  	_ =	shalt  }
0x4f: {  	_ =	shalt  }
0x50: {  	_ =	shalt  }
0x51: {  	_ =	shalt  }
0x52: {  	_ =	shalt  }
0x53: {  	_ =	shalt  }
0x54: {  	_ =	shalt  }
0x55: {  	_ =	shalt  }
0x56: {  	_ =	shalt  }
0x57: {  	_ =	shalt  }
0x58: {  	_ =	shalt  }
0x59: {  	_ =	shalt  }
0x5a: {  	_ =	shalt  }
0x5b: {  	_ =	shalt  }
0x5c: {  	_ =	shalt  }
0x5d: {  	_ =	shalt  }
0x5e: {  	_ =	shalt  }
0x5f: {  	_ =	shalt  }
0x60: {  	_ =	shalt  }
0x61: {  	_ =	shalt  }
0x62: {  	_ =	shalt  }
0x63: {  	_ =	shalt  }
0x64: {  	_ =	shalt  }
0x65: {  	_ =	shalt  }
0x66: {  	_ =	shalt  }
0x67: {  	_ =	shalt  }
0x68: {  	_ =	shalt  }
0x69: {  	_ =	shalt  }
0x6a: {  	_ =	shalt  }
0x6b: {  	_ =	shalt  }
0x6c: {  	_ =	shalt  }
0x6d: {  	_ =	shalt  }
0x6e: {  	_ =	shalt  }
0x6f: {  	_ =	shalt  }
0x70: {  	_ =	shalt  }
0x71: {  	_ =	shalt  }
0x72: {  	_ =	shalt  }
0x73: {  	_ =	shalt  }
0x74: {  	_ =	shalt  }
0x75: {  	_ =	shalt  }
0x76: {  	_ =	shalt  }
0x77: {  	_ =	shalt  }
0x78: {  	_ =	shalt  }
0x79: {  	_ =	shalt  }
0x7a: {  	_ =	shalt  }
0x7b: {  	_ =	shalt  }
0x7c: {  	_ =	shalt  }
0x7d: {  	_ =	shalt  }
0x7e: {  	_ =	shalt  }
0x7f: {  	_ =	shalt  }
0x80: {  	_ =	shalt  }
0x81: {  	_ =	shalt  }
0x82: {  	_ =	shalt  }
0x83: {  	_ =	shalt  }
0x84: {  	_ =	shalt  }
0x85: {  	_ =	shalt  }
0x86: {  	_ =	shalt  }
0x87: {  	_ =	shalt  }
.Lfunc_end0:
.L_simem_size_0:
called_computation.2_lowered:
.L_overlay_start_0:
0x88: {  	s2 =	sld [smem:$0x3FD9]  }
0x89: {  	s3 =	sld [smem:$0x3FFE];
	_ =	sdelay $0x1  }
0x8a: {  	s1 =	srdreg.scid  }
0x8b: {  	s0 =	sand.u32 $0x1, s1  }
0x8c: {  	s16 =	sshll.u32 s0, $0xA;
	s2 =	sadd.s32 s3, s2  }
0x8d: {  	s2 =	sadd.s32 s2, s16  }
0x8e: {  	[smem:$0x3FC2] =	sst s2  }
0x8f: {  	_ = 	snop  }
0x90: {  	(tm) =	ssettm $0x1  }
0x91: {  	s17 =	sld [smem:$0x3FFB];
	_ =	sdelay $0x3  }
0x92: {  	_ =	strace s17  }
0x93: {  	s2 =	sld [smem:$0x3FFC];
	_ =	sdelay $0x3  }
0x94: {  	_ =	strace s2  }
0x95: {  	s2 =	sld [smem:$0x3FFD];
	_ =	sdelay $0x3  }
0x96: {  	_ =	strace s2  }
0x97: {  	_ =	strace $0x8FFFFFFF  }
0x98: {  	s18 =	sld [smem:$0x3FDB];
	_ =	sdelay $0x1  }
0x99: {  	s19 =	simm.s32 $_scs_section_size  }
0x9a: {  	s4 =	simm.s32 $_size__tile_overlayer_lowered;
	s5 =	simm.s32 $_tile_overlayer_lowered  }
0x9b: {  	s22 =	simm.s32 $0x1BFF;
	s21 =	sshll.u32 s5, $0x1;
	s2 =	sadd.s32 s19, s18  }
0x9c: {  	s6 =	simm.s32 $0x0;
	s20 =	sshll.u32 s4, $0x1;
	s4 =	sadd.s32 s21, s2  }
0x9d: {  	[timem:s6], [sflag:s22] =	dma.local [hbm:s4], s20  }
0x9e: {  	_ =	swait.ge [sflag:s22], s20  }
0x9f: {  	s3 =	ssub.s32 $0x0, s20;
	[sflag:s22] =	ssyncset.done $0x0  }
0xa0: {  	[sflag:s22] =	ssyncadd.s32 s3;
	_ =	sdelay $0x1  }
0xa1: {  	s23 =	simm.s32 $0x1B8B  }
0xa2: {  	_ =	swait.ge [sflag:s23], $0x1  }
0xa3: {  	[sflag:s23] =	ssyncset.done $0x0  }
0xa4: {  	s25 =	simm.s32 $0x1B8E;
	s24 =	sld [smem:$0x3FFE];
	[sflag:s23] =	ssyncadd.s32 $0xFFFFFFFF  }
0xa5: {  	s26 =	simm.s32 $execute0_lowered;
	[smem:$0x3FD2] =	sst s25  }
0xa6: {  	s4 =	sshll.u32 s26, $0x1;
	_ =	strace $0x8000004C;
	[dreg:$0x1] =	wrdreg $0xFFFFFFFF  }
0xa7: {  	s28 =	simm.s32 $_size_execute0_lowered;
	s2 =	sadd.s32 s2, s4;
	[dreg:$0x0] =	wrdreg $0x0  }
0xa8: {  	s4 =	sshll.u32 s28, $0x1;
	[dreg:$0x2] =	wrdreg s2  }
0xa9: {  	[dreg:$0x3] =	wrdreg s4  }
0xaa: {  	[dreg:$0x4] =	wrdreg $0xC0  }
0xab: {  	_ =	task [dreg:s6], $0x5FFFF  }
0xac: {  	[dreg:$0x1] =	wrdreg $0xFFFFFFFF  }
0xad: {  	[dreg:$0x0] =	wrdreg $0x60  }
0xae: {  	[dreg:$0x2] =	wrdreg s24  }
0xaf: {  	[dreg:$0x3] =	wrdreg $0xA5000  }
0xb0: {  	[dreg:$0x4] =	wrdreg $0xA2800  }
0xb1: {  	[dreg:$0x5] =	wrdreg $0x9  }
0xb2: {  	_ =	task.clear_ibuf [dreg:s6], $0x6FFFF;
	_ =	strace $0x9000004C  }
0xb3: {  	s29 =	simm.s32 $0x9;
	_ =	strace $0x8000004E  }
0xb4: {  	_ =	swait.ge [sflag:s29], $0x1  }
0xb5: {  	[sflag:s29] =	ssyncadd.s32 $0xFFFFFFFF  }
0xb6: {  	_ =	strace $0x9000004E  }
0xb7: {  	_ =	sfence  }
0xb8: {  	s30 =	sld [smem:$0x0];
	_ =	sdelay $0x2  }
0xb9: {  	s31 =	sshll.u32 s1, $0xD;
	s1 =	sshrl.u32 s1, $0x2  }
0xba: {  	s3 =	sand.u32 $0x4000, s31;
	s1 =	sadd.s32 s1, s30  }
0xbb: {  	s0 =	sor.u32 s3, s0;
	s1 =	sshll.u32 s1, $0x11  }
0xbc: {  	s0 =	sor.u32 s1, s0  }
0xbd: {  	s0 =	sadd.s32 $0x8F2B, s0  }
0xbe: {  	[sflag:s0] =	ssyncadd.remote.s32 $0x1  }
0xbf: {  	_ =	sfence.sel $0xFFFF  }
0xc0: {  	[dreg:$0x0] =	wrdreg $0xFFFFFFFF;
	(pc) =	sbr.abs _section_cstart, $3  }
0xc1: {  	[dreg:$0x1] =	wrdreg $0xFFFFFFFF  }
0xc2: {  	_ =	task.clear_ibuf [dreg:s6], $0x2FFFF;
	_ =	strace $0x9FFFFFFF  }
0xc3: {  	(tm) =	ssettm $0x7FFFFFFF  }
tec
execute0_lowered:
.L_overlay_start_1:
0x0: {  	(tag) =	ssettag $0x1  }
0x1: {  	s5 =	rddreg [dreg:$0x0]  }
0x2: {  	s2 =	rddreg [dreg:$0x1]  }
0x3: {  	s3 =	rddreg [dreg:$0x2]  }
0x4: {  	s0 =	rddreg [dreg:$0x3]  }
0x5: {  	s1 =	stileid.u32;
	s4 =	simm.s32 $0x0;
	s7 =	srdreg.scid  }
0x6: {  	s15 =	simm.s32 $0x2800;
	s16 =	simm.s32 $0x7800;
	s17 =	simm.s32 $0x80  }
0x7: {  	s18 =	simm.s32 $0x1;
	s19 =	simm.s32 $0x0;
	s6 =	smul.u32 $0x280, s1  }
0x8: {  	[smem:$0x7FF] =	sst s4;
	s7 =	sand.u32 $0x1, s7;
	s11 =	sadd.s32 $0x3600, s5  }
0x9: {  	s31 =	sshll.u32 s1, $0x6;
	_ =	strace $0x8000004D;
	s9 =	sshll.u32 s7, $0x4  }
0xa: {  	s26 =	ssub.s32 $0x2, s7;
	p0 =	seq.s32 s7, $0x1;
	s8 =	sshrl.u32 s6, $0x3  }
0xb: {  	s9 =	sor.u32 s1, s9;
	s28 =	sshrl.u32 s26, $0x1;
	s14 =	sadd.s32 s6, s3  }
0xc: {  	s10 =	sadd.s32 s8, s5;
	s12 =	smul.u32 $0x2800, s9;
	s13 =	ssub.s32 s26, s28  }
0xd: {  	s5 =	sadd.s32 s6, s2;
	s29 =	smul.u32 $0x500, s9;
	s14 =	sshrl.u32 s14, $0x3  }
0xe: {  	s6 =	sadd.s32 $0x17C00, s10;
	s30 =	sshrl.u32 s12, $0x3;
	s12 =	simm.s32 $0x18800  }
0xf: {  	s7 =	sadd.s32 s11, s29;
	s9 =	sadd.s32 s11, s30;
	s12 =	simm.s32 @!p0 $0x18200  }
0x10: {  	s11 =	simm.s32 $0xA000;
	s8 =	sadd.s32 $0xA000, s9;
	s9 =	smax.u32 s13, $0x1  }
0x11: {  	v0 =	vimm.f32 $0.0e+00;
	s10 =	sadd.s32 s12, s10;
	s12 =	simm.s32 $0x2;
	s13 =	sor.u32 $0x1C02, s31  }
.LBB2_1:
0x12: {  	[tilespmem:$0xA000] =	vst v0  }
0x13: {  	[tilespmem:$0xA010] =	vst v0  }
0x14: {  	[tilespmem:$0xA020] =	vst v0  }
0x15: {  	[tilespmem:$0xA030] =	vst v0  }
0x16: {  	[tilespmem:$0xA040] =	vst v0  }
0x17: {  	[tilespmem:$0xA050] =	vst v0  }
0x18: {  	[tilespmem:$0xA060] =	vst v0  }
0x19: {  	[tilespmem:$0xA070] =	vst v0  }
0x1a: {  	[tilespmem:$0xA080] =	vst v0  }
0x1b: {  	[tilespmem:$0xA090] =	vst v0  }
0x1c: {  	[tilespmem:$0xA0A0] =	vst v0  }
0x1d: {  	[tilespmem:$0xA0B0] =	vst v0  }
0x1e: {  	[tilespmem:$0xA0C0] =	vst v0  }
0x1f: {  	[tilespmem:$0xA0D0] =	vst v0  }
0x20: {  	[tilespmem:$0xA0E0] =	vst v0  }
0x21: {  	[tilespmem:$0xA0F0] =	vst v0  }
0x22: {  	[tilespmem:$0xA100] =	vst v0  }
0x23: {  	[tilespmem:$0xA110] =	vst v0  }
0x24: {  	[tilespmem:$0xA120] =	vst v0  }
0x25: {  	[tilespmem:$0xA130] =	vst v0  }
0x26: {  	[tilespmem:$0xA140] =	vst v0  }
0x27: {  	[tilespmem:$0xA150] =	vst v0  }
0x28: {  	[tilespmem:$0xA160] =	vst v0  }
0x29: {  	[tilespmem:$0xA170] =	vst v0  }
0x2a: {  	[tilespmem:$0xA180] =	vst v0  }
0x2b: {  	[tilespmem:$0xA190] =	vst v0  }
0x2c: {  	[tilespmem:$0xA1A0] =	vst v0  }
0x2d: {  	[tilespmem:$0xA1B0] =	vst v0  }
0x2e: {  	[tilespmem:$0xA1C0] =	vst v0  }
0x2f: {  	[tilespmem:$0xA1D0] =	vst v0  }
0x30: {  	[tilespmem:$0xA1E0] =	vst v0  }
0x31: {  	[tilespmem:$0xA1F0] =	vst v0  }
0x32: {  	[tilespmem:$0xA200] =	vst v0  }
0x33: {  	[tilespmem:$0xA210] =	vst v0  }
0x34: {  	[tilespmem:$0xA220] =	vst v0  }
0x35: {  	[tilespmem:$0xA230] =	vst v0  }
0x36: {  	[tilespmem:$0xA240] =	vst v0  }
0x37: {  	[tilespmem:$0xA250] =	vst v0  }
0x38: {  	[tilespmem:$0xA260] =	vst v0  }
0x39: {  	[tilespmem:$0xA270] =	vst v0  }
0x3a: {  	[spmem:s5] =	stream.linear.scatter [tilespmem:s11], [sflag:$0x2], $0x280, $0x38;
	[tilespmem:$0xA780] =	vst v63  }
0x3b: {  	_ =	swait.ge [sflag:s12], $0x280  }
0x3c: {  	[sflag:s12] =	ssyncset.done $0x0  }
0x3d: {  	[sflag:s12] =	ssyncadd.s32 $0xFFFFFD80  }
0x3e: {  	[spmem:s14], [sflag:s13] =	dma.local [hbm:s6], $0x50  }
0x3f: {  	_ =	swait.ge [sflag:s12], $0x50  }
0x40: {  	[sflag:s12] =	ssyncset.done $0x0  }
0x41: {  	[sflag:s12] =	ssyncadd.s32 $0xFFFFFFB0  }
0x42: {  	[tilespmem:s4], [sflag:$0x2] =	stream.linear.gather [hbm4b:s7+s4], $0x2800, $0x38;
	[tilespmem:$0xA780] =	vst v63  }
0x43: {  	_ =	swait.ge [sflag:s12], $0x2800  }
0x44: {  	[sflag:s12] =	ssyncset.done $0x0  }
0x45: {  	[sflag:s12] =	ssyncadd.s32 $0xFFFFD800  }
0x46: {  	[tilespmem:s15], [sflag:$0x2] =	stream.linear.gather [hbm4b:s8+s4], $0x2800, $0x38;
	[tilespmem:$0xA780] =	vst v63  }
0x47: {  	_ =	swait.ge [sflag:s12], $0x2800  }
0x48: {  	[sflag:s12] =	ssyncset.done $0x0  }
0x49: {  	[sflag:s12] =	ssyncadd.s32 $0xFFFFD800  }
0x4a: {  	[bflag:$0x0] =	sbarrier.arrive $0xFFFF  }
0x4b: {  	[tilespmem:s16], [sflag:$0x2] =	stream.linear.gather [spmem:s3], $0x2800, $0x38;
	[tilespmem:$0xA780] =	vst v63  }
0x4c: {  	_ =	swait.ge [sflag:s12], $0x2800  }
0x4d: {  	[sflag:s12] =	ssyncset.done $0x0  }
0x4e: {  	s20 =	simm.s32 $0x0;
	[sflag:s12] =	ssyncadd.s32 $0xFFFFD800  }
0x4f: {  	v1 =	vld [tilespmem:s20+$0x0];
	_ =	sdelay $0x7  }
0x50: {  	s21 =	simm.s32 $0x10;
	s22 =	simm.s32 $0x80;
	v1 =	vld.idx.msk [tilespmem:v1+s16+$0x0], $0xffff  }
.LBB2_2:
0x51: {  	p0 =	sne.s32 s22, $0x9FC0;
	v2 =	vld [tilespmem:s21+$0x0];
	_ =	sdelay $0x3  }
.Ltmp0:
0x52: {  	(pc) =	sbr.rel @p0 .LBB2_2-.Ltmp0, $2  }
0x53: {  	[tilespmem:s20+$0x5000] =	vst v1;
	s20 =	smov.u32 s21;
	_ =	sdelay $0x2  }
0x54: {  	s21 =	sshra.s32 s22, $0x2;
	s22 =	sadd.s32 $0x40, s22;
	v1 =	vld.idx.msk [tilespmem:v2+s16+$0x0], $0xffff  }
0x55: {  	v2 =	vld [tilespmem:s21+$0x0];
	_ =	sdelay $0x6  }
0x56: {  	[tilespmem:s20+$0x5000] =	vst v1  }
0x57: {  	v1 =	vld.idx.msk [tilespmem:v2+s16+$0x0], $0xffff;
	_ =	sdelay $0x4  }
0x58: {  	s20 =	simm.s32 $0x0;
	[tilespmem:s21+$0x5000] =	vst v1  }
.LBB2_4:
0x59: {  	p0 =	sne.s32 s20, $0x9E00  }
.Ltmp1:
0x5a: {  	_ = 	snop;
	(pc) =	sbr.rel @p0 .LBB2_4-.Ltmp1, $4  }
0x5b: {  	_ = 	snop  }
0x5c: {  	s21 =	sshra.s32 s20, $0x2  }
0x5d: {  	s20 =	sadd.s32 $0x200, s20;
	s22 =	sadd.s32 $0x5000, s21;
	s21 =	sadd.s32 $0x2800, s21  }
0x5e: {  	[spmem:s2] =	stream.indirect.scatter.add.f32 [tilespmem:s22], [sflag:$0x1], $0x1, s21, s17, $0xb8;
	[tilespmem:$0xA780] =	vst v63  }
0x5f: {  	_ =	swait.ge [sflag:s18], $0x80  }
0x60: {  	s20 =	simm.s32 $0x4F;
	[sflag:s18] =	ssyncset.done $0x0  }
.LBB2_6:
0x61: {  	p0 =	sne.s32 s20, $0x1;
	s20 =	sadd.s32 $0xFFFFFFFF, s20;
	[sflag:s18] =	ssyncadd.s32 $0xFFFFFF80  }
.Ltmp2:
0x62: {  	(pc) =	sbr.rel @p0 .LBB2_6-.Ltmp2, $3  }
0x63: {  	_ =	sdelay $0x1  }
0x64: {  	_ =	swait.ge [sflag:s18], $0x80  }
0x65: {  	[sflag:s18] =	ssyncset.done $0x0  }
0x66: {  	[sflag:s18] =	ssyncadd.s32 $0xFFFFFF80  }
0x67: {  	[bflag:$0x0] =	sbarrier.arrive $0xFFFF  }
0x68: {  	[tilespmem:s11], [sflag:$0x2] =	stream.linear.gather [spmem:s5], $0x280, $0x38;
	[tilespmem:$0xA780] =	vst v63  }
0x69: {  	s19 =	sadd.s32 $0x1, s19;
	_ =	swait.ge [sflag:s12], $0x280  }
0x6a: {  	p0 =	sne.s32 s19, s9;
	[sflag:s12] =	ssyncset.done $0x0  }
.Ltmp3:
0x6b: {  	[sflag:s12] =	ssyncadd.s32 $0xFFFFFD80;
	(pc) =	sbr.rel @p0 .LBB2_1-.Ltmp3, $4  }
0x6c: {  	[hbm4b:s10+s4] =	stream.linear.scatter [tilespmem:s11], [sflag:$0x2], $0x280, $0x38;
	[tilespmem:$0xA780] =	vst v63  }
0x6d: {  	_ =	swait.ge [sflag:s12], $0x280  }
0x6e: {  	[sflag:s12] =	ssyncset.done $0x0  }
0x6f: {  	[sflag:s12] =	ssyncadd.s32 $0xFFFFFD80  }
0x70: {  	_ =	sfence.sel $0x180000  }
0x71: {  	[bflag:$0x0] =	sbarrier.arrive $0xFFFF  }
0x72: {  	p0 =	sne.s32 s1, $0x0;
	_ =	strace $0x9000004D  }
0x73: {  	s0 =	sadd.s32 @!p0 $0x100000, s0;
	[bflag:$0x2] =	sbarrier.arrive $0xFFFF  }
0x74: {  	[sflag:s0] =	ssyncadd.tile.s32 @!p0 $0x1;
	_ =	shalt  }
.Lfunc_end2:
_tile_overlayer_lowered:
.L_overlay_start_2:
0x75: {  	(tag) =	ssettag $0x2  }
0x76: {  	s0 =	rddreg [dreg:$0x0];
	s2 =	stileid.u32  }
0x77: {  	s1 =	rddreg [dreg:$0x1];
	p0 =	sne.s32 s2, $0x0  }
0x78: {  	s3 =	rddreg [dreg:$0x2];
	[bflag:$0x3] =	sbarrier.arrive $0xFFFF;
	s2 =	simm.s32 @!p0 $0x1C02  }
0x79: {  	[timem:s3], [sflag:s2] =	dma.local @!p0 [hbm:s0], s1  }
0x7a: {  	s0 =	simm.s32 @!p0 $0x2  }
0x7b: {  	_ =	swait.ge @!p0 [sflag:s0], s1  }
0x7c: {  	s1 =	ssub.s32 @!p0 $0x0, s1;
	[sflag:s0] =	ssyncset.done @!p0 $0x0  }
0x7d: {  	[sflag:s0] =	ssyncadd.s32 @!p0 s1  }
0x7e: {  	[bflag:$0x3] =	sbarrier.arrive $0xFFFF  }
0x7f: {  	_ =	shalt  }

// kernel: kernel.18.cloned.1.call-start
scs
__scs_entry_jumppad:
0x0: {  	(pc) =	sbr.rel $0x88, $3  }
0x1: {  	(tag) =	ssettag $0x0;
	lr =	simm.s32 $0x1  }
0x2: {  	[smem:$0x3F9B] =	sst lr;
	_ =	strace $0xD0000000  }
0x3: {  	_ = 	snop  }
0x4: {  	_ = 	snop  }
0x5: {  	_ = 	snop  }
0x6: {  	_ = 	snop  }
0x7: {  	_ = 	snop  }
__scs_overlays_trampoline_lowered:
0x8: {  	[smem:$0x3FAA] =	sst s0  }
0x9: {  	[smem:$0x3FAB] =	sst s1  }
0xa: {  	[smem:$0x3FAC] =	sst s2  }
0xb: {  	[smem:$0x3FAD] =	sst s3  }
0xc: {  	[smem:$0x3FAE] =	sst s4  }
0xd: {  	[smem:$0x3FAF] =	sst s5  }
0xe: {  	[smem:$0x3FB0] =	sst s6  }
0xf: {  	[smem:$0x3FB1] =	sst s7  }
0x10: {  	[smem:$0x3FB2] =	sst s8  }
0x11: {  	[smem:$0x3FB3] =	sst s9;
	s0 =	simm.s32 @!p0 $0x0  }
0x12: {  	s1 =	sld [smem:$0x3F99];
	s0 =	simm.s32 @p0 $0x1  }
0x13: {  	[smem:$0x3FB4] =	sst s0;
	s0 =	simm.s32 @!p1 $0x0  }
0x14: {  	s2 =	sld [smem:$0x3F98];
	s0 =	simm.s32 @p1 $0x1  }
0x15: {  	[smem:$0x3FB5] =	sst s0;
	s0 =	simm.s32 @!p2 $0x0  }
0x16: {  	s3 =	sld [smem:$0x3FDB];
	s0 =	simm.s32 @p2 $0x1  }
0x17: {  	s4 =	simm.s32 $0x1BF5;
	[smem:$0x3FB7] =	sst s0  }
0x18: {  	s0 =	sld [smem:$0x3F9A];
	_ =	swait.ge [sflag:s4], $0x0  }
0x19: {  	s7 =	sld [smem:$0x3F9B]  }
0x1a: {  	s8 =	sadd.s32 $0xFFFFE003, lr  }
0x1b: {  	s9 =	sadd.s32 $0xFFFFFEF7, lr;
	s5 =	simm.s32 $0xFFFFFFFF;
	p2 =	slt.u32 s8, $0xFFFFF086  }
0x1c: {  	p1 =	slt.u32 s9, $0xF7A;
	s5 =	simm.s32 @!p2 $0x0  }
0x1d: {  	s5 =	simm.s32 @p1 $0x1;
	p0 =	seq.s32 s7, s2  }
0x1e: {  	s7 =	smul.u32 @!p0 $0xF7A, s2;
	p2 =	seq.s32 @!p0 s5, $0x0  }
0x1f: {  	s9 =	smul.u32 $0xF7A, s1;
	s8 =	simm.s32 @!p0 $0x1BF5;
	p2 =	por !p2, p0  }
0x20: {  	[sflag:s8] =	ssyncset.s32 @!p0 $0xFFFFF086;
	s6 =	sadd.s32 @!p0 s3, s7;
	s7 =	simm.s32 @!p0 $0x108  }
0x21: {  	s3 =	sadd.s32 s3, s9;
	s6 =	sadd.s32 @!p0 $0x88, s6;
	s7 =	simm.s32 @p2 $0x1082  }
0x22: {  	[simem:s7], [sflag:s8] =	dma.local @!p0 [hbm:s6], $0xF7A  }
0x23: {  	s9 =	sor.u32 $0xD0000000, s2;
	s6 =	simm.s32 $0x108;
	_ =	swait.ge @!p0 [sflag:s8], $0x0  }
0x24: {  	s3 =	sadd.s32 $0x88, s3;
	s6 =	simm.s32 @!p1 $0x1082;
	[sflag:s4] =	ssyncset.s32 $0xFFFFF086  }
0x25: {  	[simem:s6], [sflag:s4] =	dma.local [hbm:s3], $0xF7A  }
0x26: {  	[smem:$0x3F9B] =	sst s1;
	(tag) =	ssettag s2;
	_ =	strace s9  }
0x27: {  	s1 =	sld [smem:$0x3FAB]  }
0x28: {  	s2 =	sld [smem:$0x3FAC]  }
0x29: {  	s4 =	sld [smem:$0x3FAE]  }
0x2a: {  	p0 =	seq.s32 s5, $0x0;
	s5 =	sld [smem:$0x3FAF]  }
0x2b: {  	s6 =	sld [smem:$0x3FB0]  }
0x2c: {  	s7 =	sld [smem:$0x3FB1]  }
0x2d: {  	s3 =	simm.s32 $0x108;
	s8 =	sld [smem:$0x3FB2]  }
0x2e: {  	s3 =	simm.s32 @!p0 $0x1082;
	s9 =	sld [smem:$0x3FB3]  }
0x2f: {  	lr =	sadd.s32 s0, s3;
	s0 =	sld [smem:$0x3FAA]  }
0x30: {  	s3 =	sld [smem:$0x3FAD]  }
0x31: {  	[smem:$0x3FB6] =	sst s10  }
0x32: {  	s10 =	sld [smem:$0x3FB4];
	_ =	sdelay $0x3  }
0x33: {  	p0 =	seq.s32 s10, $0x1;
	s10 =	sld [smem:$0x3FB6];
	_ =	sdelay $0x3  }
0x34: {  	[smem:$0x3FB6] =	sst s10  }
0x35: {  	s10 =	sld [smem:$0x3FB5];
	_ =	sdelay $0x3  }
0x36: {  	p1 =	seq.s32 s10, $0x1;
	s10 =	sld [smem:$0x3FB6];
	_ =	sdelay $0x3  }
0x37: {  	[smem:$0x3FB6] =	sst s10  }
0x38: {  	s10 =	sld [smem:$0x3FB7]  }
0x39: {  	_ = 	snop;
	(pc) =	sbr.ind lr, $3  }
0x3a: {  	_ = 	snop  }
0x3b: {  	_ = 	snop  }
0x3c: {  	p2 =	seq.s32 s10, $0x1;
	s10 =	sld [smem:$0x3FB6]  }
0x3d: {  	_ =	shalt  }
0x3e: {  	_ =	shalt  }
0x3f: {  	_ =	shalt  }
0x40: {  	_ =	shalt  }
0x41: {  	_ =	shalt  }
0x42: {  	_ =	shalt  }
0x43: {  	_ =	shalt  }
0x44: {  	_ =	shalt  }
0x45: {  	_ =	shalt  }
0x46: {  	_ =	shalt  }
0x47: {  	_ =	shalt  }
0x48: {  	_ =	shalt  }
0x49: {  	_ =	shalt  }
0x4a: {  	_ =	shalt  }
0x4b: {  	_ =	shalt  }
0x4c: {  	_ =	shalt  }
0x4d: {  	_ =	shalt  }
0x4e: {  	_ =	shalt  }
0x4f: {  	_ =	shalt  }
0x50: {  	_ =	shalt  }
0x51: {  	_ =	shalt  }
0x52: {  	_ =	shalt  }
0x53: {  	_ =	shalt  }
0x54: {  	_ =	shalt  }
0x55: {  	_ =	shalt  }
0x56: {  	_ =	shalt  }
0x57: {  	_ =	shalt  }
0x58: {  	_ =	shalt  }
0x59: {  	_ =	shalt  }
0x5a: {  	_ =	shalt  }
0x5b: {  	_ =	shalt  }
0x5c: {  	_ =	shalt  }
0x5d: {  	_ =	shalt  }
0x5e: {  	_ =	shalt  }
0x5f: {  	_ =	shalt  }
0x60: {  	_ =	shalt  }
0x61: {  	_ =	shalt  }
0x62: {  	_ =	shalt  }
0x63: {  	_ =	shalt  }
0x64: {  	_ =	shalt  }
0x65: {  	_ =	shalt  }
0x66: {  	_ =	shalt  }
0x67: {  	_ =	shalt  }
0x68: {  	_ =	shalt  }
0x69: {  	_ =	shalt  }
0x6a: {  	_ =	shalt  }
0x6b: {  	_ =	shalt  }
0x6c: {  	_ =	shalt  }
0x6d: {  	_ =	shalt  }
0x6e: {  	_ =	shalt  }
0x6f: {  	_ =	shalt  }
0x70: {  	_ =	shalt  }
0x71: {  	_ =	shalt  }
0x72: {  	_ =	shalt  }
0x73: {  	_ =	shalt  }
0x74: {  	_ =	shalt  }
0x75: {  	_ =	shalt  }
0x76: {  	_ =	shalt  }
0x77: {  	_ =	shalt  }
0x78: {  	_ =	shalt  }
0x79: {  	_ =	shalt  }
0x7a: {  	_ =	shalt  }
0x7b: {  	_ =	shalt  }
0x7c: {  	_ =	shalt  }
0x7d: {  	_ =	shalt  }
0x7e: {  	_ =	shalt  }
0x7f: {  	_ =	shalt  }
0x80: {  	_ =	shalt  }
0x81: {  	_ =	shalt  }
0x82: {  	_ =	shalt  }
0x83: {  	_ =	shalt  }
0x84: {  	_ =	shalt  }
0x85: {  	_ =	shalt  }
0x86: {  	_ =	shalt  }
0x87: {  	_ =	shalt  }
.Lfunc_end0:
.L_simem_size_0:
called_computation.3_lowered:
.L_overlay_start_0:
0x88: {  	s2 =	sld [smem:$0x3FD9]  }
0x89: {  	s3 =	sld [smem:$0x3FFE];
	_ =	sdelay $0x1  }
0x8a: {  	s1 =	srdreg.scid  }
0x8b: {  	s0 =	sand.u32 $0x1, s1  }
0x8c: {  	s17 =	sshll.u32 s0, $0xA;
	s2 =	sadd.s32 s3, s2  }
0x8d: {  	s2 =	sadd.s32 s2, s17  }
0x8e: {  	[smem:$0x3FC2] =	sst s2  }
0x8f: {  	_ = 	snop  }
0x90: {  	s2 =	sld [smem:$0x3FD0];
	(tm) =	ssettm $0x1  }
0x91: {  	s18 =	sld [smem:$0x3FFB];
	_ =	sdelay $0x3  }
0x92: {  	_ =	strace s18  }
0x93: {  	s3 =	sld [smem:$0x3FFC];
	_ =	sdelay $0x3  }
0x94: {  	_ =	strace s3  }
0x95: {  	s3 =	sld [smem:$0x3FFD];
	_ =	sdelay $0x3  }
0x96: {  	_ =	strace s3  }
0x97: {  	_ =	strace $0x8FFFFFFF  }
0x98: {  	s19 =	sld [smem:$0x3FDB];
	_ =	sdelay $0x1  }
0x99: {  	s4 =	simm.s32 $_scs_section_size  }
0x9a: {  	s5 =	simm.s32 $_size__tile_overlayer_lowered;
	s6 =	simm.s32 $_tile_overlayer_lowered  }
0x9b: {  	s22 =	simm.s32 $0x1BFF;
	s21 =	sshll.u32 s6, $0x1;
	s3 =	sadd.s32 s4, s19  }
0x9c: {  	s7 =	simm.s32 $0x0;
	s20 =	sshll.u32 s5, $0x1;
	s5 =	sadd.s32 s21, s3  }
0x9d: {  	[timem:s7], [sflag:s22] =	dma.local [hbm:s5], s20  }
0x9e: {  	_ =	swait.ge [sflag:s22], s20  }
0x9f: {  	s4 =	ssub.s32 $0x0, s20;
	[sflag:s22] =	ssyncset.done $0x0  }
0xa0: {  	[sflag:s22] =	ssyncadd.s32 s4;
	_ =	sdelay $0x1  }
0xa1: {  	s23 =	simm.s32 $0x1B8B  }
0xa2: {  	_ =	swait.ge [sflag:s23], $0x1  }
0xa3: {  	[sflag:s23] =	ssyncset.done $0x0  }
0xa4: {  	s25 =	simm.s32 $0x1B8E;
	s24 =	sld [smem:$0x3FFE];
	[sflag:s23] =	ssyncadd.s32 $0xFFFFFFFF  }
0xa5: {  	s26 =	simm.s32 $execute0_lowered;
	[smem:$0x3FD2] =	sst s25  }
0xa6: {  	s5 =	sshll.u32 s26, $0x1;
	_ =	strace $0x8000004F;
	[dreg:$0x1] =	wrdreg $0xFFFFFFFF  }
0xa7: {  	s28 =	simm.s32 $_size_execute0_lowered;
	s3 =	sadd.s32 s3, s5;
	[dreg:$0x0] =	wrdreg $0x0  }
0xa8: {  	s5 =	sshll.u32 s28, $0x1;
	[dreg:$0x2] =	wrdreg s3  }
0xa9: {  	[dreg:$0x3] =	wrdreg s5  }
0xaa: {  	[dreg:$0x4] =	wrdreg $0xC0  }
0xab: {  	_ =	task [dreg:s7], $0x5FFFF  }
0xac: {  	[dreg:$0x1] =	wrdreg $0xFFFFFFFF  }
0xad: {  	[dreg:$0x0] =	wrdreg $0x60  }
0xae: {  	[dreg:$0x2] =	wrdreg s24  }
0xaf: {  	[dreg:$0x3] =	wrdreg s2  }
0xb0: {  	[dreg:$0x4] =	wrdreg $0xC100  }
0xb1: {  	[dreg:$0x5] =	wrdreg $0x9  }
0xb2: {  	_ =	task.clear_ibuf [dreg:s7], $0x6FFFF;
	_ =	strace $0x9000004F  }
0xb3: {  	s29 =	simm.s32 $0x9;
	_ =	strace $0x80000051  }
0xb4: {  	_ =	swait.ge [sflag:s29], $0x1  }
0xb5: {  	[sflag:s29] =	ssyncadd.s32 $0xFFFFFFFF  }
0xb6: {  	_ =	strace $0x90000051  }
0xb7: {  	_ =	sfence  }
0xb8: {  	s30 =	sld [smem:$0x0];
	_ =	sdelay $0x2  }
0xb9: {  	s31 =	sshll.u32 s1, $0xD;
	s1 =	sshrl.u32 s1, $0x2  }
0xba: {  	s3 =	sand.u32 $0x4000, s31;
	s1 =	sadd.s32 s1, s30  }
0xbb: {  	s0 =	sor.u32 s3, s0;
	s1 =	sshll.u32 s1, $0x11  }
0xbc: {  	s0 =	sor.u32 s1, s0  }
0xbd: {  	s0 =	sadd.s32 $0x8F2B, s0  }
0xbe: {  	[sflag:s0] =	ssyncadd.remote.s32 $0x1  }
0xbf: {  	_ =	sfence.sel $0xFFFF  }
0xc0: {  	[dreg:$0x0] =	wrdreg $0xFFFFFFFF;
	(pc) =	sbr.abs _section_cstart, $3  }
0xc1: {  	[dreg:$0x1] =	wrdreg $0xFFFFFFFF  }
0xc2: {  	_ =	task.clear_ibuf [dreg:s7], $0x2FFFF;
	_ =	strace $0x9FFFFFFF  }
0xc3: {  	(tm) =	ssettm $0x7FFFFFFF  }
tec
execute0_lowered:
.L_overlay_start_1:
0x0: {  	(tag) =	ssettag $0x1  }
0x1: {  	s0 =	rddreg [dreg:$0x0]  }
0x2: {  	s1 =	rddreg [dreg:$0x1]  }
0x3: {  	s13 =	stileid.u32;
	s2 =	rddreg [dreg:$0x2]  }
0x4: {  	s3 =	simm.s32 $0x0;
	s4 =	srdreg.scid;
	s14 =	simm.s32 $0x2  }
0x5: {  	s18 =	simm.s32 $0xA00;
	s19 =	simm.s32 $0x80;
	s20 =	simm.s32 $0xA10  }
0x6: {  	s21 =	simm.s32 $0xB10;
	s22 =	simm.s32 $0xA90;
	s23 =	simm.s32 $0xB90  }
0x7: {  	s24 =	simm.s32 $0x1;
	s25 =	simm.s32 $0x0;
	s9 =	smul.u32 $0x280, s13  }
0x8: {  	[smem:$0x7FF] =	sst s3;
	s12 =	sand.u32 $0x1, s4;
	s4 =	sadd.s32 $0x3600, s0  }
0x9: {  	s11 =	sadd.s32 $0x3E0, s1;
	_ =	strace $0x80000050;
	s29 =	ssub.s32 $0x2, s12  }
0xa: {  	s6 =	sshll.u32 s12, $0x4;
	s31 =	sshll.u32 s12, $0xC;
	s5 =	sshrl.u32 s9, $0x3  }
0xb: {  	s30 =	sshrl.u32 s29, $0x1;
	s15 =	sor.u32 s13, s6;
	s9 =	sadd.s32 s9, s2  }
0xc: {  	s13 =	sshll.u32 s13, $0x8;
	s8 =	sadd.s32 s5, s0;
	s0 =	ssub.s32 s29, s30  }
0xd: {  	s10 =	sshll.u32 s15, $0x5;
	s13 =	sor.u32 s13, s31;
	p0 =	seq.s32 s15, $0x1F  }
0xe: {  	v0 =	vlaneseq.u32;
	s5 =	sadd.s32 $0x18200, s8;
	s6 =	sadd.s32 $0x18800, s8;
	s7 =	sadd.s32 $0x17C00, s8  }
0xf: {  	v1 =	vimm.s32 $0x0;
	v2 =	vadd.s32 $0x3, v0;
	s8 =	sadd.s32 $0x17600, s8;
	s10 =	sadd.s32 s1, s10;
	s12 =	smax.u32 s0, $0x1  }
.LBB2_1:
0x10: {  	[tilespmem:s3], [sflag:$0x2] =	stream.linear.gather [hbm4b:s5+s3], $0x280, $0x38;
	[tilespmem:$0xE90] =	vst v63  }
0x11: {  	_ =	swait.ge [sflag:s14], $0x280  }
0x12: {  	[sflag:s14] =	ssyncset.done $0x0  }
0x13: {  	s0 =	simm.s32 $0x280;
	[sflag:s14] =	ssyncadd.s32 $0xFFFFFD80  }
0x14: {  	[tilespmem:s0], [sflag:$0x2] =	stream.linear.gather [hbm4b:s6+s3], $0x280, $0x38;
	[tilespmem:$0xE90] =	vst v63  }
0x15: {  	_ =	swait.ge [sflag:s14], $0x280  }
0x16: {  	[sflag:s14] =	ssyncset.done $0x0  }
0x17: {  	s30 =	simm.s32 $0x500;
	[sflag:s14] =	ssyncadd.s32 $0xFFFFFD80  }
0x18: {  	[tilespmem:s30], [sflag:$0x2] =	stream.linear.gather [hbm4b:s7+s3], $0x280, $0x38;
	[tilespmem:$0xE90] =	vst v63  }
0x19: {  	_ =	swait.ge [sflag:s14], $0x280  }
0x1a: {  	[sflag:s14] =	ssyncset.done $0x0  }
0x1b: {  	s31 =	simm.s32 $0x780;
	[sflag:s14] =	ssyncadd.s32 $0xFFFFFD80  }
0x1c: {  	[tilespmem:s31], [sflag:$0x2] =	stream.linear.gather [hbm4b:s8+s3], $0x280, $0x38;
	[tilespmem:$0xE90] =	vst v63  }
0x1d: {  	_ =	swait.ge [sflag:s14], $0x280  }
0x1e: {  	[sflag:s14] =	ssyncset.done $0x0  }
0x1f: {  	[sflag:s14] =	ssyncadd.s32 $0xFFFFFD80  }
0x20: {  	[tilespmem:s18], [sflag:$0x2] =	stream.linear.gather [hbm4b:s4+s3], $0x10, $0x38;
	[tilespmem:$0xE90] =	vst v63  }
0x21: {  	_ =	swait.ge [sflag:s14], $0x10  }
0x22: {  	[sflag:s14] =	ssyncset.done $0x0  }
0x23: {  	s1 =	simm.s32 $0x0;
	[sflag:s14] =	ssyncadd.s32 $0xFFFFFFF0  }
0x24: {  	s0 =	simm.s32 $0x40;
	v3 =	vld [tilespmem:s1+$0x280]  }
.LBB2_2:
0x25: {  	p1 =	sne.s32 s0, $0x9C0;
	v4 =	vld [tilespmem:s1+$0x0];
	_ =	sdelay $0x1  }
0x26: {  	v5 =	vld [tilespmem:s1+$0x500];
	_ =	sdelay $0x1  }
0x27: {  	v6 =	vld [tilespmem:s1+$0x780]  }
0x28: {  	v3 =	vadd.f32 v3, v4  }
0x29: {  	v4 =	vld [tilespmem:$0xA00]  }
0x2a: {  	v3 =	vadd.f32 v5, v3;
	_ =	sdelay $0x1  }
0x2b: {  	v3 =	vmul.f32 v6, v3  }
.Ltmp0:
0x2c: {  	(pc) =	sbr.rel @p1 .LBB2_2-.Ltmp0, $3  }
0x2d: {  	v3 =	vadd.f32 v4, v3;
	_ =	sdelay $0x1  }
0x2e: {  	s15 =	sshra.s32 s0, $0x2;
	v4 =	vmax.f32 v3, $0.0e+00  }
0x2f: {  	s0 =	sadd.s32 $0x40, s0;
	v3 =	vld [tilespmem:s15+$0x280];
	[tilespmem:s1+$0x0] =	vst v4;
	s1 =	smov.u32 s15  }
0x30: {  	v4 =	vld [tilespmem:s1+$0x0];
	_ =	sdelay $0x1  }
0x31: {  	v5 =	vld [tilespmem:s1+$0x500];
	_ =	sdelay $0x1  }
0x32: {  	v6 =	vld [tilespmem:s1+$0x780]  }
0x33: {  	s0 =	sadd.s32 $0x0, s13;
	v3 =	vadd.f32 v3, v4  }
0x34: {  	v7 =	vmov s0;
	v4 =	vld [tilespmem:$0xA00]  }
0x35: {  	v7 =	vbroadcast v7, $0x0;
	v3 =	vadd.f32 v5, v3;
	_ =	sdelay $0x1  }
0x36: {  	v5 =	vor.u32 v0, v7;
	v3 =	vmul.f32 v6, v3  }
0x37: {  	v6 =	vmulhi.u32 $0xAAAAAAAB, v5  }
0x38: {  	s17 =	sadd.s32 $0x10, s13;
	v3 =	vadd.f32 v4, v3  }
0x39: {  	v4 =	vmov s17;
	v6 =	vshrl.u32 v6, $0x3  }
0x3a: {  	v8 =	vmax.f32 v3, $0.0e+00;
	v3 =	vbroadcast v4, $0x0;
	v4 =	vmul.u32 $0xFFFFFFF4, v6  }
0x3b: {  	v5 =	vsub.s32 $0x0, v5  }
0x3c: {  	vm0 =	veq.s32 v7, v0;
	[tilespmem:s1+$0x0] =	vst v8;
	v8 =	vor.u32 v0, v3;
	vm1 =	vne.s32 v4, v5  }
0x3d: {  	s31 =	simm.s32 $0x0;
	s26 =	sadd.s32 $0x20, s13;
	v4 =	vmulhi.u32 $0xAAAAAAAB, v8;
	vm0 =	vmand vm0, vm1  }
0x3e: {  	[spmem:s9] =	stream.linear.scatter [tilespmem:s31], [sflag:$0x2], $0x280, $0x38;
	v5 =	vsel vm0, $0xFFFFFFFF, v1;
	[tilespmem:$0xE90] =	vst v63  }
0x3f: {  	s28 =	simm.s32 $0x40;
	v9 =	vmov s26;
	_ =	swait.ge [sflag:s14], $0x280;
	v4 =	vshrl.u32 v4, $0x3;
	v6 =	vadd.s32 v5, v6  }
0x40: {  	s30 =	simm.s32 $0x10;
	s29 =	simm.s32 $0x20;
	[sflag:s14] =	ssyncset.done $0x0;
	v5 =	vbroadcast v9, $0x0;
	v63 =	vmul.u32 $0xFFFFFFF4, v4;
	v10 =	vmul.u32 $0x3, v6  }
0x41: {  	s15 =	simm.s32 $0x30;
	s26 =	simm.s32 $0x80;
	v8 =	vsub.s32 $0x0, v8;
	vm0 =	veq.s32 v3, v0;
	[sflag:s14] =	ssyncadd.s32 $0xFFFFFD80  }
0x42: {  	s0 =	simm.s32 $0xC0;
	s1 =	simm.s32 $0x0;
	[bflag:$0x0] =	sbarrier.arrive $0xFFFF;
	v6 =	vor.u32 v0, v5;
	vm1 =	vne.s32 v63, v8;
	v7 =	vadd.s32 v10, v7  }
.LBB2_4:
0x43: {  	s16 =	sadd.s32 s15, s13  }
0x44: {  	s31 =	sand.u32 $0x70, s31;
	s17 =	sand.u32 $0x200, s1;
	s1 =	smov.u32 s28  }
0x45: {  	v8 =	vmulhi.u32 $0xAAAAAAAB, v6;
	vm0 =	vmand vm0, vm1;
	v7 =	vadd.s32 v2, v7;
	v9 =	vmovc v5;
	s28 =	smov.u32 s26;
	s26 =	smov.u32 s0;
	p1 =	sne.s32 s0, $0x3C0  }
.Ltmp1:
0x46: {  	s0 =	sadd.s32 $0x40, s0;
	v5 =	vmov s16;
	v10 =	vsel vm0, $0xFFFFFFFF, v1;
	vm0 =	vlt.s32 v7, $0x27FF;
	s16 =	sshrl.u32 s17, $0x2;
	(pc) =	sbr.rel @p1 .LBB2_4-.Ltmp1, $4  }
0x47: {  	v10 =	vadd.s32 v10, v4;
	v4 =	vshrl.u32 v8, $0x3;
	v7 =	vnsel vm0, $0x27FF, v7;
	s16 =	sor.u32 s31, s16;
	s31 =	smov.u32 s30;
	s30 =	smov.u32 s29  }
0x48: {  	v5 =	vbroadcast v5, $0x0;
	s29 =	smov.u32 s15;
	v8 =	vmul.u32 $0xFFFFFFF4, v4;
	v10 =	vmul.u32 $0x3, v10;
	[tilespmem:s16+$0xA10] =	vst v7  }
0x49: {  	vm0 =	veq.s32 v9, v0;
	v7 =	vsub.s32 $0x0, v6  }
0x4a: {  	s15 =	sadd.s32 $0x10, s15;
	v6 =	vor.u32 v0, v5;
	vm1 =	vne.s32 v8, v7;
	v7 =	vadd.s32 v10, v3;
	v3 =	vmovc v9  }
0x4b: {  	v8 =	vmulhi.u32 $0xAAAAAAAB, v6;
	_ =	sdelay $0x1  }
0x4c: {  	v8 =	vshrl.u32 v8, $0x3  }
0x4d: {  	v9 =	vmul.u32 $0xFFFFFFF4, v8  }
0x4e: {  	v59 =	vsub.s32 $0x0, v6  }
0x4f: {  	vm0 =	vmand vm0, vm1;
	vm2 =	veq.s32 v5, v0;
	vm11 =	vne.s32 v9, v59  }
0x50: {  	v60 =	vsel vm0, $0xFFFFFFFF, v1;
	vm12 =	vmand vm2, vm11  }
0x51: {  	v4 =	vadd.s32 v60, v4;
	v61 =	vsel vm12, $0xFFFFFFFF, v1  }
0x52: {  	v4 =	vmul.u32 $0x3, v4;
	v6 =	vadd.s32 v61, v8  }
0x53: {  	v6 =	vmul.u32 $0x3, v6  }
0x54: {  	s0 =	sand.u32 $0x200, s1;
	v7 =	vadd.s32 v2, v7;
	s16 =	sand.u32 $0x70, s31;
	v3 =	vadd.s32 v4, v3  }
0x55: {  	s17 =	sand.u32 $0x200, s28;
	s15 =	sand.u32 $0x70, s30;
	s0 =	sshrl.u32 s0, $0x2;
	vm13 =	vlt.s32 v7, $0x27FF;
	v3 =	vadd.s32 v2, v3;
	v62 =	vadd.s32 v6, v5  }
0x56: {  	s1 =	sshrl.u32 s17, $0x2;
	s0 =	sor.u32 s16, s0;
	v63 =	vnsel vm13, $0x27FF, v7;
	s16 =	sand.u32 $0x200, s26;
	vm14 =	vlt.s32 v3, $0x27FF;
	v4 =	vadd.s32 v2, v62  }
0x57: {  	s29 =	sand.u32 $0x70, s29;
	s28 =	sor.u32 s15, s1;
	[tilespmem:s0+$0xA10] =	vst v63;
	s30 =	sshrl.u32 s16, $0x2;
	v3 =	vnsel vm14, $0x27FF, v3;
	vm15 =	vlt.s32 v4, $0x27FF  }
0x58: {  	s31 =	sor.u32 s29, s30;
	[tilespmem:s28+$0xA10] =	vst v3;
	v3 =	vnsel vm15, $0x27FF, v4  }
0x59: {  	[tilespmem:s31+$0xA10] =	vst v3  }
0x5a: {  	[tilespmem:s21], [sflag:$0x1] =	stream.indirect.gather [spmem:s2], $0x1, s20, s19, $0xb8;
	[tilespmem:$0xE90] =	vst v63  }
0x5b: {  	_ = 	snop  }
0x5c: {  	[tilespmem:s23], [sflag:$0x1] =	stream.indirect.gather [spmem:s2], $0x1, s22, s19, $0xb8;
	[tilespmem:$0xE90] =	vst v63  }
0x5d: {  	_ =	swait.ge [sflag:s24], $0x80  }
0x5e: {  	[sflag:s24] =	ssyncset.done $0x0  }
0x5f: {  	[sflag:s24] =	ssyncadd.s32 $0xFFFFFF80  }
0x60: {  	_ =	swait.ge [sflag:s24], $0x80  }
0x61: {  	[sflag:s24] =	ssyncset.done $0x0  }
0x62: {  	s1 =	simm.s32 @p0 $0xB10;
	s0 =	simm.s32 @p0 $0x0;
	[sflag:s24] =	ssyncadd.s32 $0xFFFFFF80  }
0x63: {  	[hbm4b:s11+s0] =	stream.linear.scatter @p0 [tilespmem:s1], [sflag:$0x2], $0x38, $0x38;
	[tilespmem:$0xE90] =	vst v63  }
0x64: {  	s0 =	simm.s32 @p0 $0x2  }
0x65: {  	s25 =	sadd.s32 $0x1, s25;
	_ =	swait.ge @p0 [sflag:s0], $0x38  }
0x66: {  	p1 =	sne.s32 s25, s12;
	[sflag:s0] =	ssyncset.done @p0 $0x0  }
0x67: {  	s1 =	simm.s32 @!p0 $0xB10;
	[sflag:s0] =	ssyncadd.s32 @p0 $0xFFFFFFC8;
	s0 =	simm.s32 @!p0 $0x0  }
0x68: {  	[hbm4b:s10+s0] =	stream.linear.scatter @!p0 [tilespmem:s1], [sflag:$0x2], $0x100, $0x38;
	[tilespmem:$0xE90] =	vst v63  }
.Ltmp2:
0x69: {  	_ = 	snop;
	(pc) =	sbr.rel @p1 .LBB2_1-.Ltmp2, $4  }
0x6a: {  	s0 =	simm.s32 @!p0 $0x2  }
0x6b: {  	_ =	swait.ge @!p0 [sflag:s0], $0x100  }
0x6c: {  	[sflag:s0] =	ssyncset.done @!p0 $0x0  }
0x6d: {  	[sflag:s0] =	ssyncadd.s32 @!p0 $0xFFFFFF00  }
0x6e: {  	_ =	sfence.sel $0x180000  }
0x6f: {  	[bflag:$0x0] =	sbarrier.arrive $0xFFFF  }
0x70: {  	_ =	strace $0x90000050  }
0x71: {  	s0 =	stileid.u32;
	[bflag:$0x2] =	sbarrier.arrive $0xFFFF  }
0x72: {  	p0 =	sne.s32 s0, $0x0;
	s0 =	rddreg [dreg:$0x3]  }
0x73: {  	s0 =	sadd.s32 @!p0 $0x100000, s0  }
0x74: {  	[sflag:s0] =	ssyncadd.tile.s32 @!p0 $0x1;
	_ =	shalt  }
.Lfunc_end2:
_tile_overlayer_lowered:
.L_overlay_start_2:
0x75: {  	(tag) =	ssettag $0x2  }
0x76: {  	s0 =	rddreg [dreg:$0x0];
	s2 =	stileid.u32  }
0x77: {  	s1 =	rddreg [dreg:$0x1];
	p0 =	sne.s32 s2, $0x0  }
0x78: {  	s3 =	rddreg [dreg:$0x2];
	[bflag:$0x3] =	sbarrier.arrive $0xFFFF;
	s2 =	simm.s32 @!p0 $0x1C02  }
0x79: {  	[timem:s3], [sflag:s2] =	dma.local @!p0 [hbm:s0], s1  }
0x7a: {  	s0 =	simm.s32 @!p0 $0x2  }
0x7b: {  	_ =	swait.ge @!p0 [sflag:s0], s1  }
0x7c: {  	s1 =	ssub.s32 @!p0 $0x0, s1;
	[sflag:s0] =	ssyncset.done @!p0 $0x0  }
0x7d: {  	[sflag:s0] =	ssyncadd.s32 @!p0 s1  }
0x7e: {  	[bflag:$0x3] =	sbarrier.arrive $0xFFFF  }
0x7f: {  	_ =	shalt  }

// kernel: kernel.9.cloned.1.call-start
scs
__scs_entry_jumppad:
0x0: {  	(pc) =	sbr.rel $0x88, $3  }
0x1: {  	(tag) =	ssettag $0x0;
	lr =	simm.s32 $0x1  }
0x2: {  	[smem:$0x3F9B] =	sst lr;
	_ =	strace $0xD0000000  }
0x3: {  	_ = 	snop  }
0x4: {  	_ = 	snop  }
0x5: {  	_ = 	snop  }
0x6: {  	_ = 	snop  }
0x7: {  	_ = 	snop  }
__scs_overlays_trampoline_lowered:
0x8: {  	[smem:$0x3FAA] =	sst s0  }
0x9: {  	[smem:$0x3FAB] =	sst s1  }
0xa: {  	[smem:$0x3FAC] =	sst s2  }
0xb: {  	[smem:$0x3FAD] =	sst s3  }
0xc: {  	[smem:$0x3FAE] =	sst s4  }
0xd: {  	[smem:$0x3FAF] =	sst s5  }
0xe: {  	[smem:$0x3FB0] =	sst s6  }
0xf: {  	[smem:$0x3FB1] =	sst s7  }
0x10: {  	[smem:$0x3FB2] =	sst s8  }
0x11: {  	[smem:$0x3FB3] =	sst s9;
	s0 =	simm.s32 @!p0 $0x0  }
0x12: {  	s1 =	sld [smem:$0x3F99];
	s0 =	simm.s32 @p0 $0x1  }
0x13: {  	[smem:$0x3FB4] =	sst s0;
	s0 =	simm.s32 @!p1 $0x0  }
0x14: {  	s2 =	sld [smem:$0x3F98];
	s0 =	simm.s32 @p1 $0x1  }
0x15: {  	[smem:$0x3FB5] =	sst s0;
	s0 =	simm.s32 @!p2 $0x0  }
0x16: {  	s3 =	sld [smem:$0x3FDB];
	s0 =	simm.s32 @p2 $0x1  }
0x17: {  	s4 =	simm.s32 $0x1BF5;
	[smem:$0x3FB7] =	sst s0  }
0x18: {  	s0 =	sld [smem:$0x3F9A];
	_ =	swait.ge [sflag:s4], $0x0  }
0x19: {  	s7 =	sld [smem:$0x3F9B]  }
0x1a: {  	s8 =	sadd.s32 $0xFFFFE003, lr  }
0x1b: {  	s9 =	sadd.s32 $0xFFFFFEF7, lr;
	s5 =	simm.s32 $0xFFFFFFFF;
	p2 =	slt.u32 s8, $0xFFFFF086  }
0x1c: {  	p1 =	slt.u32 s9, $0xF7A;
	s5 =	simm.s32 @!p2 $0x0  }
0x1d: {  	s5 =	simm.s32 @p1 $0x1;
	p0 =	seq.s32 s7, s2  }
0x1e: {  	s7 =	smul.u32 @!p0 $0xF7A, s2;
	p2 =	seq.s32 @!p0 s5, $0x0  }
0x1f: {  	s9 =	smul.u32 $0xF7A, s1;
	s8 =	simm.s32 @!p0 $0x1BF5;
	p2 =	por !p2, p0  }
0x20: {  	[sflag:s8] =	ssyncset.s32 @!p0 $0xFFFFF086;
	s6 =	sadd.s32 @!p0 s3, s7;
	s7 =	simm.s32 @!p0 $0x108  }
0x21: {  	s3 =	sadd.s32 s3, s9;
	s6 =	sadd.s32 @!p0 $0x88, s6;
	s7 =	simm.s32 @p2 $0x1082  }
0x22: {  	[simem:s7], [sflag:s8] =	dma.local @!p0 [hbm:s6], $0xF7A  }
0x23: {  	s9 =	sor.u32 $0xD0000000, s2;
	s6 =	simm.s32 $0x108;
	_ =	swait.ge @!p0 [sflag:s8], $0x0  }
0x24: {  	s3 =	sadd.s32 $0x88, s3;
	s6 =	simm.s32 @!p1 $0x1082;
	[sflag:s4] =	ssyncset.s32 $0xFFFFF086  }
0x25: {  	[simem:s6], [sflag:s4] =	dma.local [hbm:s3], $0xF7A  }
0x26: {  	[smem:$0x3F9B] =	sst s1;
	(tag) =	ssettag s2;
	_ =	strace s9  }
0x27: {  	s1 =	sld [smem:$0x3FAB]  }
0x28: {  	s2 =	sld [smem:$0x3FAC]  }
0x29: {  	s4 =	sld [smem:$0x3FAE]  }
0x2a: {  	p0 =	seq.s32 s5, $0x0;
	s5 =	sld [smem:$0x3FAF]  }
0x2b: {  	s6 =	sld [smem:$0x3FB0]  }
0x2c: {  	s7 =	sld [smem:$0x3FB1]  }
0x2d: {  	s3 =	simm.s32 $0x108;
	s8 =	sld [smem:$0x3FB2]  }
0x2e: {  	s3 =	simm.s32 @!p0 $0x1082;
	s9 =	sld [smem:$0x3FB3]  }
0x2f: {  	lr =	sadd.s32 s0, s3;
	s0 =	sld [smem:$0x3FAA]  }
0x30: {  	s3 =	sld [smem:$0x3FAD]  }
0x31: {  	[smem:$0x3FB6] =	sst s10  }
0x32: {  	s10 =	sld [smem:$0x3FB4];
	_ =	sdelay $0x3  }
0x33: {  	p0 =	seq.s32 s10, $0x1;
	s10 =	sld [smem:$0x3FB6];
	_ =	sdelay $0x3  }
0x34: {  	[smem:$0x3FB6] =	sst s10  }
0x35: {  	s10 =	sld [smem:$0x3FB5];
	_ =	sdelay $0x3  }
0x36: {  	p1 =	seq.s32 s10, $0x1;
	s10 =	sld [smem:$0x3FB6];
	_ =	sdelay $0x3  }
0x37: {  	[smem:$0x3FB6] =	sst s10  }
0x38: {  	s10 =	sld [smem:$0x3FB7]  }
0x39: {  	_ = 	snop;
	(pc) =	sbr.ind lr, $3  }
0x3a: {  	_ = 	snop  }
0x3b: {  	_ = 	snop  }
0x3c: {  	p2 =	seq.s32 s10, $0x1;
	s10 =	sld [smem:$0x3FB6]  }
0x3d: {  	_ =	shalt  }
0x3e: {  	_ =	shalt  }
0x3f: {  	_ =	shalt  }
0x40: {  	_ =	shalt  }
0x41: {  	_ =	shalt  }
0x42: {  	_ =	shalt  }
0x43: {  	_ =	shalt  }
0x44: {  	_ =	shalt  }
0x45: {  	_ =	shalt  }
0x46: {  	_ =	shalt  }
0x47: {  	_ =	shalt  }
0x48: {  	_ =	shalt  }
0x49: {  	_ =	shalt  }
0x4a: {  	_ =	shalt  }
0x4b: {  	_ =	shalt  }
0x4c: {  	_ =	shalt  }
0x4d: {  	_ =	shalt  }
0x4e: {  	_ =	shalt  }
0x4f: {  	_ =	shalt  }
0x50: {  	_ =	shalt  }
0x51: {  	_ =	shalt  }
0x52: {  	_ =	shalt  }
0x53: {  	_ =	shalt  }
0x54: {  	_ =	shalt  }
0x55: {  	_ =	shalt  }
0x56: {  	_ =	shalt  }
0x57: {  	_ =	shalt  }
0x58: {  	_ =	shalt  }
0x59: {  	_ =	shalt  }
0x5a: {  	_ =	shalt  }
0x5b: {  	_ =	shalt  }
0x5c: {  	_ =	shalt  }
0x5d: {  	_ =	shalt  }
0x5e: {  	_ =	shalt  }
0x5f: {  	_ =	shalt  }
0x60: {  	_ =	shalt  }
0x61: {  	_ =	shalt  }
0x62: {  	_ =	shalt  }
0x63: {  	_ =	shalt  }
0x64: {  	_ =	shalt  }
0x65: {  	_ =	shalt  }
0x66: {  	_ =	shalt  }
0x67: {  	_ =	shalt  }
0x68: {  	_ =	shalt  }
0x69: {  	_ =	shalt  }
0x6a: {  	_ =	shalt  }
0x6b: {  	_ =	shalt  }
0x6c: {  	_ =	shalt  }
0x6d: {  	_ =	shalt  }
0x6e: {  	_ =	shalt  }
0x6f: {  	_ =	shalt  }
0x70: {  	_ =	shalt  }
0x71: {  	_ =	shalt  }
0x72: {  	_ =	shalt  }
0x73: {  	_ =	shalt  }
0x74: {  	_ =	shalt  }
0x75: {  	_ =	shalt  }
0x76: {  	_ =	shalt  }
0x77: {  	_ =	shalt  }
0x78: {  	_ =	shalt  }
0x79: {  	_ =	shalt  }
0x7a: {  	_ =	shalt  }
0x7b: {  	_ =	shalt  }
0x7c: {  	_ =	shalt  }
0x7d: {  	_ =	shalt  }
0x7e: {  	_ =	shalt  }
0x7f: {  	_ =	shalt  }
0x80: {  	_ =	shalt  }
0x81: {  	_ =	shalt  }
0x82: {  	_ =	shalt  }
0x83: {  	_ =	shalt  }
0x84: {  	_ =	shalt  }
0x85: {  	_ =	shalt  }
0x86: {  	_ =	shalt  }
0x87: {  	_ =	shalt  }
.Lfunc_end0:
.L_simem_size_0:
called_computation_lowered:
.L_overlay_start_0:
0x88: {  	s2 =	sld [smem:$0x3FD9]  }
0x89: {  	s3 =	sld [smem:$0x3FFE];
	_ =	sdelay $0x1  }
0x8a: {  	s1 =	srdreg.scid  }
0x8b: {  	s0 =	sand.u32 $0x1, s1  }
0x8c: {  	s16 =	sshll.u32 s0, $0xA;
	s2 =	sadd.s32 s3, s2  }
0x8d: {  	s2 =	sadd.s32 s2, s16  }
0x8e: {  	[smem:$0x3FC2] =	sst s2  }
0x8f: {  	_ = 	snop  }
0x90: {  	(tm) =	ssettm $0x1  }
0x91: {  	s17 =	sld [smem:$0x3FFB];
	_ =	sdelay $0x3  }
0x92: {  	_ =	strace s17  }
0x93: {  	s2 =	sld [smem:$0x3FFC];
	_ =	sdelay $0x3  }
0x94: {  	_ =	strace s2  }
0x95: {  	s2 =	sld [smem:$0x3FFD];
	_ =	sdelay $0x3  }
0x96: {  	_ =	strace s2  }
0x97: {  	_ =	strace $0x8FFFFFFF  }
0x98: {  	s18 =	sld [smem:$0x3FDB];
	_ =	sdelay $0x1  }
0x99: {  	s19 =	simm.s32 $_scs_section_size  }
0x9a: {  	s4 =	simm.s32 $_size__tile_overlayer_lowered;
	s5 =	simm.s32 $_tile_overlayer_lowered  }
0x9b: {  	s22 =	simm.s32 $0x1BFF;
	s21 =	sshll.u32 s5, $0x1;
	s2 =	sadd.s32 s19, s18  }
0x9c: {  	s6 =	simm.s32 $0x0;
	s20 =	sshll.u32 s4, $0x1;
	s4 =	sadd.s32 s21, s2  }
0x9d: {  	[timem:s6], [sflag:s22] =	dma.local [hbm:s4], s20  }
0x9e: {  	_ =	swait.ge [sflag:s22], s20  }
0x9f: {  	s3 =	ssub.s32 $0x0, s20;
	[sflag:s22] =	ssyncset.done $0x0  }
0xa0: {  	[sflag:s22] =	ssyncadd.s32 s3;
	_ =	sdelay $0x1  }
0xa1: {  	s23 =	simm.s32 $0x1B8B  }
0xa2: {  	_ =	swait.ge [sflag:s23], $0x1  }
0xa3: {  	[sflag:s23] =	ssyncset.done $0x0  }
0xa4: {  	s25 =	simm.s32 $0x1B8E;
	s24 =	sld [smem:$0x3FFE];
	[sflag:s23] =	ssyncadd.s32 $0xFFFFFFFF  }
0xa5: {  	s26 =	simm.s32 $execute0_lowered;
	[smem:$0x3FD2] =	sst s25  }
0xa6: {  	s4 =	sshll.u32 s26, $0x1;
	_ =	strace $0x80000046;
	[dreg:$0x1] =	wrdreg $0xFFFFFFFF  }
0xa7: {  	s28 =	simm.s32 $_size_execute0_lowered;
	s2 =	sadd.s32 s2, s4;
	[dreg:$0x0] =	wrdreg $0x0  }
0xa8: {  	s4 =	sshll.u32 s28, $0x1;
	[dreg:$0x2] =	wrdreg s2  }
0xa9: {  	[dreg:$0x3] =	wrdreg s4  }
0xaa: {  	[dreg:$0x4] =	wrdreg $0xC0  }
0xab: {  	_ =	task [dreg:s6], $0x5FFFF  }
0xac: {  	[dreg:$0x1] =	wrdreg $0xFFFFFFFF  }
0xad: {  	[dreg:$0x0] =	wrdreg $0x60  }
0xae: {  	[dreg:$0x2] =	wrdreg s24  }
0xaf: {  	[dreg:$0x3] =	wrdreg $0x2B000  }
0xb0: {  	[dreg:$0x4] =	wrdreg $0x9  }
0xb1: {  	_ =	task.clear_ibuf [dreg:s6], $0x5FFFF;
	_ =	strace $0x90000046  }
0xb2: {  	s29 =	simm.s32 $0x9;
	_ =	strace $0x80000048  }
0xb3: {  	_ =	swait.ge [sflag:s29], $0x1  }
0xb4: {  	[sflag:s29] =	ssyncadd.s32 $0xFFFFFFFF  }
0xb5: {  	_ =	strace $0x90000048  }
0xb6: {  	_ =	sfence  }
0xb7: {  	s30 =	sld [smem:$0x0];
	_ =	sdelay $0x2  }
0xb8: {  	s31 =	sshll.u32 s1, $0xD;
	s1 =	sshrl.u32 s1, $0x2  }
0xb9: {  	s3 =	sand.u32 $0x4000, s31;
	s1 =	sadd.s32 s1, s30  }
0xba: {  	s0 =	sor.u32 s3, s0;
	s1 =	sshll.u32 s1, $0x11  }
0xbb: {  	s0 =	sor.u32 s1, s0  }
0xbc: {  	s0 =	sadd.s32 $0x8F2B, s0  }
0xbd: {  	[sflag:s0] =	ssyncadd.remote.s32 $0x1  }
0xbe: {  	_ =	sfence.sel $0xFFFF  }
0xbf: {  	[dreg:$0x0] =	wrdreg $0xFFFFFFFF;
	(pc) =	sbr.abs _section_cstart, $3  }
0xc0: {  	[dreg:$0x1] =	wrdreg $0xFFFFFFFF  }
0xc1: {  	_ =	task.clear_ibuf [dreg:s6], $0x2FFFF;
	_ =	strace $0x9FFFFFFF  }
0xc2: {  	(tm) =	ssettm $0x7FFFFFFF  }
0xc3: {  	_ =	shalt  }
tec
execute0_lowered:
.L_overlay_start_1:
0x0: {  	(tag) =	ssettag $0x1  }
0x1: {  	s5 =	rddreg [dreg:$0x0]  }
0x2: {  	s1 =	rddreg [dreg:$0x1];
	s2 =	srdreg.scid  }
0x3: {  	s0 =	rddreg [dreg:$0x2];
	s3 =	simm.s32 $0x0;
	s10 =	simm.s32 $0x80  }
0x4: {  	s11 =	simm.s32 $0x2800;
	s12 =	simm.s32 $0x1;
	s4 =	sand.u32 $0x1, s2  }
0x5: {  	s13 =	simm.s32 $0x0;
	s2 =	stileid.u32;
	s6 =	sshll.u32 s4, $0x4  }
0x6: {  	s7 =	ssub.s32 $0x2, s4;
	s8 =	smul.u32 $0x280, s2;
	s6 =	sor.u32 s2, s6  }
0x7: {  	[smem:$0x7FF] =	sst s3;
	s9 =	sshrl.u32 s7, $0x1;
	s6 =	smul.u32 $0x2800, s6  }
0x8: {  	_ =	strace $0x80000047;
	p0 =	seq.s32 s4, $0x1;
	s7 =	ssub.s32 s7, s9  }
0x9: {  	s9 =	simm.s32 $0x17C00;
	s4 =	sadd.s32 s8, s1;
	s6 =	sshrl.u32 s6, $0x3  }
0xa: {  	s8 =	sshrl.u32 s8, $0x3;
	s9 =	simm.s32 @!p0 $0x17600;
	s6 =	sadd.s32 s5, s6  }
0xb: {  	s9 =	sadd.s32 s9, s5;
	s5 =	sadd.s32 $0xD600, s6;
	s6 =	smax.u32 s7, $0x1  }
0xc: {  	v0 =	vimm.f32 $1.000000000e+00;
	v1 =	vimm.f32 $0.0e+00;
	s7 =	sadd.s32 s9, s8;
	s8 =	simm.s32 $0x2880;
	s9 =	simm.s32 $0x2  }
.LBB2_1:
0xd: {  	[tilespmem:$0x2800] =	vst v0  }
0xe: {  	[tilespmem:$0x2810] =	vst v0  }
0xf: {  	[tilespmem:$0x2820] =	vst v0  }
0x10: {  	[tilespmem:$0x2830] =	vst v0  }
0x11: {  	[tilespmem:$0x2840] =	vst v0  }
0x12: {  	[tilespmem:$0x2850] =	vst v0  }
0x13: {  	[tilespmem:$0x2860] =	vst v0  }
0x14: {  	[tilespmem:$0x2870] =	vst v0  }
0x15: {  	[tilespmem:$0x2880] =	vst v1  }
0x16: {  	[tilespmem:$0x2890] =	vst v1  }
0x17: {  	[tilespmem:$0x28A0] =	vst v1  }
0x18: {  	[tilespmem:$0x28B0] =	vst v1  }
0x19: {  	[tilespmem:$0x28C0] =	vst v1  }
0x1a: {  	[tilespmem:$0x28D0] =	vst v1  }
0x1b: {  	[tilespmem:$0x28E0] =	vst v1  }
0x1c: {  	[tilespmem:$0x28F0] =	vst v1  }
0x1d: {  	[tilespmem:$0x2900] =	vst v1  }
0x1e: {  	[tilespmem:$0x2910] =	vst v1  }
0x1f: {  	[tilespmem:$0x2920] =	vst v1  }
0x20: {  	[tilespmem:$0x2930] =	vst v1  }
0x21: {  	[tilespmem:$0x2940] =	vst v1  }
0x22: {  	[tilespmem:$0x2950] =	vst v1  }
0x23: {  	[tilespmem:$0x2960] =	vst v1  }
0x24: {  	[tilespmem:$0x2970] =	vst v1  }
0x25: {  	[tilespmem:$0x2980] =	vst v1  }
0x26: {  	[tilespmem:$0x2990] =	vst v1  }
0x27: {  	[tilespmem:$0x29A0] =	vst v1  }
0x28: {  	[tilespmem:$0x29B0] =	vst v1  }
0x29: {  	[tilespmem:$0x29C0] =	vst v1  }
0x2a: {  	[tilespmem:$0x29D0] =	vst v1  }
0x2b: {  	[tilespmem:$0x29E0] =	vst v1  }
0x2c: {  	[tilespmem:$0x29F0] =	vst v1  }
0x2d: {  	[tilespmem:$0x2A00] =	vst v1  }
0x2e: {  	[tilespmem:$0x2A10] =	vst v1  }
0x2f: {  	[tilespmem:$0x2A20] =	vst v1  }
0x30: {  	[tilespmem:$0x2A30] =	vst v1  }
0x31: {  	[tilespmem:$0x2A40] =	vst v1  }
0x32: {  	[tilespmem:$0x2A50] =	vst v1  }
0x33: {  	[tilespmem:$0x2A60] =	vst v1  }
0x34: {  	[tilespmem:$0x2A70] =	vst v1  }
0x35: {  	[tilespmem:$0x2A80] =	vst v1  }
0x36: {  	[tilespmem:$0x2A90] =	vst v1  }
0x37: {  	[tilespmem:$0x2AA0] =	vst v1  }
0x38: {  	[tilespmem:$0x2AB0] =	vst v1  }
0x39: {  	[tilespmem:$0x2AC0] =	vst v1  }
0x3a: {  	[tilespmem:$0x2AD0] =	vst v1  }
0x3b: {  	[tilespmem:$0x2AE0] =	vst v1  }
0x3c: {  	[tilespmem:$0x2AF0] =	vst v1  }
0x3d: {  	[spmem:s4] =	stream.linear.scatter [tilespmem:s8], [sflag:$0x2], $0x280, $0x38;
	[tilespmem:$0x2D80] =	vst v63  }
0x3e: {  	_ =	swait.ge [sflag:s9], $0x280  }
0x3f: {  	[sflag:s9] =	ssyncset.done $0x0  }
0x40: {  	[sflag:s9] =	ssyncadd.s32 $0xFFFFFD80  }
0x41: {  	[bflag:$0x0] =	sbarrier.arrive $0xFFFF  }
0x42: {  	[tilespmem:s3], [sflag:$0x2] =	stream.linear.gather [hbm4b:s5+s3], $0x2800, $0x38;
	[tilespmem:$0x2D80] =	vst v63  }
0x43: {  	_ =	swait.ge [sflag:s9], $0x2800  }
0x44: {  	[sflag:s9] =	ssyncset.done $0x0  }
0x45: {  	s14 =	simm.s32 $0x0;
	[sflag:s9] =	ssyncadd.s32 $0xFFFFD800  }
.LBB2_2:
0x46: {  	p0 =	sne.s32 s14, $0x9E00  }
.Ltmp0:
0x47: {  	_ = 	snop;
	(pc) =	sbr.rel @p0 .LBB2_2-.Ltmp0, $3  }
0x48: {  	_ =	sdelay $0x1  }
0x49: {  	s15 =	sshra.s32 s14, $0x2;
	s14 =	sadd.s32 $0x200, s14  }
0x4a: {  	[spmem:s1] =	stream.indirect.scatter.add.f32 [tilespmem:s11], [sflag:$0x1], $0x1, s15, s10, $0xb8;
	[tilespmem:$0x2D80] =	vst v63  }
0x4b: {  	_ =	swait.ge [sflag:s12], $0x80  }
0x4c: {  	s14 =	simm.s32 $0x4F;
	[sflag:s12] =	ssyncset.done $0x0  }
.LBB2_4:
0x4d: {  	p0 =	sne.s32 s14, $0x1;
	s14 =	sadd.s32 $0xFFFFFFFF, s14;
	[sflag:s12] =	ssyncadd.s32 $0xFFFFFF80  }
.Ltmp1:
0x4e: {  	(pc) =	sbr.rel @p0 .LBB2_4-.Ltmp1, $3  }
0x4f: {  	_ =	sdelay $0x1  }
0x50: {  	_ =	swait.ge [sflag:s12], $0x80  }
0x51: {  	[sflag:s12] =	ssyncset.done $0x0  }
0x52: {  	[sflag:s12] =	ssyncadd.s32 $0xFFFFFF80  }
0x53: {  	[bflag:$0x0] =	sbarrier.arrive $0xFFFF  }
0x54: {  	[tilespmem:s8], [sflag:$0x2] =	stream.linear.gather [spmem:s4], $0x280, $0x38;
	[tilespmem:$0x2D80] =	vst v63  }
0x55: {  	s13 =	sadd.s32 $0x1, s13;
	_ =	swait.ge [sflag:s9], $0x280  }
0x56: {  	p0 =	sne.s32 s13, s6;
	[sflag:s9] =	ssyncset.done $0x0  }
.Ltmp2:
0x57: {  	[sflag:s9] =	ssyncadd.s32 $0xFFFFFD80;
	(pc) =	sbr.rel @p0 .LBB2_1-.Ltmp2, $4  }
0x58: {  	[hbm4b:s7+s3] =	stream.linear.scatter [tilespmem:s8], [sflag:$0x2], $0x280, $0x38;
	[tilespmem:$0x2D80] =	vst v63  }
0x59: {  	_ =	swait.ge [sflag:s9], $0x280  }
0x5a: {  	[sflag:s9] =	ssyncset.done $0x0  }
0x5b: {  	[sflag:s9] =	ssyncadd.s32 $0xFFFFFD80  }
0x5c: {  	_ =	sfence.sel $0x180000  }
0x5d: {  	[bflag:$0x0] =	sbarrier.arrive $0xFFFF  }
0x5e: {  	p0 =	sne.s32 s2, $0x0;
	_ =	strace $0x90000047  }
0x5f: {  	s0 =	sadd.s32 @!p0 $0x100000, s0;
	[bflag:$0x2] =	sbarrier.arrive $0xFFFF  }
0x60: {  	[sflag:s0] =	ssyncadd.tile.s32 @!p0 $0x1;
	_ =	shalt  }
.Lfunc_end2:
_tile_overlayer_lowered:
.L_overlay_start_2:
0x61: {  	(tag) =	ssettag $0x2  }
0x62: {  	s0 =	rddreg [dreg:$0x0];
	s2 =	stileid.u32  }
0x63: {  	s1 =	rddreg [dreg:$0x1];
	p0 =	sne.s32 s2, $0x0  }
0x64: {  	s3 =	rddreg [dreg:$0x2];
	[bflag:$0x3] =	sbarrier.arrive $0xFFFF;
	s2 =	simm.s32 @!p0 $0x1C02  }
0x65: {  	[timem:s3], [sflag:s2] =	dma.local @!p0 [hbm:s0], s1  }
0x66: {  	s0 =	simm.s32 @!p0 $0x2  }
0x67: {  	_ =	swait.ge @!p0 [sflag:s0], s1  }
0x68: {  	s1 =	ssub.s32 @!p0 $0x0, s1;
	[sflag:s0] =	ssyncset.done @!p0 $0x0  }
0x69: {  	[sflag:s0] =	ssyncadd.s32 @!p0 s1  }
0x6a: {  	[bflag:$0x3] =	sbarrier.arrive $0xFFFF  }
0x6b: {  	_ =	shalt  }

</sc_bundles>
